<compile_context>
chip_gen: v7x
topology: tpu7x:2x2x1
jax: 0.10.2.dev20260603
libtpu: 0.0.44.dev20260713+nightly
codegen_flags: <defaults>
</compile_context>

<pallas_src>
import functools

import jax
import jax.numpy as jnp
from jax import lax
from jax.experimental import pallas as pl
from jax.experimental.pallas import tpu as pltpu
from jax.experimental.pallas import tpu_sc as plsc

F32 = jnp.float32
BF16 = jnp.bfloat16
I32 = jnp.int32
NC = 2
NS = 16
L = 16

EBLK = 8000


def _bf16_bits(x):
    return lax.bitcast_convert_type(x.astype(BF16), jnp.uint16).astype(I32)



def _pq_body(x_ref, wp_ref, wq_ref, p_ref, q_ref):
    x = x_ref[...]
    h = x.shape[1] // 2

    def packc(m):
        return lax.shift_left(_bf16_bits(m[:, h:]), 16) | _bf16_bits(m[:, :h])
    p_ref[...] = packc(jnp.dot(x, wp_ref[...], preferred_element_type=F32))
    q_ref[...] = packc(jnp.dot(x, wq_ref[...], preferred_element_type=F32))


def _edge_body(ef_ref, we_ref, b_ref, e_ref):
    half = EBLK // 2
    ea = jnp.dot(ef_ref[...].astype(BF16), we_ref[...],
                 preferred_element_type=F32) + b_ref[...]
    e_ref[...] = lax.shift_left(_bf16_bits(ea[half:]), 16) \
        | _bf16_bits(ea[:half])


def _post_body(x_ref, hp_ref, dp_ref, w2_ref, b2_ref, wua_ref, wub_ref,
               bu1_ref, wu2_ref, bu2_ref, g_ref, be_ref, o_ref):
    x = x_ref[...]
    hsum = hp_ref[0] + hp_ref[1]
    deg = dp_ref[0][:, 0:1] + dp_ref[1][:, 0:1]
    agg = jnp.dot(hsum, w2_ref[...], preferred_element_type=F32) \
        + deg * b2_ref[...]
    u1 = jnp.maximum(
        jnp.dot(x, wua_ref[...], preferred_element_type=F32)
        + jnp.dot(agg, wub_ref[...], preferred_element_type=F32)
        + bu1_ref[...], 0.0)
    upd = jnp.dot(u1, wu2_ref[...], preferred_element_type=F32) + bu2_ref[...]
    y = x + upd
    mu = jnp.mean(y, axis=-1, keepdims=True)
    var = jnp.mean((y - mu) ** 2, axis=-1, keepdims=True)
    o_ref[...] = (y - mu) * lax.rsqrt(var + 1e-5) * g_ref[...] + be_ref[...]



def _make_sc_edge_kernel(n_nodes, n_edges, hid):
    nw = NC * NS
    npk = n_edges // 2
    rows_pt = npk // nw
    B = 20
    KC = 50
    n_ss = rows_pt // (KC * B)
    pairs = KC // 2
    rpt = n_nodes // NS
    B2 = 2 * B
    hw = hid // 2
    mask_hi = jnp.int32(-65536)

    def body(p_hbm, q_hbm, e_hbm, dst_hbm, src_hbm,
             h_out, d_out,
             h_sh, d_sh,
             dbuf, sbuf,
             pr0, qr0, er0, pr1, qr1, er1,
             hr0, hr1,
             ones_v, zd,
             sp0, sq0, se0, sp1, sq1, se1,
             shh0, shd0, shh1, shd1):
        cid = lax.axis_index("c")
        sid = lax.axis_index("s")
        wid = cid * NS + sid

        zero16 = jnp.zeros((L,), F32)
        ones16 = jnp.ones((L,), F32)

        def fill(i, c):
            for j in range(hid // L):
                hr0[i, pl.ds(j * L, L)] = zero16
            zd[i, pl.ds(0, L)] = zero16
            ones_v[i, pl.ds(0, L)] = ones16
            return c
        lax.fori_loop(0, B2, fill, 0)

        nfull = rpt // B2
        rem = rpt - nfull * B2
        for t in range(nfull):
            pltpu.sync_copy(hr0, h_sh.at[pl.ds(sid * rpt + t * B2, B2)])
            pltpu.sync_copy(zd, d_sh.at[pl.ds(sid * rpt + t * B2, B2)])
        if rem:
            pltpu.sync_copy(hr0.at[pl.ds(0, rem)],
                            h_sh.at[pl.ds(sid * rpt + nfull * B2, rem)])
            pltpu.sync_copy(zd.at[pl.ds(0, rem)],
                            d_sh.at[pl.ds(sid * rpt + nfull * B2, rem)])
        plsc.subcore_barrier()

        sets = ((pr0, qr0, er0, hr0, sp0, sq0, se0, shh0, shd0),
                (pr1, qr1, er1, hr1, sp1, sq1, se1, shh1, shd1))

        def issue_gather(row_base, c, bset):
            pr, qr, er, hr, sp, sq, se, shh, shd = bset
            pltpu.async_copy(p_hbm.at[dbuf.at[c]], pr, sp)
            pltpu.async_copy(q_hbm.at[sbuf.at[c]], qr, sq)
            pltpu.async_copy(e_hbm.at[pl.ds(row_base + c * B, B)], er, se)

        def wait_gather(bset):
            pr, qr, er, hr, sp, sq, se, shh, shd = bset
            pltpu.make_async_copy(p_hbm.at[pl.ds(0, B2)], pr, sp).wait()
            pltpu.make_async_copy(q_hbm.at[pl.ds(0, B2)], qr, sq).wait()
            pltpu.make_async_copy(e_hbm.at[pl.ds(0, B)], er, se).wait()

        def issue_scatter(c, bset):
            pr, qr, er, hr, sp, sq, se, shh, shd = bset
            pltpu.async_copy(hr, h_sh.at[dbuf.at[c]], shh, add=True)
            pltpu.async_copy(ones_v, d_sh.at[dbuf.at[c]], shd, add=True)

        def wait_scatter(bset):
            pr, qr, er, hr, sp, sq, se, shh, shd = bset
            pltpu.make_async_copy(hr, h_sh.at[pl.ds(0, B2)], shh).wait()
            pltpu.make_async_copy(ones_v, d_sh.at[pl.ds(0, B2)], shd).wait()

        def split(w):
            lo = lax.bitcast_convert_type(lax.shift_left(w, 16), F32)
            hi = lax.bitcast_convert_type(lax.bitwise_and(w, mask_hi), F32)
            return lo, hi

        def compute(bset):
            pr, qr, er, hr, sp, sq, se, shh, shd = bset

            def row(rr, cc):
                for t in range(4):
                    sl = pl.ds(t * L, L)
                    sh = pl.ds(hw + t * L, L)
                    pll, plh = split(pr[rr, sl])
                    phl, phh = split(pr[B + rr, sl])
                    qll, qlh = split(qr[rr, sl])
                    qhl, qhh = split(qr[B + rr, sl])
                    eal, eah = split(er[rr, sl])
                    ebl, ebh = split(er[rr, sh])
                    hr[rr, sl] = jnp.maximum(pll + qll + eal, 0.0)
                    hr[rr, sh] = jnp.maximum(plh + qlh + ebl, 0.0)
                    hr[B + rr, sl] = jnp.maximum(phl + qhl + eah, 0.0)
                    hr[B + rr, sh] = jnp.maximum(phh + qhh + ebh, 0.0)
                return cc
            lax.fori_loop(0, B, row, 0)

        def superstep(s, c):
            row_base = wid * rows_pt + s * KC * B
            idx_row = wid * (rows_pt // B) + s * KC
            pltpu.sync_copy(dst_hbm.at[pl.ds(idx_row, KC)], dbuf)
            pltpu.sync_copy(src_hbm.at[pl.ds(idx_row, KC)], sbuf)
            issue_gather(row_base, 0, sets[0])
            issue_gather(row_base, 1, sets[1])

            def pair(i, cc):
                for b in (0, 1):
                    ch = 2 * i + b
                    wait_gather(sets[b])

                    @pl.when(i > 0)
                    def _():
                        wait_scatter(sets[b])
                    compute(sets[b])
                    issue_scatter(ch, sets[b])

                    @pl.when(i < pairs - 1)
                    def _():
                        issue_gather(row_base, ch + 2, sets[b])
                return cc
            lax.fori_loop(0, pairs, pair, 0)
            wait_scatter(sets[0])
            wait_scatter(sets[1])
            return c
        lax.fori_loop(0, n_ss, superstep, 0)

        plsc.subcore_barrier()
        pltpu.sync_copy(h_sh.at[pl.ds(sid * rpt, rpt)],
                        h_out.at[cid, pl.ds(sid * rpt, rpt)])
        pltpu.sync_copy(d_sh.at[pl.ds(sid * rpt, rpt)],
                        d_out.at[cid, pl.ds(sid * rpt, rpt)])

    mesh = plsc.VectorSubcoreMesh(core_axis_name="c", subcore_axis_name="s")
    return pl.kernel(
        body,
        out_type=[
            jax.ShapeDtypeStruct((NC, n_nodes, hid), F32),
            jax.ShapeDtypeStruct((NC, n_nodes, L), F32),
        ],
        mesh=mesh,
        compiler_params=pltpu.CompilerParams(use_tc_tiling_on_sc=False),
        scratch_types=[
            pltpu.VMEM_SHARED((n_nodes, hid), F32),
            pltpu.VMEM_SHARED((n_nodes, L), F32),
            pltpu.VMEM((KC, B2), I32),
            pltpu.VMEM((KC, B2), I32),
            pltpu.VMEM((B2, hw), I32),
            pltpu.VMEM((B2, hw), I32),
            pltpu.VMEM((B, hid), I32),
            pltpu.VMEM((B2, hw), I32),
            pltpu.VMEM((B2, hw), I32),
            pltpu.VMEM((B, hid), I32),
            pltpu.VMEM((B2, hid), F32),
            pltpu.VMEM((B2, hid), F32),
            pltpu.VMEM((B2, L), F32),
            pltpu.VMEM((B2, L), F32),
            pltpu.SemaphoreType.DMA,
            pltpu.SemaphoreType.DMA,
            pltpu.SemaphoreType.DMA,
            pltpu.SemaphoreType.DMA,
            pltpu.SemaphoreType.DMA,
            pltpu.SemaphoreType.DMA,
            pltpu.SemaphoreType.DMA,
            pltpu.SemaphoreType.DMA,
            pltpu.SemaphoreType.DMA,
            pltpu.SemaphoreType.DMA,
        ],
    )



def kernel(node_features, edge_index, edge_features, mW1, mb1, mW2, mb2,
           uW1, ub1, uW2, ub2, gamma, beta):
    x = node_features
    n, hid = x.shape
    ne, edim = edge_features.shape
    src_flat = edge_index[0].astype(I32)
    dst_flat = edge_index[1].astype(I32)

    npk = ne // 2
    half = EBLK // 2
    nblk = ne // EBLK

    def remap(v):
        return v.reshape(nblk, 2, half // 20, 20).transpose(
            (0, 2, 1, 3)).reshape(npk // 20, 40)
    dstx = remap(dst_flat)
    srcx = remap(src_flat)

    wp = mW1[:hid]
    wq = mW1[hid:2 * hid]
    we = mW1[2 * hid:].astype(BF16)

    nb = 10
    bn = n // nb
    p, q = pl.pallas_call(
        _pq_body,
        grid=(nb,),
        in_specs=[
            pl.BlockSpec((bn, hid), lambda i: (i, 0)),
            pl.BlockSpec((hid, hid), lambda i: (0, 0)),
            pl.BlockSpec((hid, hid), lambda i: (0, 0)),
        ],
        out_specs=[
            pl.BlockSpec((bn, hid // 2), lambda i: (i, 0)),
            pl.BlockSpec((bn, hid // 2), lambda i: (i, 0)),
        ],
        out_shape=[
            jax.ShapeDtypeStruct((n, hid // 2), I32),
            jax.ShapeDtypeStruct((n, hid // 2), I32),
        ],
    )(x, wp, wq)

    e = pl.pallas_call(
        _edge_body,
        grid=(nblk,),
        in_specs=[
            pl.BlockSpec((EBLK, edim), lambda i: (i, 0)),
            pl.BlockSpec((edim, hid), lambda i: (0, 0)),
            pl.BlockSpec((1, hid), lambda i: (0, 0)),
        ],
        out_specs=pl.BlockSpec((half, hid), lambda i: (i, 0)),
        out_shape=jax.ShapeDtypeStruct((npk, hid), I32),
    )(edge_features, we, mb1.reshape(1, hid))

    hpart, dpart = _make_sc_edge_kernel(n, ne, hid)(p, q, e, dstx, srcx)

    out = pl.pallas_call(
        _post_body,
        grid=(nb,),
        in_specs=[
            pl.BlockSpec((bn, hid), lambda i: (i, 0)),
            pl.BlockSpec((NC, bn, hid), lambda i: (0, i, 0)),
            pl.BlockSpec((NC, bn, L), lambda i: (0, i, 0)),
            pl.BlockSpec((hid, hid), lambda i: (0, 0)),
            pl.BlockSpec((1, hid), lambda i: (0, 0)),
            pl.BlockSpec((hid, hid), lambda i: (0, 0)),
            pl.BlockSpec((hid, hid), lambda i: (0, 0)),
            pl.BlockSpec((1, hid), lambda i: (0, 0)),
            pl.BlockSpec((hid, hid), lambda i: (0, 0)),
            pl.BlockSpec((1, hid), lambda i: (0, 0)),
            pl.BlockSpec((1, hid), lambda i: (0, 0)),
            pl.BlockSpec((1, hid), lambda i: (0, 0)),
        ],
        out_specs=pl.BlockSpec((bn, hid), lambda i: (i, 0)),
        out_shape=jax.ShapeDtypeStruct((n, hid), F32),
    )(x, hpart, dpart, mW2, mb2.reshape(1, hid), uW1[:hid], uW1[hid:],
      ub1.reshape(1, hid), uW2, ub2.reshape(1, hid), gamma.reshape(1, hid),
      beta.reshape(1, hid))
    return out

# --- scband reference (transcript-rebuilt; emitter-appended) ---
"""Pipeline reference for scband-message-passing-layer-13709535609413 (READ-ONLY COPY).

The authoritative reference and input builder live on the scoring server;
editing this copy changes nothing except your own understanding.
"""

import jax, jax.numpy as jnp
import numpy as np

HIDDEN = 128
EDGE_DIM = 16
N_NODES = 10000
N_EDGES = 320000

def setup_inputs(seed: int = 0) -> dict:
    key = jax.random.key(seed)
    ks = jax.random.split(key, 12)
    node_features = jax.random.normal(ks[0], (N_NODES, HIDDEN), dtype=jnp.float32)
    edge_index = jax.random.randint(ks[1], (2, N_EDGES), 0, N_NODES, dtype=jnp.int64)
    edge_features = jax.random.normal(ks[2], (N_EDGES, EDGE_DIM), dtype=jnp.float32)
    d_in_msg = HIDDEN * 2 + EDGE_DIM
    mW1 = jax.random.normal(ks[3], (d_in_msg, HIDDEN), dtype=jnp.float32) * (1.0 / np.sqrt(d_in_msg))
    mb1 = jnp.zeros((HIDDEN,), dtype=jnp.float32)
    mW2 = jax.random.normal(ks[4], (HIDDEN, HIDDEN), dtype=jnp.float32) * (1.0 / np.sqrt(HIDDEN))
    mb2 = jnp.zeros((HIDDEN,), dtype=jnp.float32)
    d_in_upd = HIDDEN * 2
    uW1 = jax.random.normal(ks[5], (d_in_upd, HIDDEN), dtype=jnp.float32) * (1.0 / np.sqrt(d_in_upd))
    ub1 = jnp.zeros((HIDDEN,), dtype=jnp.float32)
    uW2 = jax.random.normal(ks[6], (HIDDEN, HIDDEN), dtype=jnp.float32) * (1.0 / np.sqrt(HIDDEN))
    ub2 = jnp.zeros((HIDDEN,), dtype=jnp.float32)
    gamma = jnp.ones((HIDDEN,), dtype=jnp.float32)
    beta = jnp.zeros((HIDDEN,), dtype=jnp.float32)
    return {"node_features": node_features, "edge_index": edge_index, "edge_features": edge_features,
            "mW1": mW1, "mb1": mb1, "mW2": mW2, "mb2": mb2,
            "uW1": uW1, "ub1": ub1, "uW2": uW2, "ub2": ub2,
            "gamma": gamma, "beta": beta}

def _layer_norm(x, gamma, beta, eps=1e-5):
    mu = jnp.mean(x, axis=-1, keepdims=True)
    var = jnp.mean((x - mu) ** 2, axis=-1, keepdims=True)
    return (x - mu) / jnp.sqrt(var + eps) * gamma + beta

def reference(node_features, edge_index, edge_features, mW1, mb1, mW2, mb2, uW1, ub1, uW2, ub2, gamma, beta):
    num_nodes = node_features.shape[0]
    src_idx = edge_index[0]
    dst_idx = edge_index[1]
    h_src = jnp.take(node_features, src_idx, axis=0)
    h_dst = jnp.take(node_features, dst_idx, axis=0)
    msg_input = jnp.concatenate([h_dst, h_src, edge_features], axis=1)
    hidden = jax.nn.relu(msg_input @ mW1 + mb1)
    messages = hidden @ mW2 + mb2
    aggregated = jnp.zeros((num_nodes, messages.shape[1]), dtype=messages.dtype).at[dst_idx].add(messages)
    update_input = jnp.concatenate([node_features, aggregated], axis=1)
    upd_hidden = jax.nn.relu(update_input @ uW1 + ub1)
    updated = upd_hidden @ uW2 + ub2
    return _layer_norm(node_features + updated, gamma, beta)

if __name__ == "__main__":
    import jax
    _d = setup_inputs()
    print(jax.jit(kernel)(*tuple(_d.values())))

</pallas_src>

<mosaic_0001>
#map = affine_map<(d0, d1) -> (0, 0)>
#map1 = affine_map<(d0, d1) -> (0)>
#map2 = affine_map<(d0, d1) -> (0, 0, 0)>
module attributes {stable_mosaic.version = 14 : i64} {
  func.func @_rewritten_body(%arg0: i32, %arg1: i32, %arg2: memref<10000x64xi32, #tpu.memory_space<hbm>>, %arg3: memref<10000x64xi32, #tpu.memory_space<hbm>>, %arg4: memref<160000x128xi32, #tpu.memory_space<hbm>>, %arg5: memref<8000x40xi32, #tpu.memory_space<hbm>>, %arg6: memref<8000x40xi32, #tpu.memory_space<hbm>>, %arg7: memref<1xi32, #tpu.memory_space<hbm>>, %arg8: memref<2x10000x128xf32, #tpu.memory_space<hbm>>, %arg9: memref<2x10000x16xf32, #tpu.memory_space<hbm>>, %arg10: memref<10000x128xf32, #tpu.memory_space<vmem_shared>>, %arg11: memref<10000x16xf32, #tpu.memory_space<vmem_shared>>, %arg12: memref<50x40xi32, #tpu.memory_space<vmem>>, %arg13: memref<50x40xi32, #tpu.memory_space<vmem>>, %arg14: memref<40x64xi32, #tpu.memory_space<vmem>>, %arg15: memref<40x64xi32, #tpu.memory_space<vmem>>, %arg16: memref<20x128xi32, #tpu.memory_space<vmem>>, %arg17: memref<40x64xi32, #tpu.memory_space<vmem>>, %arg18: memref<40x64xi32, #tpu.memory_space<vmem>>, %arg19: memref<20x128xi32, #tpu.memory_space<vmem>>, %arg20: memref<40x128xf32, #tpu.memory_space<vmem>>, %arg21: memref<40x128xf32, #tpu.memory_space<vmem>>, %arg22: memref<40x16xf32, #tpu.memory_space<vmem>>, %arg23: memref<40x16xf32, #tpu.memory_space<vmem>>, %arg24: memref<!tpu.dma_semaphore, #tpu.memory_space<semaphore_mem>>, %arg25: memref<!tpu.dma_semaphore, #tpu.memory_space<semaphore_mem>>, %arg26: memref<!tpu.dma_semaphore, #tpu.memory_space<semaphore_mem>>, %arg27: memref<!tpu.dma_semaphore, #tpu.memory_space<semaphore_mem>>, %arg28: memref<!tpu.dma_semaphore, #tpu.memory_space<semaphore_mem>>, %arg29: memref<!tpu.dma_semaphore, #tpu.memory_space<semaphore_mem>>, %arg30: memref<!tpu.dma_semaphore, #tpu.memory_space<semaphore_mem>>, %arg31: memref<!tpu.dma_semaphore, #tpu.memory_space<semaphore_mem>>, %arg32: memref<!tpu.dma_semaphore, #tpu.memory_space<semaphore_mem>>, %arg33: memref<!tpu.dma_semaphore, #tpu.memory_space<semaphore_mem>>) attributes {dimension_semantics = [#tpu.dimension_semantics<core_parallel>, #tpu.dimension_semantics<subcore_parallel>], iteration_bounds = array<i64: 2, 16>, scalar_prefetch = 0 : i64, scratch_operands = 24 : i64, tpu.core_type = #tpu.core_type<sc_vector_subcore>, window_params = [{transform_indices = #map}, {transform_indices = #map}, {transform_indices = #map}, {transform_indices = #map}, {transform_indices = #map}, {transform_indices = #map1}, {transform_indices = #map2}, {transform_indices = #map2}]} {
    %empty_ref3A = memref.alloca() : memref<16xi32, #tpu.memory_space<vmem>>
    "tpu.region"() ({
      %run_scoped3A = tpu.sem_alloc : memref<!tpu.dma_semaphore, #tpu.memory_space<semaphore_mem>>
      %dma_start3A = arith.constant 0 : i32
      %dma_start3A_154 = tpu.memref_slice %empty_ref3A[%dma_start3A] : memref<16xi32, #tpu.memory_space<vmem>> -> memref<1xi32, #tpu.memory_space<vmem>>
      %dma_start3A_155 = arith.constant 0 : i32
      %dma_start3A_156 = tpu.memref_slice %empty_ref3A[%dma_start3A_155] : memref<16xi32, #tpu.memory_space<vmem>> -> memref<1xi32, #tpu.memory_space<vmem>>
      tpu.enqueue_dma source(%arg7 : memref<1xi32, #tpu.memory_space<hbm>>) target(%dma_start3A_156 : memref<1xi32, #tpu.memory_space<vmem>>) target_semaphore(%run_scoped3A : memref<!tpu.dma_semaphore, #tpu.memory_space<semaphore_mem>>)
      %dma_wait3A = arith.constant 0 : i32
      %dma_wait3A_157 = tpu.memref_slice %empty_ref3A[%dma_wait3A] : memref<16xi32, #tpu.memory_space<vmem>> -> memref<1xi32, #tpu.memory_space<vmem>>
      %dma_wait3A_158 = arith.constant 0 : i32
      %dma_wait3A_159 = tpu.memref_slice %empty_ref3A[%dma_wait3A_158] : memref<16xi32, #tpu.memory_space<vmem>> -> memref<1xi32, #tpu.memory_space<vmem>>
      tpu.wait_dma2 semaphore(%run_scoped3A : memref<!tpu.dma_semaphore, #tpu.memory_space<semaphore_mem>>) src(%arg7 : memref<1xi32, #tpu.memory_space<hbm>>) dst(%dma_wait3A_159 : memref<1xi32, #tpu.memory_space<vmem>>)
      tpu.yield
    }) : () -> ()
    %get3A = arith.constant 0 : index
    %get3A_0 = tpu.vector_load %empty_ref3A[%get3A] {strides = array<i32>} : memref<16xi32, #tpu.memory_space<vmem>>, vector<16xi32>,
    %get3A_1 = vector.shape_cast %get3A_0 : vector<16xi32> to vector<16xi32>
    %slice3A = vector.extract_strided_slice %get3A_1 {offsets = [0], sizes = [1], strides = [1]} : vector<16xi32> to vector<1xi32>
    %squeeze3A = vector.extract %slice3A[0] : i32 from vector<1xi32>
    %mul3A = arith.constant 16 : i32
    %mul3A_2 = arith.muli %arg0, %mul3A : i32
    %add3A = arith.addi %mul3A_2, %arg1 : i32
    %broadcast_in_dim3A = arith.constant 0.000000e+00 : f32
    %broadcast_in_dim3A_3 = vector.broadcast %broadcast_in_dim3A : f32 to vector<16xf32>
    %broadcast_in_dim3A_4 = arith.constant 1.000000e+00 : f32
    %broadcast_in_dim3A_5 = vector.broadcast %broadcast_in_dim3A_4 : f32 to vector<16xf32>
    %scan3A = arith.constant 0 : i32
    %scan3A_6 = arith.constant 0 : i32
    %scan3A_7 = arith.constant 40 : i32
    %scan3A_8 = arith.addi %scan3A_6, %scan3A_7 : i32
    %scan3A_9 = arith.constant 1 : i32
    scf.for %scan3A_154 = %scan3A_6 to %scan3A_8 step %scan3A_9  : i32 {
      %swap3A = arith.index_cast %scan3A_154 : i32 to index
      %swap3A_155 = arith.constant 0 : index
      %swap3A_156 = tpu.vector_load %arg20[%swap3A, %swap3A_155] {strides = array<i32>} : memref<40x128xf32, #tpu.memory_space<vmem>>, vector<1x16xf32>,
      %swap3A_157 = vector.shape_cast %swap3A_156 : vector<1x16xf32> to vector<16xf32>
      %swap3A_158 = vector.shape_cast %broadcast_in_dim3A_3 : vector<16xf32> to vector<1x16xf32>
      tpu.vector_store %arg20[%swap3A, %swap3A_155], %swap3A_158 {strides = array<i32>} : memref<40x128xf32, #tpu.memory_space<vmem>>, vector<1x16xf32>,
      %swap3A_159 = arith.index_cast %scan3A_154 : i32 to index
      %swap3A_160 = arith.constant 16 : index
      %swap3A_161 = tpu.vector_load %arg20[%swap3A_159, %swap3A_160] {strides = array<i32>} : memref<40x128xf32, #tpu.memory_space<vmem>>, vector<1x16xf32>,
      %swap3A_162 = vector.shape_cast %swap3A_161 : vector<1x16xf32> to vector<16xf32>
      %swap3A_163 = vector.shape_cast %broadcast_in_dim3A_3 : vector<16xf32> to vector<1x16xf32>
      tpu.vector_store %arg20[%swap3A_159, %swap3A_160], %swap3A_163 {strides = array<i32>} : memref<40x128xf32, #tpu.memory_space<vmem>>, vector<1x16xf32>,
      %swap3A_164 = arith.index_cast %scan3A_154 : i32 to index
      %swap3A_165 = arith.constant 32 : index
      %swap3A_166 = tpu.vector_load %arg20[%swap3A_164, %swap3A_165] {strides = array<i32>} : memref<40x128xf32, #tpu.memory_space<vmem>>, vector<1x16xf32>,
      %swap3A_167 = vector.shape_cast %swap3A_166 : vector<1x16xf32> to vector<16xf32>
      %swap3A_168 = vector.shape_cast %broadcast_in_dim3A_3 : vector<16xf32> to vector<1x16xf32>
      tpu.vector_store %arg20[%swap3A_164, %swap3A_165], %swap3A_168 {strides = array<i32>} : memref<40x128xf32, #tpu.memory_space<vmem>>, vector<1x16xf32>,
      %swap3A_169 = arith.index_cast %scan3A_154 : i32 to index
      %swap3A_170 = arith.constant 48 : index
      %swap3A_171 = tpu.vector_load %arg20[%swap3A_169, %swap3A_170] {strides = array<i32>} : memref<40x128xf32, #tpu.memory_space<vmem>>, vector<1x16xf32>,
      %swap3A_172 = vector.shape_cast %swap3A_171 : vector<1x16xf32> to vector<16xf32>
      %swap3A_173 = vector.shape_cast %broadcast_in_dim3A_3 : vector<16xf32> to vector<1x16xf32>
      tpu.vector_store %arg20[%swap3A_169, %swap3A_170], %swap3A_173 {strides = array<i32>} : memref<40x128xf32, #tpu.memory_space<vmem>>, vector<1x16xf32>,
      %swap3A_174 = arith.index_cast %scan3A_154 : i32 to index
      %swap3A_175 = arith.constant 64 : index
      %swap3A_176 = tpu.vector_load %arg20[%swap3A_174, %swap3A_175] {strides = array<i32>} : memref<40x128xf32, #tpu.memory_space<vmem>>, vector<1x16xf32>,
      %swap3A_177 = vector.shape_cast %swap3A_176 : vector<1x16xf32> to vector<16xf32>
      %swap3A_178 = vector.shape_cast %broadcast_in_dim3A_3 : vector<16xf32> to vector<1x16xf32>
      tpu.vector_store %arg20[%swap3A_174, %swap3A_175], %swap3A_178 {strides = array<i32>} : memref<40x128xf32, #tpu.memory_space<vmem>>, vector<1x16xf32>,
      %swap3A_179 = arith.index_cast %scan3A_154 : i32 to index
      %swap3A_180 = arith.constant 80 : index
      %swap3A_181 = tpu.vector_load %arg20[%swap3A_179, %swap3A_180] {strides = array<i32>} : memref<40x128xf32, #tpu.memory_space<vmem>>, vector<1x16xf32>,
      %swap3A_182 = vector.shape_cast %swap3A_181 : vector<1x16xf32> to vector<16xf32>
      %swap3A_183 = vector.shape_cast %broadcast_in_dim3A_3 : vector<16xf32> to vector<1x16xf32>
      tpu.vector_store %arg20[%swap3A_179, %swap3A_180], %swap3A_183 {strides = array<i32>} : memref<40x128xf32, #tpu.memory_space<vmem>>, vector<1x16xf32>,
      %swap3A_184 = arith.index_cast %scan3A_154 : i32 to index
      %swap3A_185 = arith.constant 96 : index
      %swap3A_186 = tpu.vector_load %arg20[%swap3A_184, %swap3A_185] {strides = array<i32>} : memref<40x128xf32, #tpu.memory_space<vmem>>, vector<1x16xf32>,
      %swap3A_187 = vector.shape_cast %swap3A_186 : vector<1x16xf32> to vector<16xf32>
      %swap3A_188 = vector.shape_cast %broadcast_in_dim3A_3 : vector<16xf32> to vector<1x16xf32>
      tpu.vector_store %arg20[%swap3A_184, %swap3A_185], %swap3A_188 {strides = array<i32>} : memref<40x128xf32, #tpu.memory_space<vmem>>, vector<1x16xf32>,
      %swap3A_189 = arith.index_cast %scan3A_154 : i32 to index
      %swap3A_190 = arith.constant 112 : index
      %swap3A_191 = tpu.vector_load %arg20[%swap3A_189, %swap3A_190] {strides = array<i32>} : memref<40x128xf32, #tpu.memory_space<vmem>>, vector<1x16xf32>,
      %swap3A_192 = vector.shape_cast %swap3A_191 : vector<1x16xf32> to vector<16xf32>
      %swap3A_193 = vector.shape_cast %broadcast_in_dim3A_3 : vector<16xf32> to vector<1x16xf32>
      tpu.vector_store %arg20[%swap3A_189, %swap3A_190], %swap3A_193 {strides = array<i32>} : memref<40x128xf32, #tpu.memory_space<vmem>>, vector<1x16xf32>,
      %swap3A_194 = arith.index_cast %scan3A_154 : i32 to index
      %swap3A_195 = arith.constant 0 : index
      %swap3A_196 = tpu.vector_load %arg23[%swap3A_194, %swap3A_195] {strides = array<i32>} : memref<40x16xf32, #tpu.memory_space<vmem>>, vector<1x16xf32>,
      %swap3A_197 = vector.shape_cast %swap3A_196 : vector<1x16xf32> to vector<16xf32>
      %swap3A_198 = vector.shape_cast %broadcast_in_dim3A_3 : vector<16xf32> to vector<1x16xf32>
      tpu.vector_store %arg23[%swap3A_194, %swap3A_195], %swap3A_198 {strides = array<i32>} : memref<40x16xf32, #tpu.memory_space<vmem>>, vector<1x16xf32>,
      %swap3A_199 = arith.index_cast %scan3A_154 : i32 to index
      %swap3A_200 = arith.constant 0 : index
      %swap3A_201 = tpu.vector_load %arg22[%swap3A_199, %swap3A_200] {strides = array<i32>} : memref<40x16xf32, #tpu.memory_space<vmem>>, vector<1x16xf32>,
      %swap3A_202 = vector.shape_cast %swap3A_201 : vector<1x16xf32> to vector<16xf32>
      %swap3A_203 = vector.shape_cast %broadcast_in_dim3A_5 : vector<16xf32> to vector<1x16xf32>
      tpu.vector_store %arg22[%swap3A_199, %swap3A_200], %swap3A_203 {strides = array<i32>} : memref<40x16xf32, #tpu.memory_space<vmem>>, vector<1x16xf32>,
    }
    %scan3A_10 = arith.constant 40 : i32
    %mul3A_11 = arith.constant 625 : i32
    %mul3A_12 = arith.muli %arg1, %mul3A_11 : i32
    %add3A_13 = arith.constant 0 : i32
    %add3A_14 = arith.addi %mul3A_12, %add3A_13 : i32
    "tpu.region"() ({
      %run_scoped3A = tpu.sem_alloc : memref<!tpu.dma_semaphore, #tpu.memory_space<semaphore_mem>>
      %dma_start3A = arith.constant 0 : i32
      %dma_start3A_154 = tpu.memref_slice %arg10[%add3A_14, %dma_start3A] : memref<10000x128xf32, #tpu.memory_space<vmem_shared>> -> memref<40x128xf32, #tpu.memory_space<vmem_shared>>
      %dma_start3A_155 = arith.constant 0 : i32
      %dma_start3A_156 = tpu.memref_slice %arg10[%add3A_14, %dma_start3A_155] : memref<10000x128xf32, #tpu.memory_space<vmem_shared>> -> memref<40x128xf32, #tpu.memory_space<vmem_shared>>
      tpu.enqueue_dma source(%arg20 : memref<40x128xf32, #tpu.memory_space<vmem>>) target(%dma_start3A_156 : memref<40x128xf32, #tpu.memory_space<vmem_shared>>) target_semaphore(%run_scoped3A : memref<!tpu.dma_semaphore, #tpu.memory_space<semaphore_mem>>)
      %dma_wait3A = arith.constant 0 : i32
      %dma_wait3A_157 = tpu.memref_slice %arg10[%add3A_14, %dma_wait3A] : memref<10000x128xf32, #tpu.memory_space<vmem_shared>> -> memref<40x128xf32, #tpu.memory_space<vmem_shared>>
      %dma_wait3A_158 = arith.constant 0 : i32
      %dma_wait3A_159 = tpu.memref_slice %arg10[%add3A_14, %dma_wait3A_158] : memref<10000x128xf32, #tpu.memory_space<vmem_shared>> -> memref<40x128xf32, #tpu.memory_space<vmem_shared>>
      tpu.wait_dma2 semaphore(%run_scoped3A : memref<!tpu.dma_semaphore, #tpu.memory_space<semaphore_mem>>) src(%arg20 : memref<40x128xf32, #tpu.memory_space<vmem>>) dst(%dma_wait3A_159 : memref<40x128xf32, #tpu.memory_space<vmem_shared>>)
      tpu.yield
    }) : () -> ()
    %mul3A_15 = arith.constant 625 : i32
    %mul3A_16 = arith.muli %arg1, %mul3A_15 : i32
    %add3A_17 = arith.constant 0 : i32
    %add3A_18 = arith.addi %mul3A_16, %add3A_17 : i32
    "tpu.region"() ({
      %run_scoped3A = tpu.sem_alloc : memref<!tpu.dma_semaphore, #tpu.memory_space<semaphore_mem>>
      %dma_start3A = arith.constant 0 : i32
      %dma_start3A_154 = tpu.memref_slice %arg11[%add3A_18, %dma_start3A] : memref<10000x16xf32, #tpu.memory_space<vmem_shared>> -> memref<40x16xf32, #tpu.memory_space<vmem_shared>>
      %dma_start3A_155 = arith.constant 0 : i32
      %dma_start3A_156 = tpu.memref_slice %arg11[%add3A_18, %dma_start3A_155] : memref<10000x16xf32, #tpu.memory_space<vmem_shared>> -> memref<40x16xf32, #tpu.memory_space<vmem_shared>>
      tpu.enqueue_dma source(%arg23 : memref<40x16xf32, #tpu.memory_space<vmem>>) target(%dma_start3A_156 : memref<40x16xf32, #tpu.memory_space<vmem_shared>>) target_semaphore(%run_scoped3A : memref<!tpu.dma_semaphore, #tpu.memory_space<semaphore_mem>>)
      %dma_wait3A = arith.constant 0 : i32
      %dma_wait3A_157 = tpu.memref_slice %arg11[%add3A_18, %dma_wait3A] : memref<10000x16xf32, #tpu.memory_space<vmem_shared>> -> memref<40x16xf32, #tpu.memory_space<vmem_shared>>
      %dma_wait3A_158 = arith.constant 0 : i32
      %dma_wait3A_159 = tpu.memref_slice %arg11[%add3A_18, %dma_wait3A_158] : memref<10000x16xf32, #tpu.memory_space<vmem_shared>> -> memref<40x16xf32, #tpu.memory_space<vmem_shared>>
      tpu.wait_dma2 semaphore(%run_scoped3A : memref<!tpu.dma_semaphore, #tpu.memory_space<semaphore_mem>>) src(%arg23 : memref<40x16xf32, #tpu.memory_space<vmem>>) dst(%dma_wait3A_159 : memref<40x16xf32, #tpu.memory_space<vmem_shared>>)
      tpu.yield
    }) : () -> ()
    %mul3A_19 = arith.constant 625 : i32
    %mul3A_20 = arith.muli %arg1, %mul3A_19 : i32
    %add3A_21 = arith.constant 40 : i32
    %add3A_22 = arith.addi %mul3A_20, %add3A_21 : i32
    "tpu.region"() ({
      %run_scoped3A = tpu.sem_alloc : memref<!tpu.dma_semaphore, #tpu.memory_space<semaphore_mem>>
      %dma_start3A = arith.constant 0 : i32
      %dma_start3A_154 = tpu.memref_slice %arg10[%add3A_22, %dma_start3A] : memref<10000x128xf32, #tpu.memory_space<vmem_shared>> -> memref<40x128xf32, #tpu.memory_space<vmem_shared>>
      %dma_start3A_155 = arith.constant 0 : i32
      %dma_start3A_156 = tpu.memref_slice %arg10[%add3A_22, %dma_start3A_155] : memref<10000x128xf32, #tpu.memory_space<vmem_shared>> -> memref<40x128xf32, #tpu.memory_space<vmem_shared>>
      tpu.enqueue_dma source(%arg20 : memref<40x128xf32, #tpu.memory_space<vmem>>) target(%dma_start3A_156 : memref<40x128xf32, #tpu.memory_space<vmem_shared>>) target_semaphore(%run_scoped3A : memref<!tpu.dma_semaphore, #tpu.memory_space<semaphore_mem>>)
      %dma_wait3A = arith.constant 0 : i32
      %dma_wait3A_157 = tpu.memref_slice %arg10[%add3A_22, %dma_wait3A] : memref<10000x128xf32, #tpu.memory_space<vmem_shared>> -> memref<40x128xf32, #tpu.memory_space<vmem_shared>>
      %dma_wait3A_158 = arith.constant 0 : i32
      %dma_wait3A_159 = tpu.memref_slice %arg10[%add3A_22, %dma_wait3A_158] : memref<10000x128xf32, #tpu.memory_space<vmem_shared>> -> memref<40x128xf32, #tpu.memory_space<vmem_shared>>
      tpu.wait_dma2 semaphore(%run_scoped3A : memref<!tpu.dma_semaphore, #tpu.memory_space<semaphore_mem>>) src(%arg20 : memref<40x128xf32, #tpu.memory_space<vmem>>) dst(%dma_wait3A_159 : memref<40x128xf32, #tpu.memory_space<vmem_shared>>)
      tpu.yield
    }) : () -> ()
    %mul3A_23 = arith.constant 625 : i32
    %mul3A_24 = arith.muli %arg1, %mul3A_23 : i32
    %add3A_25 = arith.constant 40 : i32
    %add3A_26 = arith.addi %mul3A_24, %add3A_25 : i32
    "tpu.region"() ({
      %run_scoped3A = tpu.sem_alloc : memref<!tpu.dma_semaphore, #tpu.memory_space<semaphore_mem>>
      %dma_start3A = arith.constant 0 : i32
      %dma_start3A_154 = tpu.memref_slice %arg11[%add3A_26, %dma_start3A] : memref<10000x16xf32, #tpu.memory_space<vmem_shared>> -> memref<40x16xf32, #tpu.memory_space<vmem_shared>>
      %dma_start3A_155 = arith.constant 0 : i32
      %dma_start3A_156 = tpu.memref_slice %arg11[%add3A_26, %dma_start3A_155] : memref<10000x16xf32, #tpu.memory_space<vmem_shared>> -> memref<40x16xf32, #tpu.memory_space<vmem_shared>>
      tpu.enqueue_dma source(%arg23 : memref<40x16xf32, #tpu.memory_space<vmem>>) target(%dma_start3A_156 : memref<40x16xf32, #tpu.memory_space<vmem_shared>>) target_semaphore(%run_scoped3A : memref<!tpu.dma_semaphore, #tpu.memory_space<semaphore_mem>>)
      %dma_wait3A = arith.constant 0 : i32
      %dma_wait3A_157 = tpu.memref_slice %arg11[%add3A_26, %dma_wait3A] : memref<10000x16xf32, #tpu.memory_space<vmem_shared>> -> memref<40x16xf32, #tpu.memory_space<vmem_shared>>
      %dma_wait3A_158 = arith.constant 0 : i32
      %dma_wait3A_159 = tpu.memref_slice %arg11[%add3A_26, %dma_wait3A_158] : memref<10000x16xf32, #tpu.memory_space<vmem_shared>> -> memref<40x16xf32, #tpu.memory_space<vmem_shared>>
      tpu.wait_dma2 semaphore(%run_scoped3A : memref<!tpu.dma_semaphore, #tpu.memory_space<semaphore_mem>>) src(%arg23 : memref<40x16xf32, #tpu.memory_space<vmem>>) dst(%dma_wait3A_159 : memref<40x16xf32, #tpu.memory_space<vmem_shared>>)
      tpu.yield
    }) : () -> ()
    %mul3A_27 = arith.constant 625 : i32
    %mul3A_28 = arith.muli %arg1, %mul3A_27 : i32
    %add3A_29 = arith.constant 80 : i32
    %add3A_30 = arith.addi %mul3A_28, %add3A_29 : i32
    "tpu.region"() ({
      %run_scoped3A = tpu.sem_alloc : memref<!tpu.dma_semaphore, #tpu.memory_space<semaphore_mem>>
      %dma_start3A = arith.constant 0 : i32
      %dma_start3A_154 = tpu.memref_slice %arg10[%add3A_30, %dma_start3A] : memref<10000x128xf32, #tpu.memory_space<vmem_shared>> -> memref<40x128xf32, #tpu.memory_space<vmem_shared>>
      %dma_start3A_155 = arith.constant 0 : i32
      %dma_start3A_156 = tpu.memref_slice %arg10[%add3A_30, %dma_start3A_155] : memref<10000x128xf32, #tpu.memory_space<vmem_shared>> -> memref<40x128xf32, #tpu.memory_space<vmem_shared>>
      tpu.enqueue_dma source(%arg20 : memref<40x128xf32, #tpu.memory_space<vmem>>) target(%dma_start3A_156 : memref<40x128xf32, #tpu.memory_space<vmem_shared>>) target_semaphore(%run_scoped3A : memref<!tpu.dma_semaphore, #tpu.memory_space<semaphore_mem>>)
      %dma_wait3A = arith.constant 0 : i32
      %dma_wait3A_157 = tpu.memref_slice %arg10[%add3A_30, %dma_wait3A] : memref<10000x128xf32, #tpu.memory_space<vmem_shared>> -> memref<40x128xf32, #tpu.memory_space<vmem_shared>>
      %dma_wait3A_158 = arith.constant 0 : i32
      %dma_wait3A_159 = tpu.memref_slice %arg10[%add3A_30, %dma_wait3A_158] : memref<10000x128xf32, #tpu.memory_space<vmem_shared>> -> memref<40x128xf32, #tpu.memory_space<vmem_shared>>
      tpu.wait_dma2 semaphore(%run_scoped3A : memref<!tpu.dma_semaphore, #tpu.memory_space<semaphore_mem>>) src(%arg20 : memref<40x128xf32, #tpu.memory_space<vmem>>) dst(%dma_wait3A_159 : memref<40x128xf32, #tpu.memory_space<vmem_shared>>)
      tpu.yield
    }) : () -> ()
    %mul3A_31 = arith.constant 625 : i32
    %mul3A_32 = arith.muli %arg1, %mul3A_31 : i32
    %add3A_33 = arith.constant 80 : i32
    %add3A_34 = arith.addi %mul3A_32, %add3A_33 : i32
    "tpu.region"() ({
      %run_scoped3A = tpu.sem_alloc : memref<!tpu.dma_semaphore, #tpu.memory_space<semaphore_mem>>
      %dma_start3A = arith.constant 0 : i32
      %dma_start3A_154 = tpu.memref_slice %arg11[%add3A_34, %dma_start3A] : memref<10000x16xf32, #tpu.memory_space<vmem_shared>> -> memref<40x16xf32, #tpu.memory_space<vmem_shared>>
      %dma_start3A_155 = arith.constant 0 : i32
      %dma_start3A_156 = tpu.memref_slice %arg11[%add3A_34, %dma_start3A_155] : memref<10000x16xf32, #tpu.memory_space<vmem_shared>> -> memref<40x16xf32, #tpu.memory_space<vmem_shared>>
      tpu.enqueue_dma source(%arg23 : memref<40x16xf32, #tpu.memory_space<vmem>>) target(%dma_start3A_156 : memref<40x16xf32, #tpu.memory_space<vmem_shared>>) target_semaphore(%run_scoped3A : memref<!tpu.dma_semaphore, #tpu.memory_space<semaphore_mem>>)
      %dma_wait3A = arith.constant 0 : i32
      %dma_wait3A_157 = tpu.memref_slice %arg11[%add3A_34, %dma_wait3A] : memref<10000x16xf32, #tpu.memory_space<vmem_shared>> -> memref<40x16xf32, #tpu.memory_space<vmem_shared>>
      %dma_wait3A_158 = arith.constant 0 : i32
      %dma_wait3A_159 = tpu.memref_slice %arg11[%add3A_34, %dma_wait3A_158] : memref<10000x16xf32, #tpu.memory_space<vmem_shared>> -> memref<40x16xf32, #tpu.memory_space<vmem_shared>>
      tpu.wait_dma2 semaphore(%run_scoped3A : memref<!tpu.dma_semaphore, #tpu.memory_space<semaphore_mem>>) src(%arg23 : memref<40x16xf32, #tpu.memory_space<vmem>>) dst(%dma_wait3A_159 : memref<40x16xf32, #tpu.memory_space<vmem_shared>>)
      tpu.yield
    }) : () -> ()
    %mul3A_35 = arith.constant 625 : i32
    %mul3A_36 = arith.muli %arg1, %mul3A_35 : i32
    %add3A_37 = arith.constant 120 : i32
    %add3A_38 = arith.addi %mul3A_36, %add3A_37 : i32
    "tpu.region"() ({
      %run_scoped3A = tpu.sem_alloc : memref<!tpu.dma_semaphore, #tpu.memory_space<semaphore_mem>>
      %dma_start3A = arith.constant 0 : i32
      %dma_start3A_154 = tpu.memref_slice %arg10[%add3A_38, %dma_start3A] : memref<10000x128xf32, #tpu.memory_space<vmem_shared>> -> memref<40x128xf32, #tpu.memory_space<vmem_shared>>
      %dma_start3A_155 = arith.constant 0 : i32
      %dma_start3A_156 = tpu.memref_slice %arg10[%add3A_38, %dma_start3A_155] : memref<10000x128xf32, #tpu.memory_space<vmem_shared>> -> memref<40x128xf32, #tpu.memory_space<vmem_shared>>
      tpu.enqueue_dma source(%arg20 : memref<40x128xf32, #tpu.memory_space<vmem>>) target(%dma_start3A_156 : memref<40x128xf32, #tpu.memory_space<vmem_shared>>) target_semaphore(%run_scoped3A : memref<!tpu.dma_semaphore, #tpu.memory_space<semaphore_mem>>)
      %dma_wait3A = arith.constant 0 : i32
      %dma_wait3A_157 = tpu.memref_slice %arg10[%add3A_38, %dma_wait3A] : memref<10000x128xf32, #tpu.memory_space<vmem_shared>> -> memref<40x128xf32, #tpu.memory_space<vmem_shared>>
      %dma_wait3A_158 = arith.constant 0 : i32
      %dma_wait3A_159 = tpu.memref_slice %arg10[%add3A_38, %dma_wait3A_158] : memref<10000x128xf32, #tpu.memory_space<vmem_shared>> -> memref<40x128xf32, #tpu.memory_space<vmem_shared>>
      tpu.wait_dma2 semaphore(%run_scoped3A : memref<!tpu.dma_semaphore, #tpu.memory_space<semaphore_mem>>) src(%arg20 : memref<40x128xf32, #tpu.memory_space<vmem>>) dst(%dma_wait3A_159 : memref<40x128xf32, #tpu.memory_space<vmem_shared>>)
      tpu.yield
    }) : () -> ()
    %mul3A_39 = arith.constant 625 : i32
    %mul3A_40 = arith.muli %arg1, %mul3A_39 : i32
    %add3A_41 = arith.constant 120 : i32
    %add3A_42 = arith.addi %mul3A_40, %add3A_41 : i32
    "tpu.region"() ({
      %run_scoped3A = tpu.sem_alloc : memref<!tpu.dma_semaphore, #tpu.memory_space<semaphore_mem>>
      %dma_start3A = arith.constant 0 : i32
      %dma_start3A_154 = tpu.memref_slice %arg11[%add3A_42, %dma_start3A] : memref<10000x16xf32, #tpu.memory_space<vmem_shared>> -> memref<40x16xf32, #tpu.memory_space<vmem_shared>>
      %dma_start3A_155 = arith.constant 0 : i32
      %dma_start3A_156 = tpu.memref_slice %arg11[%add3A_42, %dma_start3A_155] : memref<10000x16xf32, #tpu.memory_space<vmem_shared>> -> memref<40x16xf32, #tpu.memory_space<vmem_shared>>
      tpu.enqueue_dma source(%arg23 : memref<40x16xf32, #tpu.memory_space<vmem>>) target(%dma_start3A_156 : memref<40x16xf32, #tpu.memory_space<vmem_shared>>) target_semaphore(%run_scoped3A : memref<!tpu.dma_semaphore, #tpu.memory_space<semaphore_mem>>)
      %dma_wait3A = arith.constant 0 : i32
      %dma_wait3A_157 = tpu.memref_slice %arg11[%add3A_42, %dma_wait3A] : memref<10000x16xf32, #tpu.memory_space<vmem_shared>> -> memref<40x16xf32, #tpu.memory_space<vmem_shared>>
      %dma_wait3A_158 = arith.constant 0 : i32
      %dma_wait3A_159 = tpu.memref_slice %arg11[%add3A_42, %dma_wait3A_158] : memref<10000x16xf32, #tpu.memory_space<vmem_shared>> -> memref<40x16xf32, #tpu.memory_space<vmem_shared>>
      tpu.wait_dma2 semaphore(%run_scoped3A : memref<!tpu.dma_semaphore, #tpu.memory_space<semaphore_mem>>) src(%arg23 : memref<40x16xf32, #tpu.memory_space<vmem>>) dst(%dma_wait3A_159 : memref<40x16xf32, #tpu.memory_space<vmem_shared>>)
      tpu.yield
    }) : () -> ()
    %mul3A_43 = arith.constant 625 : i32
    %mul3A_44 = arith.muli %arg1, %mul3A_43 : i32
    %add3A_45 = arith.constant 160 : i32
    %add3A_46 = arith.addi %mul3A_44, %add3A_45 : i32
    "tpu.region"() ({
      %run_scoped3A = tpu.sem_alloc : memref<!tpu.dma_semaphore, #tpu.memory_space<semaphore_mem>>
      %dma_start3A = arith.constant 0 : i32
      %dma_start3A_154 = tpu.memref_slice %arg10[%add3A_46, %dma_start3A] : memref<10000x128xf32, #tpu.memory_space<vmem_shared>> -> memref<40x128xf32, #tpu.memory_space<vmem_shared>>
      %dma_start3A_155 = arith.constant 0 : i32
      %dma_start3A_156 = tpu.memref_slice %arg10[%add3A_46, %dma_start3A_155] : memref<10000x128xf32, #tpu.memory_space<vmem_shared>> -> memref<40x128xf32, #tpu.memory_space<vmem_shared>>
      tpu.enqueue_dma source(%arg20 : memref<40x128xf32, #tpu.memory_space<vmem>>) target(%dma_start3A_156 : memref<40x128xf32, #tpu.memory_space<vmem_shared>>) target_semaphore(%run_scoped3A : memref<!tpu.dma_semaphore, #tpu.memory_space<semaphore_mem>>)
      %dma_wait3A = arith.constant 0 : i32
      %dma_wait3A_157 = tpu.memref_slice %arg10[%add3A_46, %dma_wait3A] : memref<10000x128xf32, #tpu.memory_space<vmem_shared>> -> memref<40x128xf32, #tpu.memory_space<vmem_shared>>
      %dma_wait3A_158 = arith.constant 0 : i32
      %dma_wait3A_159 = tpu.memref_slice %arg10[%add3A_46, %dma_wait3A_158] : memref<10000x128xf32, #tpu.memory_space<vmem_shared>> -> memref<40x128xf32, #tpu.memory_space<vmem_shared>>
      tpu.wait_dma2 semaphore(%run_scoped3A : memref<!tpu.dma_semaphore, #tpu.memory_space<semaphore_mem>>) src(%arg20 : memref<40x128xf32, #tpu.memory_space<vmem>>) dst(%dma_wait3A_159 : memref<40x128xf32, #tpu.memory_space<vmem_shared>>)
      tpu.yield
    }) : () -> ()
    %mul3A_47 = arith.constant 625 : i32
    %mul3A_48 = arith.muli %arg1, %mul3A_47 : i32
    %add3A_49 = arith.constant 160 : i32
    %add3A_50 = arith.addi %mul3A_48, %add3A_49 : i32
    "tpu.region"() ({
      %run_scoped3A = tpu.sem_alloc : memref<!tpu.dma_semaphore, #tpu.memory_space<semaphore_mem>>
      %dma_start3A = arith.constant 0 : i32
      %dma_start3A_154 = tpu.memref_slice %arg11[%add3A_50, %dma_start3A] : memref<10000x16xf32, #tpu.memory_space<vmem_shared>> -> memref<40x16xf32, #tpu.memory_space<vmem_shared>>
      %dma_start3A_155 = arith.constant 0 : i32
      %dma_start3A_156 = tpu.memref_slice %arg11[%add3A_50, %dma_start3A_155] : memref<10000x16xf32, #tpu.memory_space<vmem_shared>> -> memref<40x16xf32, #tpu.memory_space<vmem_shared>>
      tpu.enqueue_dma source(%arg23 : memref<40x16xf32, #tpu.memory_space<vmem>>) target(%dma_start3A_156 : memref<40x16xf32, #tpu.memory_space<vmem_shared>>) target_semaphore(%run_scoped3A : memref<!tpu.dma_semaphore, #tpu.memory_space<semaphore_mem>>)
      %dma_wait3A = arith.constant 0 : i32
      %dma_wait3A_157 = tpu.memref_slice %arg11[%add3A_50, %dma_wait3A] : memref<10000x16xf32, #tpu.memory_space<vmem_shared>> -> memref<40x16xf32, #tpu.memory_space<vmem_shared>>
      %dma_wait3A_158 = arith.constant 0 : i32
      %dma_wait3A_159 = tpu.memref_slice %arg11[%add3A_50, %dma_wait3A_158] : memref<10000x16xf32, #tpu.memory_space<vmem_shared>> -> memref<40x16xf32, #tpu.memory_space<vmem_shared>>
      tpu.wait_dma2 semaphore(%run_scoped3A : memref<!tpu.dma_semaphore, #tpu.memory_space<semaphore_mem>>) src(%arg23 : memref<40x16xf32, #tpu.memory_space<vmem>>) dst(%dma_wait3A_159 : memref<40x16xf32, #tpu.memory_space<vmem_shared>>)
      tpu.yield
    }) : () -> ()
    %mul3A_51 = arith.constant 625 : i32
    %mul3A_52 = arith.muli %arg1, %mul3A_51 : i32
    %add3A_53 = arith.constant 200 : i32
    %add3A_54 = arith.addi %mul3A_52, %add3A_53 : i32
    "tpu.region"() ({
      %run_scoped3A = tpu.sem_alloc : memref<!tpu.dma_semaphore, #tpu.memory_space<semaphore_mem>>
      %dma_start3A = arith.constant 0 : i32
      %dma_start3A_154 = tpu.memref_slice %arg10[%add3A_54, %dma_start3A] : memref<10000x128xf32, #tpu.memory_space<vmem_shared>> -> memref<40x128xf32, #tpu.memory_space<vmem_shared>>
      %dma_start3A_155 = arith.constant 0 : i32
      %dma_start3A_156 = tpu.memref_slice %arg10[%add3A_54, %dma_start3A_155] : memref<10000x128xf32, #tpu.memory_space<vmem_shared>> -> memref<40x128xf32, #tpu.memory_space<vmem_shared>>
      tpu.enqueue_dma source(%arg20 : memref<40x128xf32, #tpu.memory_space<vmem>>) target(%dma_start3A_156 : memref<40x128xf32, #tpu.memory_space<vmem_shared>>) target_semaphore(%run_scoped3A : memref<!tpu.dma_semaphore, #tpu.memory_space<semaphore_mem>>)
      %dma_wait3A = arith.constant 0 : i32
      %dma_wait3A_157 = tpu.memref_slice %arg10[%add3A_54, %dma_wait3A] : memref<10000x128xf32, #tpu.memory_space<vmem_shared>> -> memref<40x128xf32, #tpu.memory_space<vmem_shared>>
      %dma_wait3A_158 = arith.constant 0 : i32
      %dma_wait3A_159 = tpu.memref_slice %arg10[%add3A_54, %dma_wait3A_158] : memref<10000x128xf32, #tpu.memory_space<vmem_shared>> -> memref<40x128xf32, #tpu.memory_space<vmem_shared>>
      tpu.wait_dma2 semaphore(%run_scoped3A : memref<!tpu.dma_semaphore, #tpu.memory_space<semaphore_mem>>) src(%arg20 : memref<40x128xf32, #tpu.memory_space<vmem>>) dst(%dma_wait3A_159 : memref<40x128xf32, #tpu.memory_space<vmem_shared>>)
      tpu.yield
    }) : () -> ()
    %mul3A_55 = arith.constant 625 : i32
    %mul3A_56 = arith.muli %arg1, %mul3A_55 : i32
    %add3A_57 = arith.constant 200 : i32
    %add3A_58 = arith.addi %mul3A_56, %add3A_57 : i32
    "tpu.region"() ({
      %run_scoped3A = tpu.sem_alloc : memref<!tpu.dma_semaphore, #tpu.memory_space<semaphore_mem>>
      %dma_start3A = arith.constant 0 : i32
      %dma_start3A_154 = tpu.memref_slice %arg11[%add3A_58, %dma_start3A] : memref<10000x16xf32, #tpu.memory_space<vmem_shared>> -> memref<40x16xf32, #tpu.memory_space<vmem_shared>>
      %dma_start3A_155 = arith.constant 0 : i32
      %dma_start3A_156 = tpu.memref_slice %arg11[%add3A_58, %dma_start3A_155] : memref<10000x16xf32, #tpu.memory_space<vmem_shared>> -> memref<40x16xf32, #tpu.memory_space<vmem_shared>>
      tpu.enqueue_dma source(%arg23 : memref<40x16xf32, #tpu.memory_space<vmem>>) target(%dma_start3A_156 : memref<40x16xf32, #tpu.memory_space<vmem_shared>>) target_semaphore(%run_scoped3A : memref<!tpu.dma_semaphore, #tpu.memory_space<semaphore_mem>>)
      %dma_wait3A = arith.constant 0 : i32
      %dma_wait3A_157 = tpu.memref_slice %arg11[%add3A_58, %dma_wait3A] : memref<10000x16xf32, #tpu.memory_space<vmem_shared>> -> memref<40x16xf32, #tpu.memory_space<vmem_shared>>
      %dma_wait3A_158 = arith.constant 0 : i32
      %dma_wait3A_159 = tpu.memref_slice %arg11[%add3A_58, %dma_wait3A_158] : memref<10000x16xf32, #tpu.memory_space<vmem_shared>> -> memref<40x16xf32, #tpu.memory_space<vmem_shared>>
      tpu.wait_dma2 semaphore(%run_scoped3A : memref<!tpu.dma_semaphore, #tpu.memory_space<semaphore_mem>>) src(%arg23 : memref<40x16xf32, #tpu.memory_space<vmem>>) dst(%dma_wait3A_159 : memref<40x16xf32, #tpu.memory_space<vmem_shared>>)
      tpu.yield
    }) : () -> ()
    %mul3A_59 = arith.constant 625 : i32
    %mul3A_60 = arith.muli %arg1, %mul3A_59 : i32
    %add3A_61 = arith.constant 240 : i32
    %add3A_62 = arith.addi %mul3A_60, %add3A_61 : i32
    "tpu.region"() ({
      %run_scoped3A = tpu.sem_alloc : memref<!tpu.dma_semaphore, #tpu.memory_space<semaphore_mem>>
      %dma_start3A = arith.constant 0 : i32
      %dma_start3A_154 = tpu.memref_slice %arg10[%add3A_62, %dma_start3A] : memref<10000x128xf32, #tpu.memory_space<vmem_shared>> -> memref<40x128xf32, #tpu.memory_space<vmem_shared>>
      %dma_start3A_155 = arith.constant 0 : i32
      %dma_start3A_156 = tpu.memref_slice %arg10[%add3A_62, %dma_start3A_155] : memref<10000x128xf32, #tpu.memory_space<vmem_shared>> -> memref<40x128xf32, #tpu.memory_space<vmem_shared>>
      tpu.enqueue_dma source(%arg20 : memref<40x128xf32, #tpu.memory_space<vmem>>) target(%dma_start3A_156 : memref<40x128xf32, #tpu.memory_space<vmem_shared>>) target_semaphore(%run_scoped3A : memref<!tpu.dma_semaphore, #tpu.memory_space<semaphore_mem>>)
      %dma_wait3A = arith.constant 0 : i32
      %dma_wait3A_157 = tpu.memref_slice %arg10[%add3A_62, %dma_wait3A] : memref<10000x128xf32, #tpu.memory_space<vmem_shared>> -> memref<40x128xf32, #tpu.memory_space<vmem_shared>>
      %dma_wait3A_158 = arith.constant 0 : i32
      %dma_wait3A_159 = tpu.memref_slice %arg10[%add3A_62, %dma_wait3A_158] : memref<10000x128xf32, #tpu.memory_space<vmem_shared>> -> memref<40x128xf32, #tpu.memory_space<vmem_shared>>
      tpu.wait_dma2 semaphore(%run_scoped3A : memref<!tpu.dma_semaphore, #tpu.memory_space<semaphore_mem>>) src(%arg20 : memref<40x128xf32, #tpu.memory_space<vmem>>) dst(%dma_wait3A_159 : memref<40x128xf32, #tpu.memory_space<vmem_shared>>)
      tpu.yield
    }) : () -> ()
    %mul3A_63 = arith.constant 625 : i32
    %mul3A_64 = arith.muli %arg1, %mul3A_63 : i32
    %add3A_65 = arith.constant 240 : i32
    %add3A_66 = arith.addi %mul3A_64, %add3A_65 : i32
    "tpu.region"() ({
      %run_scoped3A = tpu.sem_alloc : memref<!tpu.dma_semaphore, #tpu.memory_space<semaphore_mem>>
      %dma_start3A = arith.constant 0 : i32
      %dma_start3A_154 = tpu.memref_slice %arg11[%add3A_66, %dma_start3A] : memref<10000x16xf32, #tpu.memory_space<vmem_shared>> -> memref<40x16xf32, #tpu.memory_space<vmem_shared>>
      %dma_start3A_155 = arith.constant 0 : i32
      %dma_start3A_156 = tpu.memref_slice %arg11[%add3A_66, %dma_start3A_155] : memref<10000x16xf32, #tpu.memory_space<vmem_shared>> -> memref<40x16xf32, #tpu.memory_space<vmem_shared>>
      tpu.enqueue_dma source(%arg23 : memref<40x16xf32, #tpu.memory_space<vmem>>) target(%dma_start3A_156 : memref<40x16xf32, #tpu.memory_space<vmem_shared>>) target_semaphore(%run_scoped3A : memref<!tpu.dma_semaphore, #tpu.memory_space<semaphore_mem>>)
      %dma_wait3A = arith.constant 0 : i32
      %dma_wait3A_157 = tpu.memref_slice %arg11[%add3A_66, %dma_wait3A] : memref<10000x16xf32, #tpu.memory_space<vmem_shared>> -> memref<40x16xf32, #tpu.memory_space<vmem_shared>>
      %dma_wait3A_158 = arith.constant 0 : i32
      %dma_wait3A_159 = tpu.memref_slice %arg11[%add3A_66, %dma_wait3A_158] : memref<10000x16xf32, #tpu.memory_space<vmem_shared>> -> memref<40x16xf32, #tpu.memory_space<vmem_shared>>
      tpu.wait_dma2 semaphore(%run_scoped3A : memref<!tpu.dma_semaphore, #tpu.memory_space<semaphore_mem>>) src(%arg23 : memref<40x16xf32, #tpu.memory_space<vmem>>) dst(%dma_wait3A_159 : memref<40x16xf32, #tpu.memory_space<vmem_shared>>)
      tpu.yield
    }) : () -> ()
    %mul3A_67 = arith.constant 625 : i32
    %mul3A_68 = arith.muli %arg1, %mul3A_67 : i32
    %add3A_69 = arith.constant 280 : i32
    %add3A_70 = arith.addi %mul3A_68, %add3A_69 : i32
    "tpu.region"() ({
      %run_scoped3A = tpu.sem_alloc : memref<!tpu.dma_semaphore, #tpu.memory_space<semaphore_mem>>
      %dma_start3A = arith.constant 0 : i32
      %dma_start3A_154 = tpu.memref_slice %arg10[%add3A_70, %dma_start3A] : memref<10000x128xf32, #tpu.memory_space<vmem_shared>> -> memref<40x128xf32, #tpu.memory_space<vmem_shared>>
      %dma_start3A_155 = arith.constant 0 : i32
      %dma_start3A_156 = tpu.memref_slice %arg10[%add3A_70, %dma_start3A_155] : memref<10000x128xf32, #tpu.memory_space<vmem_shared>> -> memref<40x128xf32, #tpu.memory_space<vmem_shared>>
      tpu.enqueue_dma source(%arg20 : memref<40x128xf32, #tpu.memory_space<vmem>>) target(%dma_start3A_156 : memref<40x128xf32, #tpu.memory_space<vmem_shared>>) target_semaphore(%run_scoped3A : memref<!tpu.dma_semaphore, #tpu.memory_space<semaphore_mem>>)
      %dma_wait3A = arith.constant 0 : i32
      %dma_wait3A_157 = tpu.memref_slice %arg10[%add3A_70, %dma_wait3A] : memref<10000x128xf32, #tpu.memory_space<vmem_shared>> -> memref<40x128xf32, #tpu.memory_space<vmem_shared>>
      %dma_wait3A_158 = arith.constant 0 : i32
      %dma_wait3A_159 = tpu.memref_slice %arg10[%add3A_70, %dma_wait3A_158] : memref<10000x128xf32, #tpu.memory_space<vmem_shared>> -> memref<40x128xf32, #tpu.memory_space<vmem_shared>>
      tpu.wait_dma2 semaphore(%run_scoped3A : memref<!tpu.dma_semaphore, #tpu.memory_space<semaphore_mem>>) src(%arg20 : memref<40x128xf32, #tpu.memory_space<vmem>>) dst(%dma_wait3A_159 : memref<40x128xf32, #tpu.memory_space<vmem_shared>>)
      tpu.yield
    }) : () -> ()
    %mul3A_71 = arith.constant 625 : i32
    %mul3A_72 = arith.muli %arg1, %mul3A_71 : i32
    %add3A_73 = arith.constant 280 : i32
    %add3A_74 = arith.addi %mul3A_72, %add3A_73 : i32
    "tpu.region"() ({
      %run_scoped3A = tpu.sem_alloc : memref<!tpu.dma_semaphore, #tpu.memory_space<semaphore_mem>>
      %dma_start3A = arith.constant 0 : i32
      %dma_start3A_154 = tpu.memref_slice %arg11[%add3A_74, %dma_start3A] : memref<10000x16xf32, #tpu.memory_space<vmem_shared>> -> memref<40x16xf32, #tpu.memory_space<vmem_shared>>
      %dma_start3A_155 = arith.constant 0 : i32
      %dma_start3A_156 = tpu.memref_slice %arg11[%add3A_74, %dma_start3A_155] : memref<10000x16xf32, #tpu.memory_space<vmem_shared>> -> memref<40x16xf32, #tpu.memory_space<vmem_shared>>
      tpu.enqueue_dma source(%arg23 : memref<40x16xf32, #tpu.memory_space<vmem>>) target(%dma_start3A_156 : memref<40x16xf32, #tpu.memory_space<vmem_shared>>) target_semaphore(%run_scoped3A : memref<!tpu.dma_semaphore, #tpu.memory_space<semaphore_mem>>)
      %dma_wait3A = arith.constant 0 : i32
      %dma_wait3A_157 = tpu.memref_slice %arg11[%add3A_74, %dma_wait3A] : memref<10000x16xf32, #tpu.memory_space<vmem_shared>> -> memref<40x16xf32, #tpu.memory_space<vmem_shared>>
      %dma_wait3A_158 = arith.constant 0 : i32
      %dma_wait3A_159 = tpu.memref_slice %arg11[%add3A_74, %dma_wait3A_158] : memref<10000x16xf32, #tpu.memory_space<vmem_shared>> -> memref<40x16xf32, #tpu.memory_space<vmem_shared>>
      tpu.wait_dma2 semaphore(%run_scoped3A : memref<!tpu.dma_semaphore, #tpu.memory_space<semaphore_mem>>) src(%arg23 : memref<40x16xf32, #tpu.memory_space<vmem>>) dst(%dma_wait3A_159 : memref<40x16xf32, #tpu.memory_space<vmem_shared>>)
      tpu.yield
    }) : () -> ()
    %mul3A_75 = arith.constant 625 : i32
    %mul3A_76 = arith.muli %arg1, %mul3A_75 : i32
    %add3A_77 = arith.constant 320 : i32
    %add3A_78 = arith.addi %mul3A_76, %add3A_77 : i32
    "tpu.region"() ({
      %run_scoped3A = tpu.sem_alloc : memref<!tpu.dma_semaphore, #tpu.memory_space<semaphore_mem>>
      %dma_start3A = arith.constant 0 : i32
      %dma_start3A_154 = tpu.memref_slice %arg10[%add3A_78, %dma_start3A] : memref<10000x128xf32, #tpu.memory_space<vmem_shared>> -> memref<40x128xf32, #tpu.memory_space<vmem_shared>>
      %dma_start3A_155 = arith.constant 0 : i32
      %dma_start3A_156 = tpu.memref_slice %arg10[%add3A_78, %dma_start3A_155] : memref<10000x128xf32, #tpu.memory_space<vmem_shared>> -> memref<40x128xf32, #tpu.memory_space<vmem_shared>>
      tpu.enqueue_dma source(%arg20 : memref<40x128xf32, #tpu.memory_space<vmem>>) target(%dma_start3A_156 : memref<40x128xf32, #tpu.memory_space<vmem_shared>>) target_semaphore(%run_scoped3A : memref<!tpu.dma_semaphore, #tpu.memory_space<semaphore_mem>>)
      %dma_wait3A = arith.constant 0 : i32
      %dma_wait3A_157 = tpu.memref_slice %arg10[%add3A_78, %dma_wait3A] : memref<10000x128xf32, #tpu.memory_space<vmem_shared>> -> memref<40x128xf32, #tpu.memory_space<vmem_shared>>
      %dma_wait3A_158 = arith.constant 0 : i32
      %dma_wait3A_159 = tpu.memref_slice %arg10[%add3A_78, %dma_wait3A_158] : memref<10000x128xf32, #tpu.memory_space<vmem_shared>> -> memref<40x128xf32, #tpu.memory_space<vmem_shared>>
      tpu.wait_dma2 semaphore(%run_scoped3A : memref<!tpu.dma_semaphore, #tpu.memory_space<semaphore_mem>>) src(%arg20 : memref<40x128xf32, #tpu.memory_space<vmem>>) dst(%dma_wait3A_159 : memref<40x128xf32, #tpu.memory_space<vmem_shared>>)
      tpu.yield
    }) : () -> ()
    %mul3A_79 = arith.constant 625 : i32
    %mul3A_80 = arith.muli %arg1, %mul3A_79 : i32
    %add3A_81 = arith.constant 320 : i32
    %add3A_82 = arith.addi %mul3A_80, %add3A_81 : i32
    "tpu.region"() ({
      %run_scoped3A = tpu.sem_alloc : memref<!tpu.dma_semaphore, #tpu.memory_space<semaphore_mem>>
      %dma_start3A = arith.constant 0 : i32
      %dma_start3A_154 = tpu.memref_slice %arg11[%add3A_82, %dma_start3A] : memref<10000x16xf32, #tpu.memory_space<vmem_shared>> -> memref<40x16xf32, #tpu.memory_space<vmem_shared>>
      %dma_start3A_155 = arith.constant 0 : i32
      %dma_start3A_156 = tpu.memref_slice %arg11[%add3A_82, %dma_start3A_155] : memref<10000x16xf32, #tpu.memory_space<vmem_shared>> -> memref<40x16xf32, #tpu.memory_space<vmem_shared>>
      tpu.enqueue_dma source(%arg23 : memref<40x16xf32, #tpu.memory_space<vmem>>) target(%dma_start3A_156 : memref<40x16xf32, #tpu.memory_space<vmem_shared>>) target_semaphore(%run_scoped3A : memref<!tpu.dma_semaphore, #tpu.memory_space<semaphore_mem>>)
      %dma_wait3A = arith.constant 0 : i32
      %dma_wait3A_157 = tpu.memref_slice %arg11[%add3A_82, %dma_wait3A] : memref<10000x16xf32, #tpu.memory_space<vmem_shared>> -> memref<40x16xf32, #tpu.memory_space<vmem_shared>>
      %dma_wait3A_158 = arith.constant 0 : i32
      %dma_wait3A_159 = tpu.memref_slice %arg11[%add3A_82, %dma_wait3A_158] : memref<10000x16xf32, #tpu.memory_space<vmem_shared>> -> memref<40x16xf32, #tpu.memory_space<vmem_shared>>
      tpu.wait_dma2 semaphore(%run_scoped3A : memref<!tpu.dma_semaphore, #tpu.memory_space<semaphore_mem>>) src(%arg23 : memref<40x16xf32, #tpu.memory_space<vmem>>) dst(%dma_wait3A_159 : memref<40x16xf32, #tpu.memory_space<vmem_shared>>)
      tpu.yield
    }) : () -> ()
    %mul3A_83 = arith.constant 625 : i32
    %mul3A_84 = arith.muli %arg1, %mul3A_83 : i32
    %add3A_85 = arith.constant 360 : i32
    %add3A_86 = arith.addi %mul3A_84, %add3A_85 : i32
    "tpu.region"() ({
      %run_scoped3A = tpu.sem_alloc : memref<!tpu.dma_semaphore, #tpu.memory_space<semaphore_mem>>
      %dma_start3A = arith.constant 0 : i32
      %dma_start3A_154 = tpu.memref_slice %arg10[%add3A_86, %dma_start3A] : memref<10000x128xf32, #tpu.memory_space<vmem_shared>> -> memref<40x128xf32, #tpu.memory_space<vmem_shared>>
      %dma_start3A_155 = arith.constant 0 : i32
      %dma_start3A_156 = tpu.memref_slice %arg10[%add3A_86, %dma_start3A_155] : memref<10000x128xf32, #tpu.memory_space<vmem_shared>> -> memref<40x128xf32, #tpu.memory_space<vmem_shared>>
      tpu.enqueue_dma source(%arg20 : memref<40x128xf32, #tpu.memory_space<vmem>>) target(%dma_start3A_156 : memref<40x128xf32, #tpu.memory_space<vmem_shared>>) target_semaphore(%run_scoped3A : memref<!tpu.dma_semaphore, #tpu.memory_space<semaphore_mem>>)
      %dma_wait3A = arith.constant 0 : i32
      %dma_wait3A_157 = tpu.memref_slice %arg10[%add3A_86, %dma_wait3A] : memref<10000x128xf32, #tpu.memory_space<vmem_shared>> -> memref<40x128xf32, #tpu.memory_space<vmem_shared>>
      %dma_wait3A_158 = arith.constant 0 : i32
      %dma_wait3A_159 = tpu.memref_slice %arg10[%add3A_86, %dma_wait3A_158] : memref<10000x128xf32, #tpu.memory_space<vmem_shared>> -> memref<40x128xf32, #tpu.memory_space<vmem_shared>>
      tpu.wait_dma2 semaphore(%run_scoped3A : memref<!tpu.dma_semaphore, #tpu.memory_space<semaphore_mem>>) src(%arg20 : memref<40x128xf32, #tpu.memory_space<vmem>>) dst(%dma_wait3A_159 : memref<40x128xf32, #tpu.memory_space<vmem_shared>>)
      tpu.yield
    }) : () -> ()
    %mul3A_87 = arith.constant 625 : i32
    %mul3A_88 = arith.muli %arg1, %mul3A_87 : i32
    %add3A_89 = arith.constant 360 : i32
    %add3A_90 = arith.addi %mul3A_88, %add3A_89 : i32
    "tpu.region"() ({
      %run_scoped3A = tpu.sem_alloc : memref<!tpu.dma_semaphore, #tpu.memory_space<semaphore_mem>>
      %dma_start3A = arith.constant 0 : i32
      %dma_start3A_154 = tpu.memref_slice %arg11[%add3A_90, %dma_start3A] : memref<10000x16xf32, #tpu.memory_space<vmem_shared>> -> memref<40x16xf32, #tpu.memory_space<vmem_shared>>
      %dma_start3A_155 = arith.constant 0 : i32
      %dma_start3A_156 = tpu.memref_slice %arg11[%add3A_90, %dma_start3A_155] : memref<10000x16xf32, #tpu.memory_space<vmem_shared>> -> memref<40x16xf32, #tpu.memory_space<vmem_shared>>
      tpu.enqueue_dma source(%arg23 : memref<40x16xf32, #tpu.memory_space<vmem>>) target(%dma_start3A_156 : memref<40x16xf32, #tpu.memory_space<vmem_shared>>) target_semaphore(%run_scoped3A : memref<!tpu.dma_semaphore, #tpu.memory_space<semaphore_mem>>)
      %dma_wait3A = arith.constant 0 : i32
      %dma_wait3A_157 = tpu.memref_slice %arg11[%add3A_90, %dma_wait3A] : memref<10000x16xf32, #tpu.memory_space<vmem_shared>> -> memref<40x16xf32, #tpu.memory_space<vmem_shared>>
      %dma_wait3A_158 = arith.constant 0 : i32
      %dma_wait3A_159 = tpu.memref_slice %arg11[%add3A_90, %dma_wait3A_158] : memref<10000x16xf32, #tpu.memory_space<vmem_shared>> -> memref<40x16xf32, #tpu.memory_space<vmem_shared>>
      tpu.wait_dma2 semaphore(%run_scoped3A : memref<!tpu.dma_semaphore, #tpu.memory_space<semaphore_mem>>) src(%arg23 : memref<40x16xf32, #tpu.memory_space<vmem>>) dst(%dma_wait3A_159 : memref<40x16xf32, #tpu.memory_space<vmem_shared>>)
      tpu.yield
    }) : () -> ()
    %mul3A_91 = arith.constant 625 : i32
    %mul3A_92 = arith.muli %arg1, %mul3A_91 : i32
    %add3A_93 = arith.constant 400 : i32
    %add3A_94 = arith.addi %mul3A_92, %add3A_93 : i32
    "tpu.region"() ({
      %run_scoped3A = tpu.sem_alloc : memref<!tpu.dma_semaphore, #tpu.memory_space<semaphore_mem>>
      %dma_start3A = arith.constant 0 : i32
      %dma_start3A_154 = tpu.memref_slice %arg10[%add3A_94, %dma_start3A] : memref<10000x128xf32, #tpu.memory_space<vmem_shared>> -> memref<40x128xf32, #tpu.memory_space<vmem_shared>>
      %dma_start3A_155 = arith.constant 0 : i32
      %dma_start3A_156 = tpu.memref_slice %arg10[%add3A_94, %dma_start3A_155] : memref<10000x128xf32, #tpu.memory_space<vmem_shared>> -> memref<40x128xf32, #tpu.memory_space<vmem_shared>>
      tpu.enqueue_dma source(%arg20 : memref<40x128xf32, #tpu.memory_space<vmem>>) target(%dma_start3A_156 : memref<40x128xf32, #tpu.memory_space<vmem_shared>>) target_semaphore(%run_scoped3A : memref<!tpu.dma_semaphore, #tpu.memory_space<semaphore_mem>>)
      %dma_wait3A = arith.constant 0 : i32
      %dma_wait3A_157 = tpu.memref_slice %arg10[%add3A_94, %dma_wait3A] : memref<10000x128xf32, #tpu.memory_space<vmem_shared>> -> memref<40x128xf32, #tpu.memory_space<vmem_shared>>
      %dma_wait3A_158 = arith.constant 0 : i32
      %dma_wait3A_159 = tpu.memref_slice %arg10[%add3A_94, %dma_wait3A_158] : memref<10000x128xf32, #tpu.memory_space<vmem_shared>> -> memref<40x128xf32, #tpu.memory_space<vmem_shared>>
      tpu.wait_dma2 semaphore(%run_scoped3A : memref<!tpu.dma_semaphore, #tpu.memory_space<semaphore_mem>>) src(%arg20 : memref<40x128xf32, #tpu.memory_space<vmem>>) dst(%dma_wait3A_159 : memref<40x128xf32, #tpu.memory_space<vmem_shared>>)
      tpu.yield
    }) : () -> ()
    %mul3A_95 = arith.constant 625 : i32
    %mul3A_96 = arith.muli %arg1, %mul3A_95 : i32
    %add3A_97 = arith.constant 400 : i32
    %add3A_98 = arith.addi %mul3A_96, %add3A_97 : i32
    "tpu.region"() ({
      %run_scoped3A = tpu.sem_alloc : memref<!tpu.dma_semaphore, #tpu.memory_space<semaphore_mem>>
      %dma_start3A = arith.constant 0 : i32
      %dma_start3A_154 = tpu.memref_slice %arg11[%add3A_98, %dma_start3A] : memref<10000x16xf32, #tpu.memory_space<vmem_shared>> -> memref<40x16xf32, #tpu.memory_space<vmem_shared>>
      %dma_start3A_155 = arith.constant 0 : i32
      %dma_start3A_156 = tpu.memref_slice %arg11[%add3A_98, %dma_start3A_155] : memref<10000x16xf32, #tpu.memory_space<vmem_shared>> -> memref<40x16xf32, #tpu.memory_space<vmem_shared>>
      tpu.enqueue_dma source(%arg23 : memref<40x16xf32, #tpu.memory_space<vmem>>) target(%dma_start3A_156 : memref<40x16xf32, #tpu.memory_space<vmem_shared>>) target_semaphore(%run_scoped3A : memref<!tpu.dma_semaphore, #tpu.memory_space<semaphore_mem>>)
      %dma_wait3A = arith.constant 0 : i32
      %dma_wait3A_157 = tpu.memref_slice %arg11[%add3A_98, %dma_wait3A] : memref<10000x16xf32, #tpu.memory_space<vmem_shared>> -> memref<40x16xf32, #tpu.memory_space<vmem_shared>>
      %dma_wait3A_158 = arith.constant 0 : i32
      %dma_wait3A_159 = tpu.memref_slice %arg11[%add3A_98, %dma_wait3A_158] : memref<10000x16xf32, #tpu.memory_space<vmem_shared>> -> memref<40x16xf32, #tpu.memory_space<vmem_shared>>
      tpu.wait_dma2 semaphore(%run_scoped3A : memref<!tpu.dma_semaphore, #tpu.memory_space<semaphore_mem>>) src(%arg23 : memref<40x16xf32, #tpu.memory_space<vmem>>) dst(%dma_wait3A_159 : memref<40x16xf32, #tpu.memory_space<vmem_shared>>)
      tpu.yield
    }) : () -> ()
    %mul3A_99 = arith.constant 625 : i32
    %mul3A_100 = arith.muli %arg1, %mul3A_99 : i32
    %add3A_101 = arith.constant 440 : i32
    %add3A_102 = arith.addi %mul3A_100, %add3A_101 : i32
    "tpu.region"() ({
      %run_scoped3A = tpu.sem_alloc : memref<!tpu.dma_semaphore, #tpu.memory_space<semaphore_mem>>
      %dma_start3A = arith.constant 0 : i32
      %dma_start3A_154 = tpu.memref_slice %arg10[%add3A_102, %dma_start3A] : memref<10000x128xf32, #tpu.memory_space<vmem_shared>> -> memref<40x128xf32, #tpu.memory_space<vmem_shared>>
      %dma_start3A_155 = arith.constant 0 : i32
      %dma_start3A_156 = tpu.memref_slice %arg10[%add3A_102, %dma_start3A_155] : memref<10000x128xf32, #tpu.memory_space<vmem_shared>> -> memref<40x128xf32, #tpu.memory_space<vmem_shared>>
      tpu.enqueue_dma source(%arg20 : memref<40x128xf32, #tpu.memory_space<vmem>>) target(%dma_start3A_156 : memref<40x128xf32, #tpu.memory_space<vmem_shared>>) target_semaphore(%run_scoped3A : memref<!tpu.dma_semaphore, #tpu.memory_space<semaphore_mem>>)
      %dma_wait3A = arith.constant 0 : i32
      %dma_wait3A_157 = tpu.memref_slice %arg10[%add3A_102, %dma_wait3A] : memref<10000x128xf32, #tpu.memory_space<vmem_shared>> -> memref<40x128xf32, #tpu.memory_space<vmem_shared>>
      %dma_wait3A_158 = arith.constant 0 : i32
      %dma_wait3A_159 = tpu.memref_slice %arg10[%add3A_102, %dma_wait3A_158] : memref<10000x128xf32, #tpu.memory_space<vmem_shared>> -> memref<40x128xf32, #tpu.memory_space<vmem_shared>>
      tpu.wait_dma2 semaphore(%run_scoped3A : memref<!tpu.dma_semaphore, #tpu.memory_space<semaphore_mem>>) src(%arg20 : memref<40x128xf32, #tpu.memory_space<vmem>>) dst(%dma_wait3A_159 : memref<40x128xf32, #tpu.memory_space<vmem_shared>>)
      tpu.yield
    }) : () -> ()
    %mul3A_103 = arith.constant 625 : i32
    %mul3A_104 = arith.muli %arg1, %mul3A_103 : i32
    %add3A_105 = arith.constant 440 : i32
    %add3A_106 = arith.addi %mul3A_104, %add3A_105 : i32
    "tpu.region"() ({
      %run_scoped3A = tpu.sem_alloc : memref<!tpu.dma_semaphore, #tpu.memory_space<semaphore_mem>>
      %dma_start3A = arith.constant 0 : i32
      %dma_start3A_154 = tpu.memref_slice %arg11[%add3A_106, %dma_start3A] : memref<10000x16xf32, #tpu.memory_space<vmem_shared>> -> memref<40x16xf32, #tpu.memory_space<vmem_shared>>
      %dma_start3A_155 = arith.constant 0 : i32
      %dma_start3A_156 = tpu.memref_slice %arg11[%add3A_106, %dma_start3A_155] : memref<10000x16xf32, #tpu.memory_space<vmem_shared>> -> memref<40x16xf32, #tpu.memory_space<vmem_shared>>
      tpu.enqueue_dma source(%arg23 : memref<40x16xf32, #tpu.memory_space<vmem>>) target(%dma_start3A_156 : memref<40x16xf32, #tpu.memory_space<vmem_shared>>) target_semaphore(%run_scoped3A : memref<!tpu.dma_semaphore, #tpu.memory_space<semaphore_mem>>)
      %dma_wait3A = arith.constant 0 : i32
      %dma_wait3A_157 = tpu.memref_slice %arg11[%add3A_106, %dma_wait3A] : memref<10000x16xf32, #tpu.memory_space<vmem_shared>> -> memref<40x16xf32, #tpu.memory_space<vmem_shared>>
      %dma_wait3A_158 = arith.constant 0 : i32
      %dma_wait3A_159 = tpu.memref_slice %arg11[%add3A_106, %dma_wait3A_158] : memref<10000x16xf32, #tpu.memory_space<vmem_shared>> -> memref<40x16xf32, #tpu.memory_space<vmem_shared>>
      tpu.wait_dma2 semaphore(%run_scoped3A : memref<!tpu.dma_semaphore, #tpu.memory_space<semaphore_mem>>) src(%arg23 : memref<40x16xf32, #tpu.memory_space<vmem>>) dst(%dma_wait3A_159 : memref<40x16xf32, #tpu.memory_space<vmem_shared>>)
      tpu.yield
    }) : () -> ()
    %mul3A_107 = arith.constant 625 : i32
    %mul3A_108 = arith.muli %arg1, %mul3A_107 : i32
    %add3A_109 = arith.constant 480 : i32
    %add3A_110 = arith.addi %mul3A_108, %add3A_109 : i32
    "tpu.region"() ({
      %run_scoped3A = tpu.sem_alloc : memref<!tpu.dma_semaphore, #tpu.memory_space<semaphore_mem>>
      %dma_start3A = arith.constant 0 : i32
      %dma_start3A_154 = tpu.memref_slice %arg10[%add3A_110, %dma_start3A] : memref<10000x128xf32, #tpu.memory_space<vmem_shared>> -> memref<40x128xf32, #tpu.memory_space<vmem_shared>>
      %dma_start3A_155 = arith.constant 0 : i32
      %dma_start3A_156 = tpu.memref_slice %arg10[%add3A_110, %dma_start3A_155] : memref<10000x128xf32, #tpu.memory_space<vmem_shared>> -> memref<40x128xf32, #tpu.memory_space<vmem_shared>>
      tpu.enqueue_dma source(%arg20 : memref<40x128xf32, #tpu.memory_space<vmem>>) target(%dma_start3A_156 : memref<40x128xf32, #tpu.memory_space<vmem_shared>>) target_semaphore(%run_scoped3A : memref<!tpu.dma_semaphore, #tpu.memory_space<semaphore_mem>>)
      %dma_wait3A = arith.constant 0 : i32
      %dma_wait3A_157 = tpu.memref_slice %arg10[%add3A_110, %dma_wait3A] : memref<10000x128xf32, #tpu.memory_space<vmem_shared>> -> memref<40x128xf32, #tpu.memory_space<vmem_shared>>
      %dma_wait3A_158 = arith.constant 0 : i32
      %dma_wait3A_159 = tpu.memref_slice %arg10[%add3A_110, %dma_wait3A_158] : memref<10000x128xf32, #tpu.memory_space<vmem_shared>> -> memref<40x128xf32, #tpu.memory_space<vmem_shared>>
      tpu.wait_dma2 semaphore(%run_scoped3A : memref<!tpu.dma_semaphore, #tpu.memory_space<semaphore_mem>>) src(%arg20 : memref<40x128xf32, #tpu.memory_space<vmem>>) dst(%dma_wait3A_159 : memref<40x128xf32, #tpu.memory_space<vmem_shared>>)
      tpu.yield
    }) : () -> ()
    %mul3A_111 = arith.constant 625 : i32
    %mul3A_112 = arith.muli %arg1, %mul3A_111 : i32
    %add3A_113 = arith.constant 480 : i32
    %add3A_114 = arith.addi %mul3A_112, %add3A_113 : i32
    "tpu.region"() ({
      %run_scoped3A = tpu.sem_alloc : memref<!tpu.dma_semaphore, #tpu.memory_space<semaphore_mem>>
      %dma_start3A = arith.constant 0 : i32
      %dma_start3A_154 = tpu.memref_slice %arg11[%add3A_114, %dma_start3A] : memref<10000x16xf32, #tpu.memory_space<vmem_shared>> -> memref<40x16xf32, #tpu.memory_space<vmem_shared>>
      %dma_start3A_155 = arith.constant 0 : i32
      %dma_start3A_156 = tpu.memref_slice %arg11[%add3A_114, %dma_start3A_155] : memref<10000x16xf32, #tpu.memory_space<vmem_shared>> -> memref<40x16xf32, #tpu.memory_space<vmem_shared>>
      tpu.enqueue_dma source(%arg23 : memref<40x16xf32, #tpu.memory_space<vmem>>) target(%dma_start3A_156 : memref<40x16xf32, #tpu.memory_space<vmem_shared>>) target_semaphore(%run_scoped3A : memref<!tpu.dma_semaphore, #tpu.memory_space<semaphore_mem>>)
      %dma_wait3A = arith.constant 0 : i32
      %dma_wait3A_157 = tpu.memref_slice %arg11[%add3A_114, %dma_wait3A] : memref<10000x16xf32, #tpu.memory_space<vmem_shared>> -> memref<40x16xf32, #tpu.memory_space<vmem_shared>>
      %dma_wait3A_158 = arith.constant 0 : i32
      %dma_wait3A_159 = tpu.memref_slice %arg11[%add3A_114, %dma_wait3A_158] : memref<10000x16xf32, #tpu.memory_space<vmem_shared>> -> memref<40x16xf32, #tpu.memory_space<vmem_shared>>
      tpu.wait_dma2 semaphore(%run_scoped3A : memref<!tpu.dma_semaphore, #tpu.memory_space<semaphore_mem>>) src(%arg23 : memref<40x16xf32, #tpu.memory_space<vmem>>) dst(%dma_wait3A_159 : memref<40x16xf32, #tpu.memory_space<vmem_shared>>)
      tpu.yield
    }) : () -> ()
    %mul3A_115 = arith.constant 625 : i32
    %mul3A_116 = arith.muli %arg1, %mul3A_115 : i32
    %add3A_117 = arith.constant 520 : i32
    %add3A_118 = arith.addi %mul3A_116, %add3A_117 : i32
    "tpu.region"() ({
      %run_scoped3A = tpu.sem_alloc : memref<!tpu.dma_semaphore, #tpu.memory_space<semaphore_mem>>
      %dma_start3A = arith.constant 0 : i32
      %dma_start3A_154 = tpu.memref_slice %arg10[%add3A_118, %dma_start3A] : memref<10000x128xf32, #tpu.memory_space<vmem_shared>> -> memref<40x128xf32, #tpu.memory_space<vmem_shared>>
      %dma_start3A_155 = arith.constant 0 : i32
      %dma_start3A_156 = tpu.memref_slice %arg10[%add3A_118, %dma_start3A_155] : memref<10000x128xf32, #tpu.memory_space<vmem_shared>> -> memref<40x128xf32, #tpu.memory_space<vmem_shared>>
      tpu.enqueue_dma source(%arg20 : memref<40x128xf32, #tpu.memory_space<vmem>>) target(%dma_start3A_156 : memref<40x128xf32, #tpu.memory_space<vmem_shared>>) target_semaphore(%run_scoped3A : memref<!tpu.dma_semaphore, #tpu.memory_space<semaphore_mem>>)
      %dma_wait3A = arith.constant 0 : i32
      %dma_wait3A_157 = tpu.memref_slice %arg10[%add3A_118, %dma_wait3A] : memref<10000x128xf32, #tpu.memory_space<vmem_shared>> -> memref<40x128xf32, #tpu.memory_space<vmem_shared>>
      %dma_wait3A_158 = arith.constant 0 : i32
      %dma_wait3A_159 = tpu.memref_slice %arg10[%add3A_118, %dma_wait3A_158] : memref<10000x128xf32, #tpu.memory_space<vmem_shared>> -> memref<40x128xf32, #tpu.memory_space<vmem_shared>>
      tpu.wait_dma2 semaphore(%run_scoped3A : memref<!tpu.dma_semaphore, #tpu.memory_space<semaphore_mem>>) src(%arg20 : memref<40x128xf32, #tpu.memory_space<vmem>>) dst(%dma_wait3A_159 : memref<40x128xf32, #tpu.memory_space<vmem_shared>>)
      tpu.yield
    }) : () -> ()
    %mul3A_119 = arith.constant 625 : i32
    %mul3A_120 = arith.muli %arg1, %mul3A_119 : i32
    %add3A_121 = arith.constant 520 : i32
    %add3A_122 = arith.addi %mul3A_120, %add3A_121 : i32
    "tpu.region"() ({
      %run_scoped3A = tpu.sem_alloc : memref<!tpu.dma_semaphore, #tpu.memory_space<semaphore_mem>>
      %dma_start3A = arith.constant 0 : i32
      %dma_start3A_154 = tpu.memref_slice %arg11[%add3A_122, %dma_start3A] : memref<10000x16xf32, #tpu.memory_space<vmem_shared>> -> memref<40x16xf32, #tpu.memory_space<vmem_shared>>
      %dma_start3A_155 = arith.constant 0 : i32
      %dma_start3A_156 = tpu.memref_slice %arg11[%add3A_122, %dma_start3A_155] : memref<10000x16xf32, #tpu.memory_space<vmem_shared>> -> memref<40x16xf32, #tpu.memory_space<vmem_shared>>
      tpu.enqueue_dma source(%arg23 : memref<40x16xf32, #tpu.memory_space<vmem>>) target(%dma_start3A_156 : memref<40x16xf32, #tpu.memory_space<vmem_shared>>) target_semaphore(%run_scoped3A : memref<!tpu.dma_semaphore, #tpu.memory_space<semaphore_mem>>)
      %dma_wait3A = arith.constant 0 : i32
      %dma_wait3A_157 = tpu.memref_slice %arg11[%add3A_122, %dma_wait3A] : memref<10000x16xf32, #tpu.memory_space<vmem_shared>> -> memref<40x16xf32, #tpu.memory_space<vmem_shared>>
      %dma_wait3A_158 = arith.constant 0 : i32
      %dma_wait3A_159 = tpu.memref_slice %arg11[%add3A_122, %dma_wait3A_158] : memref<10000x16xf32, #tpu.memory_space<vmem_shared>> -> memref<40x16xf32, #tpu.memory_space<vmem_shared>>
      tpu.wait_dma2 semaphore(%run_scoped3A : memref<!tpu.dma_semaphore, #tpu.memory_space<semaphore_mem>>) src(%arg23 : memref<40x16xf32, #tpu.memory_space<vmem>>) dst(%dma_wait3A_159 : memref<40x16xf32, #tpu.memory_space<vmem_shared>>)
      tpu.yield
    }) : () -> ()
    %mul3A_123 = arith.constant 625 : i32
    %mul3A_124 = arith.muli %arg1, %mul3A_123 : i32
    %add3A_125 = arith.constant 560 : i32
    %add3A_126 = arith.addi %mul3A_124, %add3A_125 : i32
    "tpu.region"() ({
      %run_scoped3A = tpu.sem_alloc : memref<!tpu.dma_semaphore, #tpu.memory_space<semaphore_mem>>
      %dma_start3A = arith.constant 0 : i32
      %dma_start3A_154 = tpu.memref_slice %arg10[%add3A_126, %dma_start3A] : memref<10000x128xf32, #tpu.memory_space<vmem_shared>> -> memref<40x128xf32, #tpu.memory_space<vmem_shared>>
      %dma_start3A_155 = arith.constant 0 : i32
      %dma_start3A_156 = tpu.memref_slice %arg10[%add3A_126, %dma_start3A_155] : memref<10000x128xf32, #tpu.memory_space<vmem_shared>> -> memref<40x128xf32, #tpu.memory_space<vmem_shared>>
      tpu.enqueue_dma source(%arg20 : memref<40x128xf32, #tpu.memory_space<vmem>>) target(%dma_start3A_156 : memref<40x128xf32, #tpu.memory_space<vmem_shared>>) target_semaphore(%run_scoped3A : memref<!tpu.dma_semaphore, #tpu.memory_space<semaphore_mem>>)
      %dma_wait3A = arith.constant 0 : i32
      %dma_wait3A_157 = tpu.memref_slice %arg10[%add3A_126, %dma_wait3A] : memref<10000x128xf32, #tpu.memory_space<vmem_shared>> -> memref<40x128xf32, #tpu.memory_space<vmem_shared>>
      %dma_wait3A_158 = arith.constant 0 : i32
      %dma_wait3A_159 = tpu.memref_slice %arg10[%add3A_126, %dma_wait3A_158] : memref<10000x128xf32, #tpu.memory_space<vmem_shared>> -> memref<40x128xf32, #tpu.memory_space<vmem_shared>>
      tpu.wait_dma2 semaphore(%run_scoped3A : memref<!tpu.dma_semaphore, #tpu.memory_space<semaphore_mem>>) src(%arg20 : memref<40x128xf32, #tpu.memory_space<vmem>>) dst(%dma_wait3A_159 : memref<40x128xf32, #tpu.memory_space<vmem_shared>>)
      tpu.yield
    }) : () -> ()
    %mul3A_127 = arith.constant 625 : i32
    %mul3A_128 = arith.muli %arg1, %mul3A_127 : i32
    %add3A_129 = arith.constant 560 : i32
    %add3A_130 = arith.addi %mul3A_128, %add3A_129 : i32
    "tpu.region"() ({
      %run_scoped3A = tpu.sem_alloc : memref<!tpu.dma_semaphore, #tpu.memory_space<semaphore_mem>>
      %dma_start3A = arith.constant 0 : i32
      %dma_start3A_154 = tpu.memref_slice %arg11[%add3A_130, %dma_start3A] : memref<10000x16xf32, #tpu.memory_space<vmem_shared>> -> memref<40x16xf32, #tpu.memory_space<vmem_shared>>
      %dma_start3A_155 = arith.constant 0 : i32
      %dma_start3A_156 = tpu.memref_slice %arg11[%add3A_130, %dma_start3A_155] : memref<10000x16xf32, #tpu.memory_space<vmem_shared>> -> memref<40x16xf32, #tpu.memory_space<vmem_shared>>
      tpu.enqueue_dma source(%arg23 : memref<40x16xf32, #tpu.memory_space<vmem>>) target(%dma_start3A_156 : memref<40x16xf32, #tpu.memory_space<vmem_shared>>) target_semaphore(%run_scoped3A : memref<!tpu.dma_semaphore, #tpu.memory_space<semaphore_mem>>)
      %dma_wait3A = arith.constant 0 : i32
      %dma_wait3A_157 = tpu.memref_slice %arg11[%add3A_130, %dma_wait3A] : memref<10000x16xf32, #tpu.memory_space<vmem_shared>> -> memref<40x16xf32, #tpu.memory_space<vmem_shared>>
      %dma_wait3A_158 = arith.constant 0 : i32
      %dma_wait3A_159 = tpu.memref_slice %arg11[%add3A_130, %dma_wait3A_158] : memref<10000x16xf32, #tpu.memory_space<vmem_shared>> -> memref<40x16xf32, #tpu.memory_space<vmem_shared>>
      tpu.wait_dma2 semaphore(%run_scoped3A : memref<!tpu.dma_semaphore, #tpu.memory_space<semaphore_mem>>) src(%arg23 : memref<40x16xf32, #tpu.memory_space<vmem>>) dst(%dma_wait3A_159 : memref<40x16xf32, #tpu.memory_space<vmem_shared>>)
      tpu.yield
    }) : () -> ()
    %mul3A_131 = arith.constant 625 : i32
    %mul3A_132 = arith.muli %arg1, %mul3A_131 : i32
    %add3A_133 = arith.constant 600 : i32
    %add3A_134 = arith.addi %mul3A_132, %add3A_133 : i32
    "tpu.region"() ({
      %run_scoped3A = tpu.sem_alloc : memref<!tpu.dma_semaphore, #tpu.memory_space<semaphore_mem>>
      %dma_start3A = arith.constant 0 : i32
      %dma_start3A_154 = arith.constant 0 : i32
      %dma_start3A_155 = tpu.memref_slice %arg20[%dma_start3A, %dma_start3A_154] : memref<40x128xf32, #tpu.memory_space<vmem>> -> memref<25x128xf32, #tpu.memory_space<vmem>>
      %dma_start3A_156 = arith.constant 0 : i32
      %dma_start3A_157 = tpu.memref_slice %arg10[%add3A_134, %dma_start3A_156] : memref<10000x128xf32, #tpu.memory_space<vmem_shared>> -> memref<25x128xf32, #tpu.memory_space<vmem_shared>>
      %dma_start3A_158 = arith.constant 0 : i32
      %dma_start3A_159 = tpu.memref_slice %arg10[%add3A_134, %dma_start3A_158] : memref<10000x128xf32, #tpu.memory_space<vmem_shared>> -> memref<25x128xf32, #tpu.memory_space<vmem_shared>>
      %dma_start3A_160 = arith.constant 0 : i32
      %dma_start3A_161 = arith.constant 0 : i32
      %dma_start3A_162 = tpu.memref_slice %arg20[%dma_start3A_160, %dma_start3A_161] : memref<40x128xf32, #tpu.memory_space<vmem>> -> memref<25x128xf32, #tpu.memory_space<vmem>>
      tpu.enqueue_dma source(%dma_start3A_162 : memref<25x128xf32, #tpu.memory_space<vmem>>) target(%dma_start3A_159 : memref<25x128xf32, #tpu.memory_space<vmem_shared>>) target_semaphore(%run_scoped3A : memref<!tpu.dma_semaphore, #tpu.memory_space<semaphore_mem>>)
      %dma_wait3A = arith.constant 0 : i32
      %dma_wait3A_163 = arith.constant 0 : i32
      %dma_wait3A_164 = tpu.memref_slice %arg20[%dma_wait3A, %dma_wait3A_163] : memref<40x128xf32, #tpu.memory_space<vmem>> -> memref<25x128xf32, #tpu.memory_space<vmem>>
      %dma_wait3A_165 = arith.constant 0 : i32
      %dma_wait3A_166 = tpu.memref_slice %arg10[%add3A_134, %dma_wait3A_165] : memref<10000x128xf32, #tpu.memory_space<vmem_shared>> -> memref<25x128xf32, #tpu.memory_space<vmem_shared>>
      %dma_wait3A_167 = arith.constant 0 : i32
      %dma_wait3A_168 = tpu.memref_slice %arg10[%add3A_134, %dma_wait3A_167] : memref<10000x128xf32, #tpu.memory_space<vmem_shared>> -> memref<25x128xf32, #tpu.memory_space<vmem_shared>>
      %dma_wait3A_169 = arith.constant 0 : i32
      %dma_wait3A_170 = arith.constant 0 : i32
      %dma_wait3A_171 = tpu.memref_slice %arg20[%dma_wait3A_169, %dma_wait3A_170] : memref<40x128xf32, #tpu.memory_space<vmem>> -> memref<25x128xf32, #tpu.memory_space<vmem>>
      tpu.wait_dma2 semaphore(%run_scoped3A : memref<!tpu.dma_semaphore, #tpu.memory_space<semaphore_mem>>) src(%dma_wait3A_171 : memref<25x128xf32, #tpu.memory_space<vmem>>) dst(%dma_wait3A_168 : memref<25x128xf32, #tpu.memory_space<vmem_shared>>)
      tpu.yield
    }) : () -> ()
    %mul3A_135 = arith.constant 625 : i32
    %mul3A_136 = arith.muli %arg1, %mul3A_135 : i32
    %add3A_137 = arith.constant 600 : i32
    %add3A_138 = arith.addi %mul3A_136, %add3A_137 : i32
    "tpu.region"() ({
      %run_scoped3A = tpu.sem_alloc : memref<!tpu.dma_semaphore, #tpu.memory_space<semaphore_mem>>
      %dma_start3A = arith.constant 0 : i32
      %dma_start3A_154 = arith.constant 0 : i32
      %dma_start3A_155 = tpu.memref_slice %arg23[%dma_start3A, %dma_start3A_154] : memref<40x16xf32, #tpu.memory_space<vmem>> -> memref<25x16xf32, #tpu.memory_space<vmem>>
      %dma_start3A_156 = arith.constant 0 : i32
      %dma_start3A_157 = tpu.memref_slice %arg11[%add3A_138, %dma_start3A_156] : memref<10000x16xf32, #tpu.memory_space<vmem_shared>> -> memref<25x16xf32, #tpu.memory_space<vmem_shared>>
      %dma_start3A_158 = arith.constant 0 : i32
      %dma_start3A_159 = tpu.memref_slice %arg11[%add3A_138, %dma_start3A_158] : memref<10000x16xf32, #tpu.memory_space<vmem_shared>> -> memref<25x16xf32, #tpu.memory_space<vmem_shared>>
      %dma_start3A_160 = arith.constant 0 : i32
      %dma_start3A_161 = arith.constant 0 : i32
      %dma_start3A_162 = tpu.memref_slice %arg23[%dma_start3A_160, %dma_start3A_161] : memref<40x16xf32, #tpu.memory_space<vmem>> -> memref<25x16xf32, #tpu.memory_space<vmem>>
      tpu.enqueue_dma source(%dma_start3A_162 : memref<25x16xf32, #tpu.memory_space<vmem>>) target(%dma_start3A_159 : memref<25x16xf32, #tpu.memory_space<vmem_shared>>) target_semaphore(%run_scoped3A : memref<!tpu.dma_semaphore, #tpu.memory_space<semaphore_mem>>)
      %dma_wait3A = arith.constant 0 : i32
      %dma_wait3A_163 = arith.constant 0 : i32
      %dma_wait3A_164 = tpu.memref_slice %arg23[%dma_wait3A, %dma_wait3A_163] : memref<40x16xf32, #tpu.memory_space<vmem>> -> memref<25x16xf32, #tpu.memory_space<vmem>>
      %dma_wait3A_165 = arith.constant 0 : i32
      %dma_wait3A_166 = tpu.memref_slice %arg11[%add3A_138, %dma_wait3A_165] : memref<10000x16xf32, #tpu.memory_space<vmem_shared>> -> memref<25x16xf32, #tpu.memory_space<vmem_shared>>
      %dma_wait3A_167 = arith.constant 0 : i32
      %dma_wait3A_168 = tpu.memref_slice %arg11[%add3A_138, %dma_wait3A_167] : memref<10000x16xf32, #tpu.memory_space<vmem_shared>> -> memref<25x16xf32, #tpu.memory_space<vmem_shared>>
      %dma_wait3A_169 = arith.constant 0 : i32
      %dma_wait3A_170 = arith.constant 0 : i32
      %dma_wait3A_171 = tpu.memref_slice %arg23[%dma_wait3A_169, %dma_wait3A_170] : memref<40x16xf32, #tpu.memory_space<vmem>> -> memref<25x16xf32, #tpu.memory_space<vmem>>
      tpu.wait_dma2 semaphore(%run_scoped3A : memref<!tpu.dma_semaphore, #tpu.memory_space<semaphore_mem>>) src(%dma_wait3A_171 : memref<25x16xf32, #tpu.memory_space<vmem>>) dst(%dma_wait3A_168 : memref<25x16xf32, #tpu.memory_space<vmem_shared>>)
      tpu.yield
    }) : () -> ()
    %barrier3A = arith.constant 0 : index
    tpu.barrier barrier_id(%barrier3A)
    %scan3A_139 = arith.constant 0 : i32
    %scan3A_140 = arith.constant 0 : i32
    %scan3A_141 = arith.constant 5 : i32
    %scan3A_142 = arith.addi %scan3A_140, %scan3A_141 : i32
    %scan3A_143 = arith.constant 1 : i32
    scf.for %scan3A_154 = %scan3A_140 to %scan3A_142 step %scan3A_143  : i32 {
      %mul3A_155 = arith.constant 5000 : i32
      %mul3A_156 = arith.muli %add3A, %mul3A_155 : i32
      %mul3A_157 = arith.constant 50 : i32
      %mul3A_158 = arith.muli %scan3A_154, %mul3A_157 : i32
      %mul3A_159 = arith.constant 20 : i32
      %mul3A_160 = arith.muli %mul3A_158, %mul3A_159 : i32
      %add3A_161 = arith.addi %mul3A_156, %mul3A_160 : i32
      %mul3A_162 = arith.constant 250 : i32
      %mul3A_163 = arith.muli %add3A, %mul3A_162 : i32
      %mul3A_164 = arith.constant 50 : i32
      %mul3A_165 = arith.muli %scan3A_154, %mul3A_164 : i32
      %add3A_166 = arith.addi %mul3A_163, %mul3A_165 : i32
      "tpu.region"() ({
        %run_scoped3A = tpu.sem_alloc : memref<!tpu.dma_semaphore, #tpu.memory_space<semaphore_mem>>
        %dma_start3A_235 = arith.constant 0 : i32
        %dma_start3A_236 = tpu.memref_slice %arg5[%add3A_166, %dma_start3A_235] : memref<8000x40xi32, #tpu.memory_space<hbm>> -> memref<50x40xi32, #tpu.memory_space<hbm>>
        %dma_start3A_237 = arith.constant 0 : i32
        %dma_start3A_238 = tpu.memref_slice %arg5[%add3A_166, %dma_start3A_237] : memref<8000x40xi32, #tpu.memory_space<hbm>> -> memref<50x40xi32, #tpu.memory_space<hbm>>
        tpu.enqueue_dma source(%dma_start3A_238 : memref<50x40xi32, #tpu.memory_space<hbm>>) target(%arg12 : memref<50x40xi32, #tpu.memory_space<vmem>>) target_semaphore(%run_scoped3A : memref<!tpu.dma_semaphore, #tpu.memory_space<semaphore_mem>>)
        %dma_wait3A_239 = arith.constant 0 : i32
        %dma_wait3A_240 = tpu.memref_slice %arg5[%add3A_166, %dma_wait3A_239] : memref<8000x40xi32, #tpu.memory_space<hbm>> -> memref<50x40xi32, #tpu.memory_space<hbm>>
        %dma_wait3A_241 = arith.constant 0 : i32
        %dma_wait3A_242 = tpu.memref_slice %arg5[%add3A_166, %dma_wait3A_241] : memref<8000x40xi32, #tpu.memory_space<hbm>> -> memref<50x40xi32, #tpu.memory_space<hbm>>
        tpu.wait_dma2 semaphore(%run_scoped3A : memref<!tpu.dma_semaphore, #tpu.memory_space<semaphore_mem>>) src(%dma_wait3A_242 : memref<50x40xi32, #tpu.memory_space<hbm>>) dst(%arg12 : memref<50x40xi32, #tpu.memory_space<vmem>>)
        tpu.yield
      }) : () -> ()
      "tpu.region"() ({
        %run_scoped3A = tpu.sem_alloc : memref<!tpu.dma_semaphore, #tpu.memory_space<semaphore_mem>>
        %dma_start3A_235 = arith.constant 0 : i32
        %dma_start3A_236 = tpu.memref_slice %arg6[%add3A_166, %dma_start3A_235] : memref<8000x40xi32, #tpu.memory_space<hbm>> -> memref<50x40xi32, #tpu.memory_space<hbm>>
        %dma_start3A_237 = arith.constant 0 : i32
        %dma_start3A_238 = tpu.memref_slice %arg6[%add3A_166, %dma_start3A_237] : memref<8000x40xi32, #tpu.memory_space<hbm>> -> memref<50x40xi32, #tpu.memory_space<hbm>>
        tpu.enqueue_dma source(%dma_start3A_238 : memref<50x40xi32, #tpu.memory_space<hbm>>) target(%arg13 : memref<50x40xi32, #tpu.memory_space<vmem>>) target_semaphore(%run_scoped3A : memref<!tpu.dma_semaphore, #tpu.memory_space<semaphore_mem>>)
        %dma_wait3A_239 = arith.constant 0 : i32
        %dma_wait3A_240 = tpu.memref_slice %arg6[%add3A_166, %dma_wait3A_239] : memref<8000x40xi32, #tpu.memory_space<hbm>> -> memref<50x40xi32, #tpu.memory_space<hbm>>
        %dma_wait3A_241 = arith.constant 0 : i32
        %dma_wait3A_242 = tpu.memref_slice %arg6[%add3A_166, %dma_wait3A_241] : memref<8000x40xi32, #tpu.memory_space<hbm>> -> memref<50x40xi32, #tpu.memory_space<hbm>>
        tpu.wait_dma2 semaphore(%run_scoped3A : memref<!tpu.dma_semaphore, #tpu.memory_space<semaphore_mem>>) src(%dma_wait3A_242 : memref<50x40xi32, #tpu.memory_space<hbm>>) dst(%arg13 : memref<50x40xi32, #tpu.memory_space<vmem>>)
        tpu.yield
      }) : () -> ()
      %dma_start3A = arith.constant 0 : i32
      %dma_start3A_167 = arith.constant 0 : i32
      %dma_start3A_168 = tpu.memref_slice %arg12[%dma_start3A, %dma_start3A_167] : memref<50x40xi32, #tpu.memory_space<vmem>> -> memref<1x40xi32, #tpu.memory_space<vmem>>
      %dma_start3A_169 = tpu.memref_squeeze %dma_start3A_168 : memref<1x40xi32, #tpu.memory_space<vmem>> -> memref<40xi32, #tpu.memory_space<vmem>>
      %dma_start3A_170 = arith.constant 0 : i32
      %dma_start3A_171 = arith.constant 0 : i32
      %dma_start3A_172 = tpu.memref_slice %arg2[%dma_start3A_170, %dma_start3A_171] : memref<10000x64xi32, #tpu.memory_space<hbm>> -> memref<10000x64xi32, #tpu.memory_space<hbm>>
      tpu.enqueue_indirect_dma source(%dma_start3A_172 : memref<10000x64xi32, #tpu.memory_space<hbm>>) target(%arg14 : memref<40x64xi32, #tpu.memory_space<vmem>>) offsets(%dma_start3A_169 : memref<40xi32, #tpu.memory_space<vmem>>) semaphore(%arg24 : memref<!tpu.dma_semaphore, #tpu.memory_space<semaphore_mem>>)
      %dma_start3A_173 = arith.constant 0 : i32
      %dma_start3A_174 = arith.constant 0 : i32
      %dma_start3A_175 = tpu.memref_slice %arg13[%dma_start3A_173, %dma_start3A_174] : memref<50x40xi32, #tpu.memory_space<vmem>> -> memref<1x40xi32, #tpu.memory_space<vmem>>
      %dma_start3A_176 = tpu.memref_squeeze %dma_start3A_175 : memref<1x40xi32, #tpu.memory_space<vmem>> -> memref<40xi32, #tpu.memory_space<vmem>>
      %dma_start3A_177 = arith.constant 0 : i32
      %dma_start3A_178 = arith.constant 0 : i32
      %dma_start3A_179 = tpu.memref_slice %arg3[%dma_start3A_177, %dma_start3A_178] : memref<10000x64xi32, #tpu.memory_space<hbm>> -> memref<10000x64xi32, #tpu.memory_space<hbm>>
      tpu.enqueue_indirect_dma source(%dma_start3A_179 : memref<10000x64xi32, #tpu.memory_space<hbm>>) target(%arg15 : memref<40x64xi32, #tpu.memory_space<vmem>>) offsets(%dma_start3A_176 : memref<40xi32, #tpu.memory_space<vmem>>) semaphore(%arg25 : memref<!tpu.dma_semaphore, #tpu.memory_space<semaphore_mem>>)
      %add3A_180 = arith.constant 0 : i32
      %add3A_181 = arith.addi %add3A_161, %add3A_180 : i32
      %dma_start3A_182 = arith.constant 0 : i32
      %dma_start3A_183 = tpu.memref_slice %arg4[%add3A_181, %dma_start3A_182] : memref<160000x128xi32, #tpu.memory_space<hbm>> -> memref<20x128xi32, #tpu.memory_space<hbm>>
      %dma_start3A_184 = arith.constant 0 : i32
      %dma_start3A_185 = tpu.memref_slice %arg4[%add3A_181, %dma_start3A_184] : memref<160000x128xi32, #tpu.memory_space<hbm>> -> memref<20x128xi32, #tpu.memory_space<hbm>>
      tpu.enqueue_dma source(%dma_start3A_185 : memref<20x128xi32, #tpu.memory_space<hbm>>) target(%arg16 : memref<20x128xi32, #tpu.memory_space<vmem>>) target_semaphore(%arg26 : memref<!tpu.dma_semaphore, #tpu.memory_space<semaphore_mem>>)
      %dma_start3A_186 = arith.constant 1 : i32
      %dma_start3A_187 = arith.constant 0 : i32
      %dma_start3A_188 = tpu.memref_slice %arg12[%dma_start3A_186, %dma_start3A_187] : memref<50x40xi32, #tpu.memory_space<vmem>> -> memref<1x40xi32, #tpu.memory_space<vmem>>
      %dma_start3A_189 = tpu.memref_squeeze %dma_start3A_188 : memref<1x40xi32, #tpu.memory_space<vmem>> -> memref<40xi32, #tpu.memory_space<vmem>>
      %dma_start3A_190 = arith.constant 0 : i32
      %dma_start3A_191 = arith.constant 0 : i32
      %dma_start3A_192 = tpu.memref_slice %arg2[%dma_start3A_190, %dma_start3A_191] : memref<10000x64xi32, #tpu.memory_space<hbm>> -> memref<10000x64xi32, #tpu.memory_space<hbm>>
      tpu.enqueue_indirect_dma source(%dma_start3A_192 : memref<10000x64xi32, #tpu.memory_space<hbm>>) target(%arg17 : memref<40x64xi32, #tpu.memory_space<vmem>>) offsets(%dma_start3A_189 : memref<40xi32, #tpu.memory_space<vmem>>) semaphore(%arg27 : memref<!tpu.dma_semaphore, #tpu.memory_space<semaphore_mem>>)
      %dma_start3A_193 = arith.constant 1 : i32
      %dma_start3A_194 = arith.constant 0 : i32
      %dma_start3A_195 = tpu.memref_slice %arg13[%dma_start3A_193, %dma_start3A_194] : memref<50x40xi32, #tpu.memory_space<vmem>> -> memref<1x40xi32, #tpu.memory_space<vmem>>
      %dma_start3A_196 = tpu.memref_squeeze %dma_start3A_195 : memref<1x40xi32, #tpu.memory_space<vmem>> -> memref<40xi32, #tpu.memory_space<vmem>>
      %dma_start3A_197 = arith.constant 0 : i32
      %dma_start3A_198 = arith.constant 0 : i32
      %dma_start3A_199 = tpu.memref_slice %arg3[%dma_start3A_197, %dma_start3A_198] : memref<10000x64xi32, #tpu.memory_space<hbm>> -> memref<10000x64xi32, #tpu.memory_space<hbm>>
      tpu.enqueue_indirect_dma source(%dma_start3A_199 : memref<10000x64xi32, #tpu.memory_space<hbm>>) target(%arg18 : memref<40x64xi32, #tpu.memory_space<vmem>>) offsets(%dma_start3A_196 : memref<40xi32, #tpu.memory_space<vmem>>) semaphore(%arg28 : memref<!tpu.dma_semaphore, #tpu.memory_space<semaphore_mem>>)
      %add3A_200 = arith.constant 20 : i32
      %add3A_201 = arith.addi %add3A_161, %add3A_200 : i32
      %dma_start3A_202 = arith.constant 0 : i32
      %dma_start3A_203 = tpu.memref_slice %arg4[%add3A_201, %dma_start3A_202] : memref<160000x128xi32, #tpu.memory_space<hbm>> -> memref<20x128xi32, #tpu.memory_space<hbm>>
      %dma_start3A_204 = arith.constant 0 : i32
      %dma_start3A_205 = tpu.memref_slice %arg4[%add3A_201, %dma_start3A_204] : memref<160000x128xi32, #tpu.memory_space<hbm>> -> memref<20x128xi32, #tpu.memory_space<hbm>>
      tpu.enqueue_dma source(%dma_start3A_205 : memref<20x128xi32, #tpu.memory_space<hbm>>) target(%arg19 : memref<20x128xi32, #tpu.memory_space<vmem>>) target_semaphore(%arg29 : memref<!tpu.dma_semaphore, #tpu.memory_space<semaphore_mem>>)
      %scan3A_206 = arith.constant 0 : i32
      %scan3A_207 = arith.constant 0 : i32
      %scan3A_208 = arith.constant 25 : i32
      %scan3A_209 = arith.addi %scan3A_207, %scan3A_208 : i32
      %scan3A_210 = arith.constant 1 : i32
      scf.for %scan3A_235 = %scan3A_207 to %scan3A_209 step %scan3A_210  : i32 {
        %mul3A_236 = arith.constant 2 : i32
        %mul3A_237 = arith.muli %mul3A_236, %scan3A_235 : i32
        %add3A_238 = arith.constant 0 : i32
        %add3A_239 = arith.addi %mul3A_237, %add3A_238 : i32
        %dma_wait3A_240 = arith.constant 0 : i32
        %dma_wait3A_241 = arith.constant 0 : i32
        %dma_wait3A_242 = tpu.memref_slice %arg2[%dma_wait3A_240, %dma_wait3A_241] : memref<10000x64xi32, #tpu.memory_space<hbm>> -> memref<40x64xi32, #tpu.memory_space<hbm>>
        %dma_wait3A_243 = arith.constant 0 : i32
        %dma_wait3A_244 = arith.constant 0 : i32
        %dma_wait3A_245 = tpu.memref_slice %arg2[%dma_wait3A_243, %dma_wait3A_244] : memref<10000x64xi32, #tpu.memory_space<hbm>> -> memref<40x64xi32, #tpu.memory_space<hbm>>
        tpu.wait_dma2 semaphore(%arg24 : memref<!tpu.dma_semaphore, #tpu.memory_space<semaphore_mem>>) src(%dma_wait3A_245 : memref<40x64xi32, #tpu.memory_space<hbm>>) dst(%arg14 : memref<40x64xi32, #tpu.memory_space<vmem>>)
        %dma_wait3A_246 = arith.constant 0 : i32
        %dma_wait3A_247 = arith.constant 0 : i32
        %dma_wait3A_248 = tpu.memref_slice %arg3[%dma_wait3A_246, %dma_wait3A_247] : memref<10000x64xi32, #tpu.memory_space<hbm>> -> memref<40x64xi32, #tpu.memory_space<hbm>>
        %dma_wait3A_249 = arith.constant 0 : i32
        %dma_wait3A_250 = arith.constant 0 : i32
        %dma_wait3A_251 = tpu.memref_slice %arg3[%dma_wait3A_249, %dma_wait3A_250] : memref<10000x64xi32, #tpu.memory_space<hbm>> -> memref<40x64xi32, #tpu.memory_space<hbm>>
        tpu.wait_dma2 semaphore(%arg25 : memref<!tpu.dma_semaphore, #tpu.memory_space<semaphore_mem>>) src(%dma_wait3A_251 : memref<40x64xi32, #tpu.memory_space<hbm>>) dst(%arg15 : memref<40x64xi32, #tpu.memory_space<vmem>>)
        %dma_wait3A_252 = arith.constant 0 : i32
        %dma_wait3A_253 = arith.constant 0 : i32
        %dma_wait3A_254 = tpu.memref_slice %arg4[%dma_wait3A_252, %dma_wait3A_253] : memref<160000x128xi32, #tpu.memory_space<hbm>> -> memref<20x128xi32, #tpu.memory_space<hbm>>
        %dma_wait3A_255 = arith.constant 0 : i32
        %dma_wait3A_256 = arith.constant 0 : i32
        %dma_wait3A_257 = tpu.memref_slice %arg4[%dma_wait3A_255, %dma_wait3A_256] : memref<160000x128xi32, #tpu.memory_space<hbm>> -> memref<20x128xi32, #tpu.memory_space<hbm>>
        tpu.wait_dma2 semaphore(%arg26 : memref<!tpu.dma_semaphore, #tpu.memory_space<semaphore_mem>>) src(%dma_wait3A_257 : memref<20x128xi32, #tpu.memory_space<hbm>>) dst(%arg16 : memref<20x128xi32, #tpu.memory_space<vmem>>)
        %gt3A = arith.constant 0 : i32
        %gt3A_258 = arith.cmpi sgt, %scan3A_235, %gt3A : i32
        %convert_element_type3A = arith.extui %gt3A_258 : i1 to i32
        %cond3A = arith.constant 0 : i32
        %cond3A_259 = arith.cmpi ne, %convert_element_type3A, %cond3A : i32
        scf.if %cond3A_259 {
          %dma_wait3A_332 = arith.constant 0 : i32
          %dma_wait3A_333 = arith.constant 0 : i32
          %dma_wait3A_334 = tpu.memref_slice %arg10[%dma_wait3A_332, %dma_wait3A_333] : memref<10000x128xf32, #tpu.memory_space<vmem_shared>> -> memref<40x128xf32, #tpu.memory_space<vmem_shared>>
          %dma_wait3A_335 = arith.constant 0 : i32
          %dma_wait3A_336 = arith.constant 0 : i32
          %dma_wait3A_337 = tpu.memref_slice %arg10[%dma_wait3A_335, %dma_wait3A_336] : memref<10000x128xf32, #tpu.memory_space<vmem_shared>> -> memref<40x128xf32, #tpu.memory_space<vmem_shared>>
          tpu.wait_dma2 semaphore(%arg30 : memref<!tpu.dma_semaphore, #tpu.memory_space<semaphore_mem>>) src(%arg20 : memref<40x128xf32, #tpu.memory_space<vmem>>) dst(%dma_wait3A_337 : memref<40x128xf32, #tpu.memory_space<vmem_shared>>)
          %dma_wait3A_338 = arith.constant 0 : i32
          %dma_wait3A_339 = arith.constant 0 : i32
          %dma_wait3A_340 = tpu.memref_slice %arg11[%dma_wait3A_338, %dma_wait3A_339] : memref<10000x16xf32, #tpu.memory_space<vmem_shared>> -> memref<40x16xf32, #tpu.memory_space<vmem_shared>>
          %dma_wait3A_341 = arith.constant 0 : i32
          %dma_wait3A_342 = arith.constant 0 : i32
          %dma_wait3A_343 = tpu.memref_slice %arg11[%dma_wait3A_341, %dma_wait3A_342] : memref<10000x16xf32, #tpu.memory_space<vmem_shared>> -> memref<40x16xf32, #tpu.memory_space<vmem_shared>>
          tpu.wait_dma2 semaphore(%arg31 : memref<!tpu.dma_semaphore, #tpu.memory_space<semaphore_mem>>) src(%arg22 : memref<40x16xf32, #tpu.memory_space<vmem>>) dst(%dma_wait3A_343 : memref<40x16xf32, #tpu.memory_space<vmem_shared>>)
        } else {
        }
        %scan3A_260 = arith.constant 0 : i32
        %scan3A_261 = arith.constant 0 : i32
        %scan3A_262 = arith.constant 20 : i32
        %scan3A_263 = arith.addi %scan3A_261, %scan3A_262 : i32
        %scan3A_264 = arith.constant 1 : i32
        scf.for %scan3A_332 = %scan3A_261 to %scan3A_263 step %scan3A_264  : i32 {
          %get3A_333 = arith.index_cast %scan3A_332 : i32 to index
          %get3A_334 = arith.constant 0 : index
          %get3A_335 = tpu.vector_load %arg14[%get3A_333, %get3A_334] {strides = array<i32>} : memref<40x64xi32, #tpu.memory_space<vmem>>, vector<1x16xi32>,
          %get3A_336 = vector.shape_cast %get3A_335 : vector<1x16xi32> to vector<16xi32>
          %shift_left3A = arith.constant 16 : i32
          %shift_left3A_337 = vector.broadcast %shift_left3A : i32 to vector<16xi32>
          %shift_left3A_338 = arith.shli %get3A_336, %shift_left3A_337 : vector<16xi32>
          %bitcast_convert_type3A = tpu.bitcast %shift_left3A_338 : vector<16xi32> -> vector<16xf32>
          %and3A = vector.broadcast %squeeze3A : i32 to vector<16xi32>
          %and3A_339 = arith.andi %get3A_336, %and3A : vector<16xi32>
          %bitcast_convert_type3A_340 = tpu.bitcast %and3A_339 : vector<16xi32> -> vector<16xf32>
          %add3A_341 = arith.constant 20 : i32
          %add3A_342 = arith.addi %add3A_341, %scan3A_332 : i32
          %get3A_343 = arith.index_cast %add3A_342 : i32 to index
          %get3A_344 = arith.constant 0 : index
          %get3A_345 = tpu.vector_load %arg14[%get3A_343, %get3A_344] {strides = array<i32>} : memref<40x64xi32, #tpu.memory_space<vmem>>, vector<1x16xi32>,
          %get3A_346 = vector.shape_cast %get3A_345 : vector<1x16xi32> to vector<16xi32>
          %shift_left3A_347 = arith.constant 16 : i32
          %shift_left3A_348 = vector.broadcast %shift_left3A_347 : i32 to vector<16xi32>
          %shift_left3A_349 = arith.shli %get3A_346, %shift_left3A_348 : vector<16xi32>
          %bitcast_convert_type3A_350 = tpu.bitcast %shift_left3A_349 : vector<16xi32> -> vector<16xf32>
          %and3A_351 = vector.broadcast %squeeze3A : i32 to vector<16xi32>
          %and3A_352 = arith.andi %get3A_346, %and3A_351 : vector<16xi32>
          %bitcast_convert_type3A_353 = tpu.bitcast %and3A_352 : vector<16xi32> -> vector<16xf32>
          %get3A_354 = arith.index_cast %scan3A_332 : i32 to index
          %get3A_355 = arith.constant 0 : index
          %get3A_356 = tpu.vector_load %arg15[%get3A_354, %get3A_355] {strides = array<i32>} : memref<40x64xi32, #tpu.memory_space<vmem>>, vector<1x16xi32>,
          %get3A_357 = vector.shape_cast %get3A_356 : vector<1x16xi32> to vector<16xi32>
          %shift_left3A_358 = arith.constant 16 : i32
          %shift_left3A_359 = vector.broadcast %shift_left3A_358 : i32 to vector<16xi32>
          %shift_left3A_360 = arith.shli %get3A_357, %shift_left3A_359 : vector<16xi32>
          %bitcast_convert_type3A_361 = tpu.bitcast %shift_left3A_360 : vector<16xi32> -> vector<16xf32>
          %and3A_362 = vector.broadcast %squeeze3A : i32 to vector<16xi32>
          %and3A_363 = arith.andi %get3A_357, %and3A_362 : vector<16xi32>
          %bitcast_convert_type3A_364 = tpu.bitcast %and3A_363 : vector<16xi32> -> vector<16xf32>
          %add3A_365 = arith.constant 20 : i32
          %add3A_366 = arith.addi %add3A_365, %scan3A_332 : i32
          %get3A_367 = arith.index_cast %add3A_366 : i32 to index
          %get3A_368 = arith.constant 0 : index
          %get3A_369 = tpu.vector_load %arg15[%get3A_367, %get3A_368] {strides = array<i32>} : memref<40x64xi32, #tpu.memory_space<vmem>>, vector<1x16xi32>,
          %get3A_370 = vector.shape_cast %get3A_369 : vector<1x16xi32> to vector<16xi32>
          %shift_left3A_371 = arith.constant 16 : i32
          %shift_left3A_372 = vector.broadcast %shift_left3A_371 : i32 to vector<16xi32>
          %shift_left3A_373 = arith.shli %get3A_370, %shift_left3A_372 : vector<16xi32>
          %bitcast_convert_type3A_374 = tpu.bitcast %shift_left3A_373 : vector<16xi32> -> vector<16xf32>
          %and3A_375 = vector.broadcast %squeeze3A : i32 to vector<16xi32>
          %and3A_376 = arith.andi %get3A_370, %and3A_375 : vector<16xi32>
          %bitcast_convert_type3A_377 = tpu.bitcast %and3A_376 : vector<16xi32> -> vector<16xf32>
          %get3A_378 = arith.index_cast %scan3A_332 : i32 to index
          %get3A_379 = arith.constant 0 : index
          %get3A_380 = tpu.vector_load %arg16[%get3A_378, %get3A_379] {strides = array<i32>} : memref<20x128xi32, #tpu.memory_space<vmem>>, vector<1x16xi32>,
          %get3A_381 = vector.shape_cast %get3A_380 : vector<1x16xi32> to vector<16xi32>
          %shift_left3A_382 = arith.constant 16 : i32
          %shift_left3A_383 = vector.broadcast %shift_left3A_382 : i32 to vector<16xi32>
          %shift_left3A_384 = arith.shli %get3A_381, %shift_left3A_383 : vector<16xi32>
          %bitcast_convert_type3A_385 = tpu.bitcast %shift_left3A_384 : vector<16xi32> -> vector<16xf32>
          %and3A_386 = vector.broadcast %squeeze3A : i32 to vector<16xi32>
          %and3A_387 = arith.andi %get3A_381, %and3A_386 : vector<16xi32>
          %bitcast_convert_type3A_388 = tpu.bitcast %and3A_387 : vector<16xi32> -> vector<16xf32>
          %get3A_389 = arith.index_cast %scan3A_332 : i32 to index
          %get3A_390 = arith.constant 64 : index
          %get3A_391 = tpu.vector_load %arg16[%get3A_389, %get3A_390] {strides = array<i32>} : memref<20x128xi32, #tpu.memory_space<vmem>>, vector<1x16xi32>,
          %get3A_392 = vector.shape_cast %get3A_391 : vector<1x16xi32> to vector<16xi32>
          %shift_left3A_393 = arith.constant 16 : i32
          %shift_left3A_394 = vector.broadcast %shift_left3A_393 : i32 to vector<16xi32>
          %shift_left3A_395 = arith.shli %get3A_392, %shift_left3A_394 : vector<16xi32>
          %bitcast_convert_type3A_396 = tpu.bitcast %shift_left3A_395 : vector<16xi32> -> vector<16xf32>
          %and3A_397 = vector.broadcast %squeeze3A : i32 to vector<16xi32>
          %and3A_398 = arith.andi %get3A_392, %and3A_397 : vector<16xi32>
          %bitcast_convert_type3A_399 = tpu.bitcast %and3A_398 : vector<16xi32> -> vector<16xf32>
          %add3A_400 = arith.addf %bitcast_convert_type3A, %bitcast_convert_type3A_361 : vector<16xf32>
          %add3A_401 = arith.addf %add3A_400, %bitcast_convert_type3A_385 : vector<16xf32>
          %max3A = arith.constant 0.000000e+00 : f32
          %max3A_402 = vector.broadcast %max3A : f32 to vector<16xf32>
          %max3A_403 = arith.maximumf %add3A_401, %max3A_402 : vector<16xf32>
          %swap3A = arith.index_cast %scan3A_332 : i32 to index
          %swap3A_404 = arith.constant 0 : index
          %swap3A_405 = tpu.vector_load %arg20[%swap3A, %swap3A_404] {strides = array<i32>} : memref<40x128xf32, #tpu.memory_space<vmem>>, vector<1x16xf32>,
          %swap3A_406 = vector.shape_cast %swap3A_405 : vector<1x16xf32> to vector<16xf32>
          %swap3A_407 = vector.shape_cast %max3A_403 : vector<16xf32> to vector<1x16xf32>
          tpu.vector_store %arg20[%swap3A, %swap3A_404], %swap3A_407 {strides = array<i32>} : memref<40x128xf32, #tpu.memory_space<vmem>>, vector<1x16xf32>,
          %add3A_408 = arith.addf %bitcast_convert_type3A_340, %bitcast_convert_type3A_364 : vector<16xf32>
          %add3A_409 = arith.addf %add3A_408, %bitcast_convert_type3A_396 : vector<16xf32>
          %max3A_410 = arith.constant 0.000000e+00 : f32
          %max3A_411 = vector.broadcast %max3A_410 : f32 to vector<16xf32>
          %max3A_412 = arith.maximumf %add3A_409, %max3A_411 : vector<16xf32>
          %swap3A_413 = arith.index_cast %scan3A_332 : i32 to index
          %swap3A_414 = arith.constant 64 : index
          %swap3A_415 = tpu.vector_load %arg20[%swap3A_413, %swap3A_414] {strides = array<i32>} : memref<40x128xf32, #tpu.memory_space<vmem>>, vector<1x16xf32>,
          %swap3A_416 = vector.shape_cast %swap3A_415 : vector<1x16xf32> to vector<16xf32>
          %swap3A_417 = vector.shape_cast %max3A_412 : vector<16xf32> to vector<1x16xf32>
          tpu.vector_store %arg20[%swap3A_413, %swap3A_414], %swap3A_417 {strides = array<i32>} : memref<40x128xf32, #tpu.memory_space<vmem>>, vector<1x16xf32>,
          %add3A_418 = arith.addf %bitcast_convert_type3A_350, %bitcast_convert_type3A_374 : vector<16xf32>
          %add3A_419 = arith.addf %add3A_418, %bitcast_convert_type3A_388 : vector<16xf32>
          %max3A_420 = arith.constant 0.000000e+00 : f32
          %max3A_421 = vector.broadcast %max3A_420 : f32 to vector<16xf32>
          %max3A_422 = arith.maximumf %add3A_419, %max3A_421 : vector<16xf32>
          %add3A_423 = arith.constant 20 : i32
          %add3A_424 = arith.addi %add3A_423, %scan3A_332 : i32
          %swap3A_425 = arith.index_cast %add3A_424 : i32 to index
          %swap3A_426 = arith.constant 0 : index
          %swap3A_427 = tpu.vector_load %arg20[%swap3A_425, %swap3A_426] {strides = array<i32>} : memref<40x128xf32, #tpu.memory_space<vmem>>, vector<1x16xf32>,
          %swap3A_428 = vector.shape_cast %swap3A_427 : vector<1x16xf32> to vector<16xf32>
          %swap3A_429 = vector.shape_cast %max3A_422 : vector<16xf32> to vector<1x16xf32>
          tpu.vector_store %arg20[%swap3A_425, %swap3A_426], %swap3A_429 {strides = array<i32>} : memref<40x128xf32, #tpu.memory_space<vmem>>, vector<1x16xf32>,
          %add3A_430 = arith.addf %bitcast_convert_type3A_353, %bitcast_convert_type3A_377 : vector<16xf32>
          %add3A_431 = arith.addf %add3A_430, %bitcast_convert_type3A_399 : vector<16xf32>
          %max3A_432 = arith.constant 0.000000e+00 : f32
          %max3A_433 = vector.broadcast %max3A_432 : f32 to vector<16xf32>
          %max3A_434 = arith.maximumf %add3A_431, %max3A_433 : vector<16xf32>
          %add3A_435 = arith.constant 20 : i32
          %add3A_436 = arith.addi %add3A_435, %scan3A_332 : i32
          %swap3A_437 = arith.index_cast %add3A_436 : i32 to index
          %swap3A_438 = arith.constant 64 : index
          %swap3A_439 = tpu.vector_load %arg20[%swap3A_437, %swap3A_438] {strides = array<i32>} : memref<40x128xf32, #tpu.memory_space<vmem>>, vector<1x16xf32>,
          %swap3A_440 = vector.shape_cast %swap3A_439 : vector<1x16xf32> to vector<16xf32>
          %swap3A_441 = vector.shape_cast %max3A_434 : vector<16xf32> to vector<1x16xf32>
          tpu.vector_store %arg20[%swap3A_437, %swap3A_438], %swap3A_441 {strides = array<i32>} : memref<40x128xf32, #tpu.memory_space<vmem>>, vector<1x16xf32>,
          %get3A_442 = arith.index_cast %scan3A_332 : i32 to index
          %get3A_443 = arith.constant 16 : index
          %get3A_444 = tpu.vector_load %arg14[%get3A_442, %get3A_443] {strides = array<i32>} : memref<40x64xi32, #tpu.memory_space<vmem>>, vector<1x16xi32>,
          %get3A_445 = vector.shape_cast %get3A_444 : vector<1x16xi32> to vector<16xi32>
          %shift_left3A_446 = arith.constant 16 : i32
          %shift_left3A_447 = vector.broadcast %shift_left3A_446 : i32 to vector<16xi32>
          %shift_left3A_448 = arith.shli %get3A_445, %shift_left3A_447 : vector<16xi32>
          %bitcast_convert_type3A_449 = tpu.bitcast %shift_left3A_448 : vector<16xi32> -> vector<16xf32>
          %and3A_450 = vector.broadcast %squeeze3A : i32 to vector<16xi32>
          %and3A_451 = arith.andi %get3A_445, %and3A_450 : vector<16xi32>
          %bitcast_convert_type3A_452 = tpu.bitcast %and3A_451 : vector<16xi32> -> vector<16xf32>
          %add3A_453 = arith.constant 20 : i32
          %add3A_454 = arith.addi %add3A_453, %scan3A_332 : i32
          %get3A_455 = arith.index_cast %add3A_454 : i32 to index
          %get3A_456 = arith.constant 16 : index
          %get3A_457 = tpu.vector_load %arg14[%get3A_455, %get3A_456] {strides = array<i32>} : memref<40x64xi32, #tpu.memory_space<vmem>>, vector<1x16xi32>,
          %get3A_458 = vector.shape_cast %get3A_457 : vector<1x16xi32> to vector<16xi32>
          %shift_left3A_459 = arith.constant 16 : i32
          %shift_left3A_460 = vector.broadcast %shift_left3A_459 : i32 to vector<16xi32>
          %shift_left3A_461 = arith.shli %get3A_458, %shift_left3A_460 : vector<16xi32>
          %bitcast_convert_type3A_462 = tpu.bitcast %shift_left3A_461 : vector<16xi32> -> vector<16xf32>
          %and3A_463 = vector.broadcast %squeeze3A : i32 to vector<16xi32>
          %and3A_464 = arith.andi %get3A_458, %and3A_463 : vector<16xi32>
          %bitcast_convert_type3A_465 = tpu.bitcast %and3A_464 : vector<16xi32> -> vector<16xf32>
          %get3A_466 = arith.index_cast %scan3A_332 : i32 to index
          %get3A_467 = arith.constant 16 : index
          %get3A_468 = tpu.vector_load %arg15[%get3A_466, %get3A_467] {strides = array<i32>} : memref<40x64xi32, #tpu.memory_space<vmem>>, vector<1x16xi32>,
          %get3A_469 = vector.shape_cast %get3A_468 : vector<1x16xi32> to vector<16xi32>
          %shift_left3A_470 = arith.constant 16 : i32
          %shift_left3A_471 = vector.broadcast %shift_left3A_470 : i32 to vector<16xi32>
          %shift_left3A_472 = arith.shli %get3A_469, %shift_left3A_471 : vector<16xi32>
          %bitcast_convert_type3A_473 = tpu.bitcast %shift_left3A_472 : vector<16xi32> -> vector<16xf32>
          %and3A_474 = vector.broadcast %squeeze3A : i32 to vector<16xi32>
          %and3A_475 = arith.andi %get3A_469, %and3A_474 : vector<16xi32>
          %bitcast_convert_type3A_476 = tpu.bitcast %and3A_475 : vector<16xi32> -> vector<16xf32>
          %add3A_477 = arith.constant 20 : i32
          %add3A_478 = arith.addi %add3A_477, %scan3A_332 : i32
          %get3A_479 = arith.index_cast %add3A_478 : i32 to index
          %get3A_480 = arith.constant 16 : index
          %get3A_481 = tpu.vector_load %arg15[%get3A_479, %get3A_480] {strides = array<i32>} : memref<40x64xi32, #tpu.memory_space<vmem>>, vector<1x16xi32>,
          %get3A_482 = vector.shape_cast %get3A_481 : vector<1x16xi32> to vector<16xi32>
          %shift_left3A_483 = arith.constant 16 : i32
          %shift_left3A_484 = vector.broadcast %shift_left3A_483 : i32 to vector<16xi32>
          %shift_left3A_485 = arith.shli %get3A_482, %shift_left3A_484 : vector<16xi32>
          %bitcast_convert_type3A_486 = tpu.bitcast %shift_left3A_485 : vector<16xi32> -> vector<16xf32>
          %and3A_487 = vector.broadcast %squeeze3A : i32 to vector<16xi32>
          %and3A_488 = arith.andi %get3A_482, %and3A_487 : vector<16xi32>
          %bitcast_convert_type3A_489 = tpu.bitcast %and3A_488 : vector<16xi32> -> vector<16xf32>
          %get3A_490 = arith.index_cast %scan3A_332 : i32 to index
          %get3A_491 = arith.constant 16 : index
          %get3A_492 = tpu.vector_load %arg16[%get3A_490, %get3A_491] {strides = array<i32>} : memref<20x128xi32, #tpu.memory_space<vmem>>, vector<1x16xi32>,
          %get3A_493 = vector.shape_cast %get3A_492 : vector<1x16xi32> to vector<16xi32>
          %shift_left3A_494 = arith.constant 16 : i32
          %shift_left3A_495 = vector.broadcast %shift_left3A_494 : i32 to vector<16xi32>
          %shift_left3A_496 = arith.shli %get3A_493, %shift_left3A_495 : vector<16xi32>
          %bitcast_convert_type3A_497 = tpu.bitcast %shift_left3A_496 : vector<16xi32> -> vector<16xf32>
          %and3A_498 = vector.broadcast %squeeze3A : i32 to vector<16xi32>
          %and3A_499 = arith.andi %get3A_493, %and3A_498 : vector<16xi32>
          %bitcast_convert_type3A_500 = tpu.bitcast %and3A_499 : vector<16xi32> -> vector<16xf32>
          %get3A_501 = arith.index_cast %scan3A_332 : i32 to index
          %get3A_502 = arith.constant 80 : index
          %get3A_503 = tpu.vector_load %arg16[%get3A_501, %get3A_502] {strides = array<i32>} : memref<20x128xi32, #tpu.memory_space<vmem>>, vector<1x16xi32>,
          %get3A_504 = vector.shape_cast %get3A_503 : vector<1x16xi32> to vector<16xi32>
          %shift_left3A_505 = arith.constant 16 : i32
          %shift_left3A_506 = vector.broadcast %shift_left3A_505 : i32 to vector<16xi32>
          %shift_left3A_507 = arith.shli %get3A_504, %shift_left3A_506 : vector<16xi32>
          %bitcast_convert_type3A_508 = tpu.bitcast %shift_left3A_507 : vector<16xi32> -> vector<16xf32>
          %and3A_509 = vector.broadcast %squeeze3A : i32 to vector<16xi32>
          %and3A_510 = arith.andi %get3A_504, %and3A_509 : vector<16xi32>
          %bitcast_convert_type3A_511 = tpu.bitcast %and3A_510 : vector<16xi32> -> vector<16xf32>
          %add3A_512 = arith.addf %bitcast_convert_type3A_449, %bitcast_convert_type3A_473 : vector<16xf32>
          %add3A_513 = arith.addf %add3A_512, %bitcast_convert_type3A_497 : vector<16xf32>
          %max3A_514 = arith.constant 0.000000e+00 : f32
          %max3A_515 = vector.broadcast %max3A_514 : f32 to vector<16xf32>
          %max3A_516 = arith.maximumf %add3A_513, %max3A_515 : vector<16xf32>
          %swap3A_517 = arith.index_cast %scan3A_332 : i32 to index
          %swap3A_518 = arith.constant 16 : index
          %swap3A_519 = tpu.vector_load %arg20[%swap3A_517, %swap3A_518] {strides = array<i32>} : memref<40x128xf32, #tpu.memory_space<vmem>>, vector<1x16xf32>,
          %swap3A_520 = vector.shape_cast %swap3A_519 : vector<1x16xf32> to vector<16xf32>
          %swap3A_521 = vector.shape_cast %max3A_516 : vector<16xf32> to vector<1x16xf32>
          tpu.vector_store %arg20[%swap3A_517, %swap3A_518], %swap3A_521 {strides = array<i32>} : memref<40x128xf32, #tpu.memory_space<vmem>>, vector<1x16xf32>,
          %add3A_522 = arith.addf %bitcast_convert_type3A_452, %bitcast_convert_type3A_476 : vector<16xf32>
          %add3A_523 = arith.addf %add3A_522, %bitcast_convert_type3A_508 : vector<16xf32>
          %max3A_524 = arith.constant 0.000000e+00 : f32
          %max3A_525 = vector.broadcast %max3A_524 : f32 to vector<16xf32>
          %max3A_526 = arith.maximumf %add3A_523, %max3A_525 : vector<16xf32>
          %swap3A_527 = arith.index_cast %scan3A_332 : i32 to index
          %swap3A_528 = arith.constant 80 : index
          %swap3A_529 = tpu.vector_load %arg20[%swap3A_527, %swap3A_528] {strides = array<i32>} : memref<40x128xf32, #tpu.memory_space<vmem>>, vector<1x16xf32>,
          %swap3A_530 = vector.shape_cast %swap3A_529 : vector<1x16xf32> to vector<16xf32>
          %swap3A_531 = vector.shape_cast %max3A_526 : vector<16xf32> to vector<1x16xf32>
          tpu.vector_store %arg20[%swap3A_527, %swap3A_528], %swap3A_531 {strides = array<i32>} : memref<40x128xf32, #tpu.memory_space<vmem>>, vector<1x16xf32>,
          %add3A_532 = arith.addf %bitcast_convert_type3A_462, %bitcast_convert_type3A_486 : vector<16xf32>
          %add3A_533 = arith.addf %add3A_532, %bitcast_convert_type3A_500 : vector<16xf32>
          %max3A_534 = arith.constant 0.000000e+00 : f32
          %max3A_535 = vector.broadcast %max3A_534 : f32 to vector<16xf32>
          %max3A_536 = arith.maximumf %add3A_533, %max3A_535 : vector<16xf32>
          %add3A_537 = arith.constant 20 : i32
          %add3A_538 = arith.addi %add3A_537, %scan3A_332 : i32
          %swap3A_539 = arith.index_cast %add3A_538 : i32 to index
          %swap3A_540 = arith.constant 16 : index
          %swap3A_541 = tpu.vector_load %arg20[%swap3A_539, %swap3A_540] {strides = array<i32>} : memref<40x128xf32, #tpu.memory_space<vmem>>, vector<1x16xf32>,
          %swap3A_542 = vector.shape_cast %swap3A_541 : vector<1x16xf32> to vector<16xf32>
          %swap3A_543 = vector.shape_cast %max3A_536 : vector<16xf32> to vector<1x16xf32>
          tpu.vector_store %arg20[%swap3A_539, %swap3A_540], %swap3A_543 {strides = array<i32>} : memref<40x128xf32, #tpu.memory_space<vmem>>, vector<1x16xf32>,
          %add3A_544 = arith.addf %bitcast_convert_type3A_465, %bitcast_convert_type3A_489 : vector<16xf32>
          %add3A_545 = arith.addf %add3A_544, %bitcast_convert_type3A_511 : vector<16xf32>
          %max3A_546 = arith.constant 0.000000e+00 : f32
          %max3A_547 = vector.broadcast %max3A_546 : f32 to vector<16xf32>
          %max3A_548 = arith.maximumf %add3A_545, %max3A_547 : vector<16xf32>
          %add3A_549 = arith.constant 20 : i32
          %add3A_550 = arith.addi %add3A_549, %scan3A_332 : i32
          %swap3A_551 = arith.index_cast %add3A_550 : i32 to index
          %swap3A_552 = arith.constant 80 : index
          %swap3A_553 = tpu.vector_load %arg20[%swap3A_551, %swap3A_552] {strides = array<i32>} : memref<40x128xf32, #tpu.memory_space<vmem>>, vector<1x16xf32>,
          %swap3A_554 = vector.shape_cast %swap3A_553 : vector<1x16xf32> to vector<16xf32>
          %swap3A_555 = vector.shape_cast %max3A_548 : vector<16xf32> to vector<1x16xf32>
          tpu.vector_store %arg20[%swap3A_551, %swap3A_552], %swap3A_555 {strides = array<i32>} : memref<40x128xf32, #tpu.memory_space<vmem>>, vector<1x16xf32>,
          %get3A_556 = arith.index_cast %scan3A_332 : i32 to index
          %get3A_557 = arith.constant 32 : index
          %get3A_558 = tpu.vector_load %arg14[%get3A_556, %get3A_557] {strides = array<i32>} : memref<40x64xi32, #tpu.memory_space<vmem>>, vector<1x16xi32>,
          %get3A_559 = vector.shape_cast %get3A_558 : vector<1x16xi32> to vector<16xi32>
          %shift_left3A_560 = arith.constant 16 : i32
          %shift_left3A_561 = vector.broadcast %shift_left3A_560 : i32 to vector<16xi32>
          %shift_left3A_562 = arith.shli %get3A_559, %shift_left3A_561 : vector<16xi32>
          %bitcast_convert_type3A_563 = tpu.bitcast %shift_left3A_562 : vector<16xi32> -> vector<16xf32>
          %and3A_564 = vector.broadcast %squeeze3A : i32 to vector<16xi32>
          %and3A_565 = arith.andi %get3A_559, %and3A_564 : vector<16xi32>
          %bitcast_convert_type3A_566 = tpu.bitcast %and3A_565 : vector<16xi32> -> vector<16xf32>
          %add3A_567 = arith.constant 20 : i32
          %add3A_568 = arith.addi %add3A_567, %scan3A_332 : i32
          %get3A_569 = arith.index_cast %add3A_568 : i32 to index
          %get3A_570 = arith.constant 32 : index
          %get3A_571 = tpu.vector_load %arg14[%get3A_569, %get3A_570] {strides = array<i32>} : memref<40x64xi32, #tpu.memory_space<vmem>>, vector<1x16xi32>,
          %get3A_572 = vector.shape_cast %get3A_571 : vector<1x16xi32> to vector<16xi32>
          %shift_left3A_573 = arith.constant 16 : i32
          %shift_left3A_574 = vector.broadcast %shift_left3A_573 : i32 to vector<16xi32>
          %shift_left3A_575 = arith.shli %get3A_572, %shift_left3A_574 : vector<16xi32>
          %bitcast_convert_type3A_576 = tpu.bitcast %shift_left3A_575 : vector<16xi32> -> vector<16xf32>
          %and3A_577 = vector.broadcast %squeeze3A : i32 to vector<16xi32>
          %and3A_578 = arith.andi %get3A_572, %and3A_577 : vector<16xi32>
          %bitcast_convert_type3A_579 = tpu.bitcast %and3A_578 : vector<16xi32> -> vector<16xf32>
          %get3A_580 = arith.index_cast %scan3A_332 : i32 to index
          %get3A_581 = arith.constant 32 : index
          %get3A_582 = tpu.vector_load %arg15[%get3A_580, %get3A_581] {strides = array<i32>} : memref<40x64xi32, #tpu.memory_space<vmem>>, vector<1x16xi32>,
          %get3A_583 = vector.shape_cast %get3A_582 : vector<1x16xi32> to vector<16xi32>
          %shift_left3A_584 = arith.constant 16 : i32
          %shift_left3A_585 = vector.broadcast %shift_left3A_584 : i32 to vector<16xi32>
          %shift_left3A_586 = arith.shli %get3A_583, %shift_left3A_585 : vector<16xi32>
          %bitcast_convert_type3A_587 = tpu.bitcast %shift_left3A_586 : vector<16xi32> -> vector<16xf32>
          %and3A_588 = vector.broadcast %squeeze3A : i32 to vector<16xi32>
          %and3A_589 = arith.andi %get3A_583, %and3A_588 : vector<16xi32>
          %bitcast_convert_type3A_590 = tpu.bitcast %and3A_589 : vector<16xi32> -> vector<16xf32>
          %add3A_591 = arith.constant 20 : i32
          %add3A_592 = arith.addi %add3A_591, %scan3A_332 : i32
          %get3A_593 = arith.index_cast %add3A_592 : i32 to index
          %get3A_594 = arith.constant 32 : index
          %get3A_595 = tpu.vector_load %arg15[%get3A_593, %get3A_594] {strides = array<i32>} : memref<40x64xi32, #tpu.memory_space<vmem>>, vector<1x16xi32>,
          %get3A_596 = vector.shape_cast %get3A_595 : vector<1x16xi32> to vector<16xi32>
          %shift_left3A_597 = arith.constant 16 : i32
          %shift_left3A_598 = vector.broadcast %shift_left3A_597 : i32 to vector<16xi32>
          %shift_left3A_599 = arith.shli %get3A_596, %shift_left3A_598 : vector<16xi32>
          %bitcast_convert_type3A_600 = tpu.bitcast %shift_left3A_599 : vector<16xi32> -> vector<16xf32>
          %and3A_601 = vector.broadcast %squeeze3A : i32 to vector<16xi32>
          %and3A_602 = arith.andi %get3A_596, %and3A_601 : vector<16xi32>
          %bitcast_convert_type3A_603 = tpu.bitcast %and3A_602 : vector<16xi32> -> vector<16xf32>
          %get3A_604 = arith.index_cast %scan3A_332 : i32 to index
          %get3A_605 = arith.constant 32 : index
          %get3A_606 = tpu.vector_load %arg16[%get3A_604, %get3A_605] {strides = array<i32>} : memref<20x128xi32, #tpu.memory_space<vmem>>, vector<1x16xi32>,
          %get3A_607 = vector.shape_cast %get3A_606 : vector<1x16xi32> to vector<16xi32>
          %shift_left3A_608 = arith.constant 16 : i32
          %shift_left3A_609 = vector.broadcast %shift_left3A_608 : i32 to vector<16xi32>
          %shift_left3A_610 = arith.shli %get3A_607, %shift_left3A_609 : vector<16xi32>
          %bitcast_convert_type3A_611 = tpu.bitcast %shift_left3A_610 : vector<16xi32> -> vector<16xf32>
          %and3A_612 = vector.broadcast %squeeze3A : i32 to vector<16xi32>
          %and3A_613 = arith.andi %get3A_607, %and3A_612 : vector<16xi32>
          %bitcast_convert_type3A_614 = tpu.bitcast %and3A_613 : vector<16xi32> -> vector<16xf32>
          %get3A_615 = arith.index_cast %scan3A_332 : i32 to index
          %get3A_616 = arith.constant 96 : index
          %get3A_617 = tpu.vector_load %arg16[%get3A_615, %get3A_616] {strides = array<i32>} : memref<20x128xi32, #tpu.memory_space<vmem>>, vector<1x16xi32>,
          %get3A_618 = vector.shape_cast %get3A_617 : vector<1x16xi32> to vector<16xi32>
          %shift_left3A_619 = arith.constant 16 : i32
          %shift_left3A_620 = vector.broadcast %shift_left3A_619 : i32 to vector<16xi32>
          %shift_left3A_621 = arith.shli %get3A_618, %shift_left3A_620 : vector<16xi32>
          %bitcast_convert_type3A_622 = tpu.bitcast %shift_left3A_621 : vector<16xi32> -> vector<16xf32>
          %and3A_623 = vector.broadcast %squeeze3A : i32 to vector<16xi32>
          %and3A_624 = arith.andi %get3A_618, %and3A_623 : vector<16xi32>
          %bitcast_convert_type3A_625 = tpu.bitcast %and3A_624 : vector<16xi32> -> vector<16xf32>
          %add3A_626 = arith.addf %bitcast_convert_type3A_563, %bitcast_convert_type3A_587 : vector<16xf32>
          %add3A_627 = arith.addf %add3A_626, %bitcast_convert_type3A_611 : vector<16xf32>
          %max3A_628 = arith.constant 0.000000e+00 : f32
          %max3A_629 = vector.broadcast %max3A_628 : f32 to vector<16xf32>
          %max3A_630 = arith.maximumf %add3A_627, %max3A_629 : vector<16xf32>
          %swap3A_631 = arith.index_cast %scan3A_332 : i32 to index
          %swap3A_632 = arith.constant 32 : index
          %swap3A_633 = tpu.vector_load %arg20[%swap3A_631, %swap3A_632] {strides = array<i32>} : memref<40x128xf32, #tpu.memory_space<vmem>>, vector<1x16xf32>,
          %swap3A_634 = vector.shape_cast %swap3A_633 : vector<1x16xf32> to vector<16xf32>
          %swap3A_635 = vector.shape_cast %max3A_630 : vector<16xf32> to vector<1x16xf32>
          tpu.vector_store %arg20[%swap3A_631, %swap3A_632], %swap3A_635 {strides = array<i32>} : memref<40x128xf32, #tpu.memory_space<vmem>>, vector<1x16xf32>,
          %add3A_636 = arith.addf %bitcast_convert_type3A_566, %bitcast_convert_type3A_590 : vector<16xf32>
          %add3A_637 = arith.addf %add3A_636, %bitcast_convert_type3A_622 : vector<16xf32>
          %max3A_638 = arith.constant 0.000000e+00 : f32
          %max3A_639 = vector.broadcast %max3A_638 : f32 to vector<16xf32>
          %max3A_640 = arith.maximumf %add3A_637, %max3A_639 : vector<16xf32>
          %swap3A_641 = arith.index_cast %scan3A_332 : i32 to index
          %swap3A_642 = arith.constant 96 : index
          %swap3A_643 = tpu.vector_load %arg20[%swap3A_641, %swap3A_642] {strides = array<i32>} : memref<40x128xf32, #tpu.memory_space<vmem>>, vector<1x16xf32>,
          %swap3A_644 = vector.shape_cast %swap3A_643 : vector<1x16xf32> to vector<16xf32>
          %swap3A_645 = vector.shape_cast %max3A_640 : vector<16xf32> to vector<1x16xf32>
          tpu.vector_store %arg20[%swap3A_641, %swap3A_642], %swap3A_645 {strides = array<i32>} : memref<40x128xf32, #tpu.memory_space<vmem>>, vector<1x16xf32>,
          %add3A_646 = arith.addf %bitcast_convert_type3A_576, %bitcast_convert_type3A_600 : vector<16xf32>
          %add3A_647 = arith.addf %add3A_646, %bitcast_convert_type3A_614 : vector<16xf32>
          %max3A_648 = arith.constant 0.000000e+00 : f32
          %max3A_649 = vector.broadcast %max3A_648 : f32 to vector<16xf32>
          %max3A_650 = arith.maximumf %add3A_647, %max3A_649 : vector<16xf32>
          %add3A_651 = arith.constant 20 : i32
          %add3A_652 = arith.addi %add3A_651, %scan3A_332 : i32
          %swap3A_653 = arith.index_cast %add3A_652 : i32 to index
          %swap3A_654 = arith.constant 32 : index
          %swap3A_655 = tpu.vector_load %arg20[%swap3A_653, %swap3A_654] {strides = array<i32>} : memref<40x128xf32, #tpu.memory_space<vmem>>, vector<1x16xf32>,
          %swap3A_656 = vector.shape_cast %swap3A_655 : vector<1x16xf32> to vector<16xf32>
          %swap3A_657 = vector.shape_cast %max3A_650 : vector<16xf32> to vector<1x16xf32>
          tpu.vector_store %arg20[%swap3A_653, %swap3A_654], %swap3A_657 {strides = array<i32>} : memref<40x128xf32, #tpu.memory_space<vmem>>, vector<1x16xf32>,
          %add3A_658 = arith.addf %bitcast_convert_type3A_579, %bitcast_convert_type3A_603 : vector<16xf32>
          %add3A_659 = arith.addf %add3A_658, %bitcast_convert_type3A_625 : vector<16xf32>
          %max3A_660 = arith.constant 0.000000e+00 : f32
          %max3A_661 = vector.broadcast %max3A_660 : f32 to vector<16xf32>
          %max3A_662 = arith.maximumf %add3A_659, %max3A_661 : vector<16xf32>
          %add3A_663 = arith.constant 20 : i32
          %add3A_664 = arith.addi %add3A_663, %scan3A_332 : i32
          %swap3A_665 = arith.index_cast %add3A_664 : i32 to index
          %swap3A_666 = arith.constant 96 : index
          %swap3A_667 = tpu.vector_load %arg20[%swap3A_665, %swap3A_666] {strides = array<i32>} : memref<40x128xf32, #tpu.memory_space<vmem>>, vector<1x16xf32>,
          %swap3A_668 = vector.shape_cast %swap3A_667 : vector<1x16xf32> to vector<16xf32>
          %swap3A_669 = vector.shape_cast %max3A_662 : vector<16xf32> to vector<1x16xf32>
          tpu.vector_store %arg20[%swap3A_665, %swap3A_666], %swap3A_669 {strides = array<i32>} : memref<40x128xf32, #tpu.memory_space<vmem>>, vector<1x16xf32>,
          %get3A_670 = arith.index_cast %scan3A_332 : i32 to index
          %get3A_671 = arith.constant 48 : index
          %get3A_672 = tpu.vector_load %arg14[%get3A_670, %get3A_671] {strides = array<i32>} : memref<40x64xi32, #tpu.memory_space<vmem>>, vector<1x16xi32>,
          %get3A_673 = vector.shape_cast %get3A_672 : vector<1x16xi32> to vector<16xi32>
          %shift_left3A_674 = arith.constant 16 : i32
          %shift_left3A_675 = vector.broadcast %shift_left3A_674 : i32 to vector<16xi32>
          %shift_left3A_676 = arith.shli %get3A_673, %shift_left3A_675 : vector<16xi32>
          %bitcast_convert_type3A_677 = tpu.bitcast %shift_left3A_676 : vector<16xi32> -> vector<16xf32>
          %and3A_678 = vector.broadcast %squeeze3A : i32 to vector<16xi32>
          %and3A_679 = arith.andi %get3A_673, %and3A_678 : vector<16xi32>
          %bitcast_convert_type3A_680 = tpu.bitcast %and3A_679 : vector<16xi32> -> vector<16xf32>
          %add3A_681 = arith.constant 20 : i32
          %add3A_682 = arith.addi %add3A_681, %scan3A_332 : i32
          %get3A_683 = arith.index_cast %add3A_682 : i32 to index
          %get3A_684 = arith.constant 48 : index
          %get3A_685 = tpu.vector_load %arg14[%get3A_683, %get3A_684] {strides = array<i32>} : memref<40x64xi32, #tpu.memory_space<vmem>>, vector<1x16xi32>,
          %get3A_686 = vector.shape_cast %get3A_685 : vector<1x16xi32> to vector<16xi32>
          %shift_left3A_687 = arith.constant 16 : i32
          %shift_left3A_688 = vector.broadcast %shift_left3A_687 : i32 to vector<16xi32>
          %shift_left3A_689 = arith.shli %get3A_686, %shift_left3A_688 : vector<16xi32>
          %bitcast_convert_type3A_690 = tpu.bitcast %shift_left3A_689 : vector<16xi32> -> vector<16xf32>
          %and3A_691 = vector.broadcast %squeeze3A : i32 to vector<16xi32>
          %and3A_692 = arith.andi %get3A_686, %and3A_691 : vector<16xi32>
          %bitcast_convert_type3A_693 = tpu.bitcast %and3A_692 : vector<16xi32> -> vector<16xf32>
          %get3A_694 = arith.index_cast %scan3A_332 : i32 to index
          %get3A_695 = arith.constant 48 : index
          %get3A_696 = tpu.vector_load %arg15[%get3A_694, %get3A_695] {strides = array<i32>} : memref<40x64xi32, #tpu.memory_space<vmem>>, vector<1x16xi32>,
          %get3A_697 = vector.shape_cast %get3A_696 : vector<1x16xi32> to vector<16xi32>
          %shift_left3A_698 = arith.constant 16 : i32
          %shift_left3A_699 = vector.broadcast %shift_left3A_698 : i32 to vector<16xi32>
          %shift_left3A_700 = arith.shli %get3A_697, %shift_left3A_699 : vector<16xi32>
          %bitcast_convert_type3A_701 = tpu.bitcast %shift_left3A_700 : vector<16xi32> -> vector<16xf32>
          %and3A_702 = vector.broadcast %squeeze3A : i32 to vector<16xi32>
          %and3A_703 = arith.andi %get3A_697, %and3A_702 : vector<16xi32>
          %bitcast_convert_type3A_704 = tpu.bitcast %and3A_703 : vector<16xi32> -> vector<16xf32>
          %add3A_705 = arith.constant 20 : i32
          %add3A_706 = arith.addi %add3A_705, %scan3A_332 : i32
          %get3A_707 = arith.index_cast %add3A_706 : i32 to index
          %get3A_708 = arith.constant 48 : index
          %get3A_709 = tpu.vector_load %arg15[%get3A_707, %get3A_708] {strides = array<i32>} : memref<40x64xi32, #tpu.memory_space<vmem>>, vector<1x16xi32>,
          %get3A_710 = vector.shape_cast %get3A_709 : vector<1x16xi32> to vector<16xi32>
          %shift_left3A_711 = arith.constant 16 : i32
          %shift_left3A_712 = vector.broadcast %shift_left3A_711 : i32 to vector<16xi32>
          %shift_left3A_713 = arith.shli %get3A_710, %shift_left3A_712 : vector<16xi32>
          %bitcast_convert_type3A_714 = tpu.bitcast %shift_left3A_713 : vector<16xi32> -> vector<16xf32>
          %and3A_715 = vector.broadcast %squeeze3A : i32 to vector<16xi32>
          %and3A_716 = arith.andi %get3A_710, %and3A_715 : vector<16xi32>
          %bitcast_convert_type3A_717 = tpu.bitcast %and3A_716 : vector<16xi32> -> vector<16xf32>
          %get3A_718 = arith.index_cast %scan3A_332 : i32 to index
          %get3A_719 = arith.constant 48 : index
          %get3A_720 = tpu.vector_load %arg16[%get3A_718, %get3A_719] {strides = array<i32>} : memref<20x128xi32, #tpu.memory_space<vmem>>, vector<1x16xi32>,
          %get3A_721 = vector.shape_cast %get3A_720 : vector<1x16xi32> to vector<16xi32>
          %shift_left3A_722 = arith.constant 16 : i32
          %shift_left3A_723 = vector.broadcast %shift_left3A_722 : i32 to vector<16xi32>
          %shift_left3A_724 = arith.shli %get3A_721, %shift_left3A_723 : vector<16xi32>
          %bitcast_convert_type3A_725 = tpu.bitcast %shift_left3A_724 : vector<16xi32> -> vector<16xf32>
          %and3A_726 = vector.broadcast %squeeze3A : i32 to vector<16xi32>
          %and3A_727 = arith.andi %get3A_721, %and3A_726 : vector<16xi32>
          %bitcast_convert_type3A_728 = tpu.bitcast %and3A_727 : vector<16xi32> -> vector<16xf32>
          %get3A_729 = arith.index_cast %scan3A_332 : i32 to index
          %get3A_730 = arith.constant 112 : index
          %get3A_731 = tpu.vector_load %arg16[%get3A_729, %get3A_730] {strides = array<i32>} : memref<20x128xi32, #tpu.memory_space<vmem>>, vector<1x16xi32>,
          %get3A_732 = vector.shape_cast %get3A_731 : vector<1x16xi32> to vector<16xi32>
          %shift_left3A_733 = arith.constant 16 : i32
          %shift_left3A_734 = vector.broadcast %shift_left3A_733 : i32 to vector<16xi32>
          %shift_left3A_735 = arith.shli %get3A_732, %shift_left3A_734 : vector<16xi32>
          %bitcast_convert_type3A_736 = tpu.bitcast %shift_left3A_735 : vector<16xi32> -> vector<16xf32>
          %and3A_737 = vector.broadcast %squeeze3A : i32 to vector<16xi32>
          %and3A_738 = arith.andi %get3A_732, %and3A_737 : vector<16xi32>
          %bitcast_convert_type3A_739 = tpu.bitcast %and3A_738 : vector<16xi32> -> vector<16xf32>
          %add3A_740 = arith.addf %bitcast_convert_type3A_677, %bitcast_convert_type3A_701 : vector<16xf32>
          %add3A_741 = arith.addf %add3A_740, %bitcast_convert_type3A_725 : vector<16xf32>
          %max3A_742 = arith.constant 0.000000e+00 : f32
          %max3A_743 = vector.broadcast %max3A_742 : f32 to vector<16xf32>
          %max3A_744 = arith.maximumf %add3A_741, %max3A_743 : vector<16xf32>
          %swap3A_745 = arith.index_cast %scan3A_332 : i32 to index
          %swap3A_746 = arith.constant 48 : index
          %swap3A_747 = tpu.vector_load %arg20[%swap3A_745, %swap3A_746] {strides = array<i32>} : memref<40x128xf32, #tpu.memory_space<vmem>>, vector<1x16xf32>,
          %swap3A_748 = vector.shape_cast %swap3A_747 : vector<1x16xf32> to vector<16xf32>
          %swap3A_749 = vector.shape_cast %max3A_744 : vector<16xf32> to vector<1x16xf32>
          tpu.vector_store %arg20[%swap3A_745, %swap3A_746], %swap3A_749 {strides = array<i32>} : memref<40x128xf32, #tpu.memory_space<vmem>>, vector<1x16xf32>,
          %add3A_750 = arith.addf %bitcast_convert_type3A_680, %bitcast_convert_type3A_704 : vector<16xf32>
          %add3A_751 = arith.addf %add3A_750, %bitcast_convert_type3A_736 : vector<16xf32>
          %max3A_752 = arith.constant 0.000000e+00 : f32
          %max3A_753 = vector.broadcast %max3A_752 : f32 to vector<16xf32>
          %max3A_754 = arith.maximumf %add3A_751, %max3A_753 : vector<16xf32>
          %swap3A_755 = arith.index_cast %scan3A_332 : i32 to index
          %swap3A_756 = arith.constant 112 : index
          %swap3A_757 = tpu.vector_load %arg20[%swap3A_755, %swap3A_756] {strides = array<i32>} : memref<40x128xf32, #tpu.memory_space<vmem>>, vector<1x16xf32>,
          %swap3A_758 = vector.shape_cast %swap3A_757 : vector<1x16xf32> to vector<16xf32>
          %swap3A_759 = vector.shape_cast %max3A_754 : vector<16xf32> to vector<1x16xf32>
          tpu.vector_store %arg20[%swap3A_755, %swap3A_756], %swap3A_759 {strides = array<i32>} : memref<40x128xf32, #tpu.memory_space<vmem>>, vector<1x16xf32>,
          %add3A_760 = arith.addf %bitcast_convert_type3A_690, %bitcast_convert_type3A_714 : vector<16xf32>
          %add3A_761 = arith.addf %add3A_760, %bitcast_convert_type3A_728 : vector<16xf32>
          %max3A_762 = arith.constant 0.000000e+00 : f32
          %max3A_763 = vector.broadcast %max3A_762 : f32 to vector<16xf32>
          %max3A_764 = arith.maximumf %add3A_761, %max3A_763 : vector<16xf32>
          %add3A_765 = arith.constant 20 : i32
          %add3A_766 = arith.addi %add3A_765, %scan3A_332 : i32
          %swap3A_767 = arith.index_cast %add3A_766 : i32 to index
          %swap3A_768 = arith.constant 48 : index
          %swap3A_769 = tpu.vector_load %arg20[%swap3A_767, %swap3A_768] {strides = array<i32>} : memref<40x128xf32, #tpu.memory_space<vmem>>, vector<1x16xf32>,
          %swap3A_770 = vector.shape_cast %swap3A_769 : vector<1x16xf32> to vector<16xf32>
          %swap3A_771 = vector.shape_cast %max3A_764 : vector<16xf32> to vector<1x16xf32>
          tpu.vector_store %arg20[%swap3A_767, %swap3A_768], %swap3A_771 {strides = array<i32>} : memref<40x128xf32, #tpu.memory_space<vmem>>, vector<1x16xf32>,
          %add3A_772 = arith.addf %bitcast_convert_type3A_693, %bitcast_convert_type3A_717 : vector<16xf32>
          %add3A_773 = arith.addf %add3A_772, %bitcast_convert_type3A_739 : vector<16xf32>
          %max3A_774 = arith.constant 0.000000e+00 : f32
          %max3A_775 = vector.broadcast %max3A_774 : f32 to vector<16xf32>
          %max3A_776 = arith.maximumf %add3A_773, %max3A_775 : vector<16xf32>
          %add3A_777 = arith.constant 20 : i32
          %add3A_778 = arith.addi %add3A_777, %scan3A_332 : i32
          %swap3A_779 = arith.index_cast %add3A_778 : i32 to index
          %swap3A_780 = arith.constant 112 : index
          %swap3A_781 = tpu.vector_load %arg20[%swap3A_779, %swap3A_780] {strides = array<i32>} : memref<40x128xf32, #tpu.memory_space<vmem>>, vector<1x16xf32>,
          %swap3A_782 = vector.shape_cast %swap3A_781 : vector<1x16xf32> to vector<16xf32>
          %swap3A_783 = vector.shape_cast %max3A_776 : vector<16xf32> to vector<1x16xf32>
          tpu.vector_store %arg20[%swap3A_779, %swap3A_780], %swap3A_783 {strides = array<i32>} : memref<40x128xf32, #tpu.memory_space<vmem>>, vector<1x16xf32>,
        }
        %scan3A_265 = arith.constant 20 : i32
        %dma_start3A_266 = arith.constant 0 : i32
        %dma_start3A_267 = tpu.memref_slice %arg12[%add3A_239, %dma_start3A_266] : memref<50x40xi32, #tpu.memory_space<vmem>> -> memref<1x40xi32, #tpu.memory_space<vmem>>
        %dma_start3A_268 = tpu.memref_squeeze %dma_start3A_267 : memref<1x40xi32, #tpu.memory_space<vmem>> -> memref<40xi32, #tpu.memory_space<vmem>>
        %dma_start3A_269 = arith.constant 0 : i32
        %dma_start3A_270 = arith.constant 0 : i32
        %dma_start3A_271 = tpu.memref_slice %arg10[%dma_start3A_269, %dma_start3A_270] : memref<10000x128xf32, #tpu.memory_space<vmem_shared>> -> memref<10000x128xf32, #tpu.memory_space<vmem_shared>>
        tpu.enqueue_indirect_dma source(%arg20 : memref<40x128xf32, #tpu.memory_space<vmem>>) target(%dma_start3A_271 : memref<10000x128xf32, #tpu.memory_space<vmem_shared>>) offsets(%dma_start3A_268 : memref<40xi32, #tpu.memory_space<vmem>>) semaphore(%arg30 : memref<!tpu.dma_semaphore, #tpu.memory_space<semaphore_mem>>) {add = true}
        %dma_start3A_272 = arith.constant 0 : i32
        %dma_start3A_273 = tpu.memref_slice %arg12[%add3A_239, %dma_start3A_272] : memref<50x40xi32, #tpu.memory_space<vmem>> -> memref<1x40xi32, #tpu.memory_space<vmem>>
        %dma_start3A_274 = tpu.memref_squeeze %dma_start3A_273 : memref<1x40xi32, #tpu.memory_space<vmem>> -> memref<40xi32, #tpu.memory_space<vmem>>
        %dma_start3A_275 = arith.constant 0 : i32
        %dma_start3A_276 = arith.constant 0 : i32
        %dma_start3A_277 = tpu.memref_slice %arg11[%dma_start3A_275, %dma_start3A_276] : memref<10000x16xf32, #tpu.memory_space<vmem_shared>> -> memref<10000x16xf32, #tpu.memory_space<vmem_shared>>
        tpu.enqueue_indirect_dma source(%arg22 : memref<40x16xf32, #tpu.memory_space<vmem>>) target(%dma_start3A_277 : memref<10000x16xf32, #tpu.memory_space<vmem_shared>>) offsets(%dma_start3A_274 : memref<40xi32, #tpu.memory_space<vmem>>) semaphore(%arg31 : memref<!tpu.dma_semaphore, #tpu.memory_space<semaphore_mem>>) {add = true}
        %lt3A = arith.constant 24 : i32
        %lt3A_278 = arith.cmpi slt, %scan3A_235, %lt3A : i32
        %convert_element_type3A_279 = arith.extui %lt3A_278 : i1 to i32
        %cond3A_280 = arith.constant 0 : i32
        %cond3A_281 = arith.cmpi ne, %convert_element_type3A_279, %cond3A_280 : i32
        scf.if %cond3A_281 {
          %add3A_332 = arith.constant 2 : i32
          %add3A_333 = arith.addi %add3A_239, %add3A_332 : i32
          %dma_start3A_334 = arith.constant 0 : i32
          %dma_start3A_335 = tpu.memref_slice %arg12[%add3A_333, %dma_start3A_334] : memref<50x40xi32, #tpu.memory_space<vmem>> -> memref<1x40xi32, #tpu.memory_space<vmem>>
          %dma_start3A_336 = tpu.memref_squeeze %dma_start3A_335 : memref<1x40xi32, #tpu.memory_space<vmem>> -> memref<40xi32, #tpu.memory_space<vmem>>
          %dma_start3A_337 = arith.constant 0 : i32
          %dma_start3A_338 = arith.constant 0 : i32
          %dma_start3A_339 = tpu.memref_slice %arg2[%dma_start3A_337, %dma_start3A_338] : memref<10000x64xi32, #tpu.memory_space<hbm>> -> memref<10000x64xi32, #tpu.memory_space<hbm>>
          tpu.enqueue_indirect_dma source(%dma_start3A_339 : memref<10000x64xi32, #tpu.memory_space<hbm>>) target(%arg14 : memref<40x64xi32, #tpu.memory_space<vmem>>) offsets(%dma_start3A_336 : memref<40xi32, #tpu.memory_space<vmem>>) semaphore(%arg24 : memref<!tpu.dma_semaphore, #tpu.memory_space<semaphore_mem>>)
          %dma_start3A_340 = arith.constant 0 : i32
          %dma_start3A_341 = tpu.memref_slice %arg13[%add3A_333, %dma_start3A_340] : memref<50x40xi32, #tpu.memory_space<vmem>> -> memref<1x40xi32, #tpu.memory_space<vmem>>
          %dma_start3A_342 = tpu.memref_squeeze %dma_start3A_341 : memref<1x40xi32, #tpu.memory_space<vmem>> -> memref<40xi32, #tpu.memory_space<vmem>>
          %dma_start3A_343 = arith.constant 0 : i32
          %dma_start3A_344 = arith.constant 0 : i32
          %dma_start3A_345 = tpu.memref_slice %arg3[%dma_start3A_343, %dma_start3A_344] : memref<10000x64xi32, #tpu.memory_space<hbm>> -> memref<10000x64xi32, #tpu.memory_space<hbm>>
          tpu.enqueue_indirect_dma source(%dma_start3A_345 : memref<10000x64xi32, #tpu.memory_space<hbm>>) target(%arg15 : memref<40x64xi32, #tpu.memory_space<vmem>>) offsets(%dma_start3A_342 : memref<40xi32, #tpu.memory_space<vmem>>) semaphore(%arg25 : memref<!tpu.dma_semaphore, #tpu.memory_space<semaphore_mem>>)
          %mul3A_346 = arith.constant 20 : i32
          %mul3A_347 = arith.muli %add3A_333, %mul3A_346 : i32
          %add3A_348 = arith.addi %add3A_161, %mul3A_347 : i32
          %dma_start3A_349 = arith.constant 0 : i32
          %dma_start3A_350 = tpu.memref_slice %arg4[%add3A_348, %dma_start3A_349] : memref<160000x128xi32, #tpu.memory_space<hbm>> -> memref<20x128xi32, #tpu.memory_space<hbm>>
          %dma_start3A_351 = arith.constant 0 : i32
          %dma_start3A_352 = tpu.memref_slice %arg4[%add3A_348, %dma_start3A_351] : memref<160000x128xi32, #tpu.memory_space<hbm>> -> memref<20x128xi32, #tpu.memory_space<hbm>>
          tpu.enqueue_dma source(%dma_start3A_352 : memref<20x128xi32, #tpu.memory_space<hbm>>) target(%arg16 : memref<20x128xi32, #tpu.memory_space<vmem>>) target_semaphore(%arg26 : memref<!tpu.dma_semaphore, #tpu.memory_space<semaphore_mem>>)
        } else {
        }
        %mul3A_282 = arith.constant 2 : i32
        %mul3A_283 = arith.muli %mul3A_282, %scan3A_235 : i32
        %add3A_284 = arith.constant 1 : i32
        %add3A_285 = arith.addi %mul3A_283, %add3A_284 : i32
        %dma_wait3A_286 = arith.constant 0 : i32
        %dma_wait3A_287 = arith.constant 0 : i32
        %dma_wait3A_288 = tpu.memref_slice %arg2[%dma_wait3A_286, %dma_wait3A_287] : memref<10000x64xi32, #tpu.memory_space<hbm>> -> memref<40x64xi32, #tpu.memory_space<hbm>>
        %dma_wait3A_289 = arith.constant 0 : i32
        %dma_wait3A_290 = arith.constant 0 : i32
        %dma_wait3A_291 = tpu.memref_slice %arg2[%dma_wait3A_289, %dma_wait3A_290] : memref<10000x64xi32, #tpu.memory_space<hbm>> -> memref<40x64xi32, #tpu.memory_space<hbm>>
        tpu.wait_dma2 semaphore(%arg27 : memref<!tpu.dma_semaphore, #tpu.memory_space<semaphore_mem>>) src(%dma_wait3A_291 : memref<40x64xi32, #tpu.memory_space<hbm>>) dst(%arg17 : memref<40x64xi32, #tpu.memory_space<vmem>>)
        %dma_wait3A_292 = arith.constant 0 : i32
        %dma_wait3A_293 = arith.constant 0 : i32
        %dma_wait3A_294 = tpu.memref_slice %arg3[%dma_wait3A_292, %dma_wait3A_293] : memref<10000x64xi32, #tpu.memory_space<hbm>> -> memref<40x64xi32, #tpu.memory_space<hbm>>
        %dma_wait3A_295 = arith.constant 0 : i32
        %dma_wait3A_296 = arith.constant 0 : i32
        %dma_wait3A_297 = tpu.memref_slice %arg3[%dma_wait3A_295, %dma_wait3A_296] : memref<10000x64xi32, #tpu.memory_space<hbm>> -> memref<40x64xi32, #tpu.memory_space<hbm>>
        tpu.wait_dma2 semaphore(%arg28 : memref<!tpu.dma_semaphore, #tpu.memory_space<semaphore_mem>>) src(%dma_wait3A_297 : memref<40x64xi32, #tpu.memory_space<hbm>>) dst(%arg18 : memref<40x64xi32, #tpu.memory_space<vmem>>)
        %dma_wait3A_298 = arith.constant 0 : i32
        %dma_wait3A_299 = arith.constant 0 : i32
        %dma_wait3A_300 = tpu.memref_slice %arg4[%dma_wait3A_298, %dma_wait3A_299] : memref<160000x128xi32, #tpu.memory_space<hbm>> -> memref<20x128xi32, #tpu.memory_space<hbm>>
        %dma_wait3A_301 = arith.constant 0 : i32
        %dma_wait3A_302 = arith.constant 0 : i32
        %dma_wait3A_303 = tpu.memref_slice %arg4[%dma_wait3A_301, %dma_wait3A_302] : memref<160000x128xi32, #tpu.memory_space<hbm>> -> memref<20x128xi32, #tpu.memory_space<hbm>>
        tpu.wait_dma2 semaphore(%arg29 : memref<!tpu.dma_semaphore, #tpu.memory_space<semaphore_mem>>) src(%dma_wait3A_303 : memref<20x128xi32, #tpu.memory_space<hbm>>) dst(%arg19 : memref<20x128xi32, #tpu.memory_space<vmem>>)
        %gt3A_304 = arith.constant 0 : i32
        %gt3A_305 = arith.cmpi sgt, %scan3A_235, %gt3A_304 : i32
        %convert_element_type3A_306 = arith.extui %gt3A_305 : i1 to i32
        %cond3A_307 = arith.constant 0 : i32
        %cond3A_308 = arith.cmpi ne, %convert_element_type3A_306, %cond3A_307 : i32
        scf.if %cond3A_308 {
          %dma_wait3A_332 = arith.constant 0 : i32
          %dma_wait3A_333 = arith.constant 0 : i32
          %dma_wait3A_334 = tpu.memref_slice %arg10[%dma_wait3A_332, %dma_wait3A_333] : memref<10000x128xf32, #tpu.memory_space<vmem_shared>> -> memref<40x128xf32, #tpu.memory_space<vmem_shared>>
          %dma_wait3A_335 = arith.constant 0 : i32
          %dma_wait3A_336 = arith.constant 0 : i32
          %dma_wait3A_337 = tpu.memref_slice %arg10[%dma_wait3A_335, %dma_wait3A_336] : memref<10000x128xf32, #tpu.memory_space<vmem_shared>> -> memref<40x128xf32, #tpu.memory_space<vmem_shared>>
          tpu.wait_dma2 semaphore(%arg32 : memref<!tpu.dma_semaphore, #tpu.memory_space<semaphore_mem>>) src(%arg21 : memref<40x128xf32, #tpu.memory_space<vmem>>) dst(%dma_wait3A_337 : memref<40x128xf32, #tpu.memory_space<vmem_shared>>)
          %dma_wait3A_338 = arith.constant 0 : i32
          %dma_wait3A_339 = arith.constant 0 : i32
          %dma_wait3A_340 = tpu.memref_slice %arg11[%dma_wait3A_338, %dma_wait3A_339] : memref<10000x16xf32, #tpu.memory_space<vmem_shared>> -> memref<40x16xf32, #tpu.memory_space<vmem_shared>>
          %dma_wait3A_341 = arith.constant 0 : i32
          %dma_wait3A_342 = arith.constant 0 : i32
          %dma_wait3A_343 = tpu.memref_slice %arg11[%dma_wait3A_341, %dma_wait3A_342] : memref<10000x16xf32, #tpu.memory_space<vmem_shared>> -> memref<40x16xf32, #tpu.memory_space<vmem_shared>>
          tpu.wait_dma2 semaphore(%arg33 : memref<!tpu.dma_semaphore, #tpu.memory_space<semaphore_mem>>) src(%arg22 : memref<40x16xf32, #tpu.memory_space<vmem>>) dst(%dma_wait3A_343 : memref<40x16xf32, #tpu.memory_space<vmem_shared>>)
        } else {
        }
        %scan3A_309 = arith.constant 0 : i32
        %scan3A_310 = arith.constant 0 : i32
        %scan3A_311 = arith.constant 20 : i32
        %scan3A_312 = arith.addi %scan3A_310, %scan3A_311 : i32
        %scan3A_313 = arith.constant 1 : i32
        scf.for %scan3A_332 = %scan3A_310 to %scan3A_312 step %scan3A_313  : i32 {
          %get3A_333 = arith.index_cast %scan3A_332 : i32 to index
          %get3A_334 = arith.constant 0 : index
          %get3A_335 = tpu.vector_load %arg17[%get3A_333, %get3A_334] {strides = array<i32>} : memref<40x64xi32, #tpu.memory_space<vmem>>, vector<1x16xi32>,
          %get3A_336 = vector.shape_cast %get3A_335 : vector<1x16xi32> to vector<16xi32>
          %shift_left3A = arith.constant 16 : i32
          %shift_left3A_337 = vector.broadcast %shift_left3A : i32 to vector<16xi32>
          %shift_left3A_338 = arith.shli %get3A_336, %shift_left3A_337 : vector<16xi32>
          %bitcast_convert_type3A = tpu.bitcast %shift_left3A_338 : vector<16xi32> -> vector<16xf32>
          %and3A = vector.broadcast %squeeze3A : i32 to vector<16xi32>
          %and3A_339 = arith.andi %get3A_336, %and3A : vector<16xi32>
          %bitcast_convert_type3A_340 = tpu.bitcast %and3A_339 : vector<16xi32> -> vector<16xf32>
          %add3A_341 = arith.constant 20 : i32
          %add3A_342 = arith.addi %add3A_341, %scan3A_332 : i32
          %get3A_343 = arith.index_cast %add3A_342 : i32 to index
          %get3A_344 = arith.constant 0 : index
          %get3A_345 = tpu.vector_load %arg17[%get3A_343, %get3A_344] {strides = array<i32>} : memref<40x64xi32, #tpu.memory_space<vmem>>, vector<1x16xi32>,
          %get3A_346 = vector.shape_cast %get3A_345 : vector<1x16xi32> to vector<16xi32>
          %shift_left3A_347 = arith.constant 16 : i32
          %shift_left3A_348 = vector.broadcast %shift_left3A_347 : i32 to vector<16xi32>
          %shift_left3A_349 = arith.shli %get3A_346, %shift_left3A_348 : vector<16xi32>
          %bitcast_convert_type3A_350 = tpu.bitcast %shift_left3A_349 : vector<16xi32> -> vector<16xf32>
          %and3A_351 = vector.broadcast %squeeze3A : i32 to vector<16xi32>
          %and3A_352 = arith.andi %get3A_346, %and3A_351 : vector<16xi32>
          %bitcast_convert_type3A_353 = tpu.bitcast %and3A_352 : vector<16xi32> -> vector<16xf32>
          %get3A_354 = arith.index_cast %scan3A_332 : i32 to index
          %get3A_355 = arith.constant 0 : index
          %get3A_356 = tpu.vector_load %arg18[%get3A_354, %get3A_355] {strides = array<i32>} : memref<40x64xi32, #tpu.memory_space<vmem>>, vector<1x16xi32>,
          %get3A_357 = vector.shape_cast %get3A_356 : vector<1x16xi32> to vector<16xi32>
          %shift_left3A_358 = arith.constant 16 : i32
          %shift_left3A_359 = vector.broadcast %shift_left3A_358 : i32 to vector<16xi32>
          %shift_left3A_360 = arith.shli %get3A_357, %shift_left3A_359 : vector<16xi32>
          %bitcast_convert_type3A_361 = tpu.bitcast %shift_left3A_360 : vector<16xi32> -> vector<16xf32>
          %and3A_362 = vector.broadcast %squeeze3A : i32 to vector<16xi32>
          %and3A_363 = arith.andi %get3A_357, %and3A_362 : vector<16xi32>
          %bitcast_convert_type3A_364 = tpu.bitcast %and3A_363 : vector<16xi32> -> vector<16xf32>
          %add3A_365 = arith.constant 20 : i32
          %add3A_366 = arith.addi %add3A_365, %scan3A_332 : i32
          %get3A_367 = arith.index_cast %add3A_366 : i32 to index
          %get3A_368 = arith.constant 0 : index
          %get3A_369 = tpu.vector_load %arg18[%get3A_367, %get3A_368] {strides = array<i32>} : memref<40x64xi32, #tpu.memory_space<vmem>>, vector<1x16xi32>,
          %get3A_370 = vector.shape_cast %get3A_369 : vector<1x16xi32> to vector<16xi32>
          %shift_left3A_371 = arith.constant 16 : i32
          %shift_left3A_372 = vector.broadcast %shift_left3A_371 : i32 to vector<16xi32>
          %shift_left3A_373 = arith.shli %get3A_370, %shift_left3A_372 : vector<16xi32>
          %bitcast_convert_type3A_374 = tpu.bitcast %shift_left3A_373 : vector<16xi32> -> vector<16xf32>
          %and3A_375 = vector.broadcast %squeeze3A : i32 to vector<16xi32>
          %and3A_376 = arith.andi %get3A_370, %and3A_375 : vector<16xi32>
          %bitcast_convert_type3A_377 = tpu.bitcast %and3A_376 : vector<16xi32> -> vector<16xf32>
          %get3A_378 = arith.index_cast %scan3A_332 : i32 to index
          %get3A_379 = arith.constant 0 : index
          %get3A_380 = tpu.vector_load %arg19[%get3A_378, %get3A_379] {strides = array<i32>} : memref<20x128xi32, #tpu.memory_space<vmem>>, vector<1x16xi32>,
          %get3A_381 = vector.shape_cast %get3A_380 : vector<1x16xi32> to vector<16xi32>
          %shift_left3A_382 = arith.constant 16 : i32
          %shift_left3A_383 = vector.broadcast %shift_left3A_382 : i32 to vector<16xi32>
          %shift_left3A_384 = arith.shli %get3A_381, %shift_left3A_383 : vector<16xi32>
          %bitcast_convert_type3A_385 = tpu.bitcast %shift_left3A_384 : vector<16xi32> -> vector<16xf32>
          %and3A_386 = vector.broadcast %squeeze3A : i32 to vector<16xi32>
          %and3A_387 = arith.andi %get3A_381, %and3A_386 : vector<16xi32>
          %bitcast_convert_type3A_388 = tpu.bitcast %and3A_387 : vector<16xi32> -> vector<16xf32>
          %get3A_389 = arith.index_cast %scan3A_332 : i32 to index
          %get3A_390 = arith.constant 64 : index
          %get3A_391 = tpu.vector_load %arg19[%get3A_389, %get3A_390] {strides = array<i32>} : memref<20x128xi32, #tpu.memory_space<vmem>>, vector<1x16xi32>,
          %get3A_392 = vector.shape_cast %get3A_391 : vector<1x16xi32> to vector<16xi32>
          %shift_left3A_393 = arith.constant 16 : i32
          %shift_left3A_394 = vector.broadcast %shift_left3A_393 : i32 to vector<16xi32>
          %shift_left3A_395 = arith.shli %get3A_392, %shift_left3A_394 : vector<16xi32>
          %bitcast_convert_type3A_396 = tpu.bitcast %shift_left3A_395 : vector<16xi32> -> vector<16xf32>
          %and3A_397 = vector.broadcast %squeeze3A : i32 to vector<16xi32>
          %and3A_398 = arith.andi %get3A_392, %and3A_397 : vector<16xi32>
          %bitcast_convert_type3A_399 = tpu.bitcast %and3A_398 : vector<16xi32> -> vector<16xf32>
          %add3A_400 = arith.addf %bitcast_convert_type3A, %bitcast_convert_type3A_361 : vector<16xf32>
          %add3A_401 = arith.addf %add3A_400, %bitcast_convert_type3A_385 : vector<16xf32>
          %max3A = arith.constant 0.000000e+00 : f32
          %max3A_402 = vector.broadcast %max3A : f32 to vector<16xf32>
          %max3A_403 = arith.maximumf %add3A_401, %max3A_402 : vector<16xf32>
          %swap3A = arith.index_cast %scan3A_332 : i32 to index
          %swap3A_404 = arith.constant 0 : index
          %swap3A_405 = tpu.vector_load %arg21[%swap3A, %swap3A_404] {strides = array<i32>} : memref<40x128xf32, #tpu.memory_space<vmem>>, vector<1x16xf32>,
          %swap3A_406 = vector.shape_cast %swap3A_405 : vector<1x16xf32> to vector<16xf32>
          %swap3A_407 = vector.shape_cast %max3A_403 : vector<16xf32> to vector<1x16xf32>
          tpu.vector_store %arg21[%swap3A, %swap3A_404], %swap3A_407 {strides = array<i32>} : memref<40x128xf32, #tpu.memory_space<vmem>>, vector<1x16xf32>,
          %add3A_408 = arith.addf %bitcast_convert_type3A_340, %bitcast_convert_type3A_364 : vector<16xf32>
          %add3A_409 = arith.addf %add3A_408, %bitcast_convert_type3A_396 : vector<16xf32>
          %max3A_410 = arith.constant 0.000000e+00 : f32
          %max3A_411 = vector.broadcast %max3A_410 : f32 to vector<16xf32>
          %max3A_412 = arith.maximumf %add3A_409, %max3A_411 : vector<16xf32>
          %swap3A_413 = arith.index_cast %scan3A_332 : i32 to index
          %swap3A_414 = arith.constant 64 : index
          %swap3A_415 = tpu.vector_load %arg21[%swap3A_413, %swap3A_414] {strides = array<i32>} : memref<40x128xf32, #tpu.memory_space<vmem>>, vector<1x16xf32>,
          %swap3A_416 = vector.shape_cast %swap3A_415 : vector<1x16xf32> to vector<16xf32>
          %swap3A_417 = vector.shape_cast %max3A_412 : vector<16xf32> to vector<1x16xf32>
          tpu.vector_store %arg21[%swap3A_413, %swap3A_414], %swap3A_417 {strides = array<i32>} : memref<40x128xf32, #tpu.memory_space<vmem>>, vector<1x16xf32>,
          %add3A_418 = arith.addf %bitcast_convert_type3A_350, %bitcast_convert_type3A_374 : vector<16xf32>
          %add3A_419 = arith.addf %add3A_418, %bitcast_convert_type3A_388 : vector<16xf32>
          %max3A_420 = arith.constant 0.000000e+00 : f32
          %max3A_421 = vector.broadcast %max3A_420 : f32 to vector<16xf32>
          %max3A_422 = arith.maximumf %add3A_419, %max3A_421 : vector<16xf32>
          %add3A_423 = arith.constant 20 : i32
          %add3A_424 = arith.addi %add3A_423, %scan3A_332 : i32
          %swap3A_425 = arith.index_cast %add3A_424 : i32 to index
          %swap3A_426 = arith.constant 0 : index
          %swap3A_427 = tpu.vector_load %arg21[%swap3A_425, %swap3A_426] {strides = array<i32>} : memref<40x128xf32, #tpu.memory_space<vmem>>, vector<1x16xf32>,
          %swap3A_428 = vector.shape_cast %swap3A_427 : vector<1x16xf32> to vector<16xf32>
          %swap3A_429 = vector.shape_cast %max3A_422 : vector<16xf32> to vector<1x16xf32>
          tpu.vector_store %arg21[%swap3A_425, %swap3A_426], %swap3A_429 {strides = array<i32>} : memref<40x128xf32, #tpu.memory_space<vmem>>, vector<1x16xf32>,
          %add3A_430 = arith.addf %bitcast_convert_type3A_353, %bitcast_convert_type3A_377 : vector<16xf32>
          %add3A_431 = arith.addf %add3A_430, %bitcast_convert_type3A_399 : vector<16xf32>
          %max3A_432 = arith.constant 0.000000e+00 : f32
          %max3A_433 = vector.broadcast %max3A_432 : f32 to vector<16xf32>
          %max3A_434 = arith.maximumf %add3A_431, %max3A_433 : vector<16xf32>
          %add3A_435 = arith.constant 20 : i32
          %add3A_436 = arith.addi %add3A_435, %scan3A_332 : i32
          %swap3A_437 = arith.index_cast %add3A_436 : i32 to index
          %swap3A_438 = arith.constant 64 : index
          %swap3A_439 = tpu.vector_load %arg21[%swap3A_437, %swap3A_438] {strides = array<i32>} : memref<40x128xf32, #tpu.memory_space<vmem>>, vector<1x16xf32>,
          %swap3A_440 = vector.shape_cast %swap3A_439 : vector<1x16xf32> to vector<16xf32>
          %swap3A_441 = vector.shape_cast %max3A_434 : vector<16xf32> to vector<1x16xf32>
          tpu.vector_store %arg21[%swap3A_437, %swap3A_438], %swap3A_441 {strides = array<i32>} : memref<40x128xf32, #tpu.memory_space<vmem>>, vector<1x16xf32>,
          %get3A_442 = arith.index_cast %scan3A_332 : i32 to index
          %get3A_443 = arith.constant 16 : index
          %get3A_444 = tpu.vector_load %arg17[%get3A_442, %get3A_443] {strides = array<i32>} : memref<40x64xi32, #tpu.memory_space<vmem>>, vector<1x16xi32>,
          %get3A_445 = vector.shape_cast %get3A_444 : vector<1x16xi32> to vector<16xi32>
          %shift_left3A_446 = arith.constant 16 : i32
          %shift_left3A_447 = vector.broadcast %shift_left3A_446 : i32 to vector<16xi32>
          %shift_left3A_448 = arith.shli %get3A_445, %shift_left3A_447 : vector<16xi32>
          %bitcast_convert_type3A_449 = tpu.bitcast %shift_left3A_448 : vector<16xi32> -> vector<16xf32>
          %and3A_450 = vector.broadcast %squeeze3A : i32 to vector<16xi32>
          %and3A_451 = arith.andi %get3A_445, %and3A_450 : vector<16xi32>
          %bitcast_convert_type3A_452 = tpu.bitcast %and3A_451 : vector<16xi32> -> vector<16xf32>
          %add3A_453 = arith.constant 20 : i32
          %add3A_454 = arith.addi %add3A_453, %scan3A_332 : i32
          %get3A_455 = arith.index_cast %add3A_454 : i32 to index
          %get3A_456 = arith.constant 16 : index
          %get3A_457 = tpu.vector_load %arg17[%get3A_455, %get3A_456] {strides = array<i32>} : memref<40x64xi32, #tpu.memory_space<vmem>>, vector<1x16xi32>,
          %get3A_458 = vector.shape_cast %get3A_457 : vector<1x16xi32> to vector<16xi32>
          %shift_left3A_459 = arith.constant 16 : i32
          %shift_left3A_460 = vector.broadcast %shift_left3A_459 : i32 to vector<16xi32>
          %shift_left3A_461 = arith.shli %get3A_458, %shift_left3A_460 : vector<16xi32>
          %bitcast_convert_type3A_462 = tpu.bitcast %shift_left3A_461 : vector<16xi32> -> vector<16xf32>
          %and3A_463 = vector.broadcast %squeeze3A : i32 to vector<16xi32>
          %and3A_464 = arith.andi %get3A_458, %and3A_463 : vector<16xi32>
          %bitcast_convert_type3A_465 = tpu.bitcast %and3A_464 : vector<16xi32> -> vector<16xf32>
          %get3A_466 = arith.index_cast %scan3A_332 : i32 to index
          %get3A_467 = arith.constant 16 : index
          %get3A_468 = tpu.vector_load %arg18[%get3A_466, %get3A_467] {strides = array<i32>} : memref<40x64xi32, #tpu.memory_space<vmem>>, vector<1x16xi32>,
          %get3A_469 = vector.shape_cast %get3A_468 : vector<1x16xi32> to vector<16xi32>
          %shift_left3A_470 = arith.constant 16 : i32
          %shift_left3A_471 = vector.broadcast %shift_left3A_470 : i32 to vector<16xi32>
          %shift_left3A_472 = arith.shli %get3A_469, %shift_left3A_471 : vector<16xi32>
          %bitcast_convert_type3A_473 = tpu.bitcast %shift_left3A_472 : vector<16xi32> -> vector<16xf32>
          %and3A_474 = vector.broadcast %squeeze3A : i32 to vector<16xi32>
          %and3A_475 = arith.andi %get3A_469, %and3A_474 : vector<16xi32>
          %bitcast_convert_type3A_476 = tpu.bitcast %and3A_475 : vector<16xi32> -> vector<16xf32>
          %add3A_477 = arith.constant 20 : i32
          %add3A_478 = arith.addi %add3A_477, %scan3A_332 : i32
          %get3A_479 = arith.index_cast %add3A_478 : i32 to index
          %get3A_480 = arith.constant 16 : index
          %get3A_481 = tpu.vector_load %arg18[%get3A_479, %get3A_480] {strides = array<i32>} : memref<40x64xi32, #tpu.memory_space<vmem>>, vector<1x16xi32>,
          %get3A_482 = vector.shape_cast %get3A_481 : vector<1x16xi32> to vector<16xi32>
          %shift_left3A_483 = arith.constant 16 : i32
          %shift_left3A_484 = vector.broadcast %shift_left3A_483 : i32 to vector<16xi32>
          %shift_left3A_485 = arith.shli %get3A_482, %shift_left3A_484 : vector<16xi32>
          %bitcast_convert_type3A_486 = tpu.bitcast %shift_left3A_485 : vector<16xi32> -> vector<16xf32>
          %and3A_487 = vector.broadcast %squeeze3A : i32 to vector<16xi32>
          %and3A_488 = arith.andi %get3A_482, %and3A_487 : vector<16xi32>
          %bitcast_convert_type3A_489 = tpu.bitcast %and3A_488 : vector<16xi32> -> vector<16xf32>
          %get3A_490 = arith.index_cast %scan3A_332 : i32 to index
          %get3A_491 = arith.constant 16 : index
          %get3A_492 = tpu.vector_load %arg19[%get3A_490, %get3A_491] {strides = array<i32>} : memref<20x128xi32, #tpu.memory_space<vmem>>, vector<1x16xi32>,
          %get3A_493 = vector.shape_cast %get3A_492 : vector<1x16xi32> to vector<16xi32>
          %shift_left3A_494 = arith.constant 16 : i32
          %shift_left3A_495 = vector.broadcast %shift_left3A_494 : i32 to vector<16xi32>
          %shift_left3A_496 = arith.shli %get3A_493, %shift_left3A_495 : vector<16xi32>
          %bitcast_convert_type3A_497 = tpu.bitcast %shift_left3A_496 : vector<16xi32> -> vector<16xf32>
          %and3A_498 = vector.broadcast %squeeze3A : i32 to vector<16xi32>
          %and3A_499 = arith.andi %get3A_493, %and3A_498 : vector<16xi32>
          %bitcast_convert_type3A_500 = tpu.bitcast %and3A_499 : vector<16xi32> -> vector<16xf32>
          %get3A_501 = arith.index_cast %scan3A_332 : i32 to index
          %get3A_502 = arith.constant 80 : index
          %get3A_503 = tpu.vector_load %arg19[%get3A_501, %get3A_502] {strides = array<i32>} : memref<20x128xi32, #tpu.memory_space<vmem>>, vector<1x16xi32>,
          %get3A_504 = vector.shape_cast %get3A_503 : vector<1x16xi32> to vector<16xi32>
          %shift_left3A_505 = arith.constant 16 : i32
          %shift_left3A_506 = vector.broadcast %shift_left3A_505 : i32 to vector<16xi32>
          %shift_left3A_507 = arith.shli %get3A_504, %shift_left3A_506 : vector<16xi32>
          %bitcast_convert_type3A_508 = tpu.bitcast %shift_left3A_507 : vector<16xi32> -> vector<16xf32>
          %and3A_509 = vector.broadcast %squeeze3A : i32 to vector<16xi32>
          %and3A_510 = arith.andi %get3A_504, %and3A_509 : vector<16xi32>
          %bitcast_convert_type3A_511 = tpu.bitcast %and3A_510 : vector<16xi32> -> vector<16xf32>
          %add3A_512 = arith.addf %bitcast_convert_type3A_449, %bitcast_convert_type3A_473 : vector<16xf32>
          %add3A_513 = arith.addf %add3A_512, %bitcast_convert_type3A_497 : vector<16xf32>
          %max3A_514 = arith.constant 0.000000e+00 : f32
          %max3A_515 = vector.broadcast %max3A_514 : f32 to vector<16xf32>
          %max3A_516 = arith.maximumf %add3A_513, %max3A_515 : vector<16xf32>
          %swap3A_517 = arith.index_cast %scan3A_332 : i32 to index
          %swap3A_518 = arith.constant 16 : index
          %swap3A_519 = tpu.vector_load %arg21[%swap3A_517, %swap3A_518] {strides = array<i32>} : memref<40x128xf32, #tpu.memory_space<vmem>>, vector<1x16xf32>,
          %swap3A_520 = vector.shape_cast %swap3A_519 : vector<1x16xf32> to vector<16xf32>
          %swap3A_521 = vector.shape_cast %max3A_516 : vector<16xf32> to vector<1x16xf32>
          tpu.vector_store %arg21[%swap3A_517, %swap3A_518], %swap3A_521 {strides = array<i32>} : memref<40x128xf32, #tpu.memory_space<vmem>>, vector<1x16xf32>,
          %add3A_522 = arith.addf %bitcast_convert_type3A_452, %bitcast_convert_type3A_476 : vector<16xf32>
          %add3A_523 = arith.addf %add3A_522, %bitcast_convert_type3A_508 : vector<16xf32>
          %max3A_524 = arith.constant 0.000000e+00 : f32
          %max3A_525 = vector.broadcast %max3A_524 : f32 to vector<16xf32>
          %max3A_526 = arith.maximumf %add3A_523, %max3A_525 : vector<16xf32>
          %swap3A_527 = arith.index_cast %scan3A_332 : i32 to index
          %swap3A_528 = arith.constant 80 : index
          %swap3A_529 = tpu.vector_load %arg21[%swap3A_527, %swap3A_528] {strides = array<i32>} : memref<40x128xf32, #tpu.memory_space<vmem>>, vector<1x16xf32>,
          %swap3A_530 = vector.shape_cast %swap3A_529 : vector<1x16xf32> to vector<16xf32>
          %swap3A_531 = vector.shape_cast %max3A_526 : vector<16xf32> to vector<1x16xf32>
          tpu.vector_store %arg21[%swap3A_527, %swap3A_528], %swap3A_531 {strides = array<i32>} : memref<40x128xf32, #tpu.memory_space<vmem>>, vector<1x16xf32>,
          %add3A_532 = arith.addf %bitcast_convert_type3A_462, %bitcast_convert_type3A_486 : vector<16xf32>
          %add3A_533 = arith.addf %add3A_532, %bitcast_convert_type3A_500 : vector<16xf32>
          %max3A_534 = arith.constant 0.000000e+00 : f32
          %max3A_535 = vector.broadcast %max3A_534 : f32 to vector<16xf32>
          %max3A_536 = arith.maximumf %add3A_533, %max3A_535 : vector<16xf32>
          %add3A_537 = arith.constant 20 : i32
          %add3A_538 = arith.addi %add3A_537, %scan3A_332 : i32
          %swap3A_539 = arith.index_cast %add3A_538 : i32 to index
          %swap3A_540 = arith.constant 16 : index
          %swap3A_541 = tpu.vector_load %arg21[%swap3A_539, %swap3A_540] {strides = array<i32>} : memref<40x128xf32, #tpu.memory_space<vmem>>, vector<1x16xf32>,
          %swap3A_542 = vector.shape_cast %swap3A_541 : vector<1x16xf32> to vector<16xf32>
          %swap3A_543 = vector.shape_cast %max3A_536 : vector<16xf32> to vector<1x16xf32>
          tpu.vector_store %arg21[%swap3A_539, %swap3A_540], %swap3A_543 {strides = array<i32>} : memref<40x128xf32, #tpu.memory_space<vmem>>, vector<1x16xf32>,
          %add3A_544 = arith.addf %bitcast_convert_type3A_465, %bitcast_convert_type3A_489 : vector<16xf32>
          %add3A_545 = arith.addf %add3A_544, %bitcast_convert_type3A_511 : vector<16xf32>
          %max3A_546 = arith.constant 0.000000e+00 : f32
          %max3A_547 = vector.broadcast %max3A_546 : f32 to vector<16xf32>
          %max3A_548 = arith.maximumf %add3A_545, %max3A_547 : vector<16xf32>
          %add3A_549 = arith.constant 20 : i32
          %add3A_550 = arith.addi %add3A_549, %scan3A_332 : i32
          %swap3A_551 = arith.index_cast %add3A_550 : i32 to index
          %swap3A_552 = arith.constant 80 : index
          %swap3A_553 = tpu.vector_load %arg21[%swap3A_551, %swap3A_552] {strides = array<i32>} : memref<40x128xf32, #tpu.memory_space<vmem>>, vector<1x16xf32>,
          %swap3A_554 = vector.shape_cast %swap3A_553 : vector<1x16xf32> to vector<16xf32>
          %swap3A_555 = vector.shape_cast %max3A_548 : vector<16xf32> to vector<1x16xf32>
          tpu.vector_store %arg21[%swap3A_551, %swap3A_552], %swap3A_555 {strides = array<i32>} : memref<40x128xf32, #tpu.memory_space<vmem>>, vector<1x16xf32>,
          %get3A_556 = arith.index_cast %scan3A_332 : i32 to index
          %get3A_557 = arith.constant 32 : index
          %get3A_558 = tpu.vector_load %arg17[%get3A_556, %get3A_557] {strides = array<i32>} : memref<40x64xi32, #tpu.memory_space<vmem>>, vector<1x16xi32>,
          %get3A_559 = vector.shape_cast %get3A_558 : vector<1x16xi32> to vector<16xi32>
          %shift_left3A_560 = arith.constant 16 : i32
          %shift_left3A_561 = vector.broadcast %shift_left3A_560 : i32 to vector<16xi32>
          %shift_left3A_562 = arith.shli %get3A_559, %shift_left3A_561 : vector<16xi32>
          %bitcast_convert_type3A_563 = tpu.bitcast %shift_left3A_562 : vector<16xi32> -> vector<16xf32>
          %and3A_564 = vector.broadcast %squeeze3A : i32 to vector<16xi32>
          %and3A_565 = arith.andi %get3A_559, %and3A_564 : vector<16xi32>
          %bitcast_convert_type3A_566 = tpu.bitcast %and3A_565 : vector<16xi32> -> vector<16xf32>
          %add3A_567 = arith.constant 20 : i32
          %add3A_568 = arith.addi %add3A_567, %scan3A_332 : i32
          %get3A_569 = arith.index_cast %add3A_568 : i32 to index
          %get3A_570 = arith.constant 32 : index
          %get3A_571 = tpu.vector_load %arg17[%get3A_569, %get3A_570] {strides = array<i32>} : memref<40x64xi32, #tpu.memory_space<vmem>>, vector<1x16xi32>,
          %get3A_572 = vector.shape_cast %get3A_571 : vector<1x16xi32> to vector<16xi32>
          %shift_left3A_573 = arith.constant 16 : i32
          %shift_left3A_574 = vector.broadcast %shift_left3A_573 : i32 to vector<16xi32>
          %shift_left3A_575 = arith.shli %get3A_572, %shift_left3A_574 : vector<16xi32>
          %bitcast_convert_type3A_576 = tpu.bitcast %shift_left3A_575 : vector<16xi32> -> vector<16xf32>
          %and3A_577 = vector.broadcast %squeeze3A : i32 to vector<16xi32>
          %and3A_578 = arith.andi %get3A_572, %and3A_577 : vector<16xi32>
          %bitcast_convert_type3A_579 = tpu.bitcast %and3A_578 : vector<16xi32> -> vector<16xf32>
          %get3A_580 = arith.index_cast %scan3A_332 : i32 to index
          %get3A_581 = arith.constant 32 : index
          %get3A_582 = tpu.vector_load %arg18[%get3A_580, %get3A_581] {strides = array<i32>} : memref<40x64xi32, #tpu.memory_space<vmem>>, vector<1x16xi32>,
          %get3A_583 = vector.shape_cast %get3A_582 : vector<1x16xi32> to vector<16xi32>
          %shift_left3A_584 = arith.constant 16 : i32
          %shift_left3A_585 = vector.broadcast %shift_left3A_584 : i32 to vector<16xi32>
          %shift_left3A_586 = arith.shli %get3A_583, %shift_left3A_585 : vector<16xi32>
          %bitcast_convert_type3A_587 = tpu.bitcast %shift_left3A_586 : vector<16xi32> -> vector<16xf32>
          %and3A_588 = vector.broadcast %squeeze3A : i32 to vector<16xi32>
          %and3A_589 = arith.andi %get3A_583, %and3A_588 : vector<16xi32>
          %bitcast_convert_type3A_590 = tpu.bitcast %and3A_589 : vector<16xi32> -> vector<16xf32>
          %add3A_591 = arith.constant 20 : i32
          %add3A_592 = arith.addi %add3A_591, %scan3A_332 : i32
          %get3A_593 = arith.index_cast %add3A_592 : i32 to index
          %get3A_594 = arith.constant 32 : index
          %get3A_595 = tpu.vector_load %arg18[%get3A_593, %get3A_594] {strides = array<i32>} : memref<40x64xi32, #tpu.memory_space<vmem>>, vector<1x16xi32>,
          %get3A_596 = vector.shape_cast %get3A_595 : vector<1x16xi32> to vector<16xi32>
          %shift_left3A_597 = arith.constant 16 : i32
          %shift_left3A_598 = vector.broadcast %shift_left3A_597 : i32 to vector<16xi32>
          %shift_left3A_599 = arith.shli %get3A_596, %shift_left3A_598 : vector<16xi32>
          %bitcast_convert_type3A_600 = tpu.bitcast %shift_left3A_599 : vector<16xi32> -> vector<16xf32>
          %and3A_601 = vector.broadcast %squeeze3A : i32 to vector<16xi32>
          %and3A_602 = arith.andi %get3A_596, %and3A_601 : vector<16xi32>
          %bitcast_convert_type3A_603 = tpu.bitcast %and3A_602 : vector<16xi32> -> vector<16xf32>
          %get3A_604 = arith.index_cast %scan3A_332 : i32 to index
          %get3A_605 = arith.constant 32 : index
          %get3A_606 = tpu.vector_load %arg19[%get3A_604, %get3A_605] {strides = array<i32>} : memref<20x128xi32, #tpu.memory_space<vmem>>, vector<1x16xi32>,
          %get3A_607 = vector.shape_cast %get3A_606 : vector<1x16xi32> to vector<16xi32>
          %shift_left3A_608 = arith.constant 16 : i32
          %shift_left3A_609 = vector.broadcast %shift_left3A_608 : i32 to vector<16xi32>
          %shift_left3A_610 = arith.shli %get3A_607, %shift_left3A_609 : vector<16xi32>
          %bitcast_convert_type3A_611 = tpu.bitcast %shift_left3A_610 : vector<16xi32> -> vector<16xf32>
          %and3A_612 = vector.broadcast %squeeze3A : i32 to vector<16xi32>
          %and3A_613 = arith.andi %get3A_607, %and3A_612 : vector<16xi32>
          %bitcast_convert_type3A_614 = tpu.bitcast %and3A_613 : vector<16xi32> -> vector<16xf32>
          %get3A_615 = arith.index_cast %scan3A_332 : i32 to index
          %get3A_616 = arith.constant 96 : index
          %get3A_617 = tpu.vector_load %arg19[%get3A_615, %get3A_616] {strides = array<i32>} : memref<20x128xi32, #tpu.memory_space<vmem>>, vector<1x16xi32>,
          %get3A_618 = vector.shape_cast %get3A_617 : vector<1x16xi32> to vector<16xi32>
          %shift_left3A_619 = arith.constant 16 : i32
          %shift_left3A_620 = vector.broadcast %shift_left3A_619 : i32 to vector<16xi32>
          %shift_left3A_621 = arith.shli %get3A_618, %shift_left3A_620 : vector<16xi32>
          %bitcast_convert_type3A_622 = tpu.bitcast %shift_left3A_621 : vector<16xi32> -> vector<16xf32>
          %and3A_623 = vector.broadcast %squeeze3A : i32 to vector<16xi32>
          %and3A_624 = arith.andi %get3A_618, %and3A_623 : vector<16xi32>
          %bitcast_convert_type3A_625 = tpu.bitcast %and3A_624 : vector<16xi32> -> vector<16xf32>
          %add3A_626 = arith.addf %bitcast_convert_type3A_563, %bitcast_convert_type3A_587 : vector<16xf32>
          %add3A_627 = arith.addf %add3A_626, %bitcast_convert_type3A_611 : vector<16xf32>
          %max3A_628 = arith.constant 0.000000e+00 : f32
          %max3A_629 = vector.broadcast %max3A_628 : f32 to vector<16xf32>
          %max3A_630 = arith.maximumf %add3A_627, %max3A_629 : vector<16xf32>
          %swap3A_631 = arith.index_cast %scan3A_332 : i32 to index
          %swap3A_632 = arith.constant 32 : index
          %swap3A_633 = tpu.vector_load %arg21[%swap3A_631, %swap3A_632] {strides = array<i32>} : memref<40x128xf32, #tpu.memory_space<vmem>>, vector<1x16xf32>,
          %swap3A_634 = vector.shape_cast %swap3A_633 : vector<1x16xf32> to vector<16xf32>
          %swap3A_635 = vector.shape_cast %max3A_630 : vector<16xf32> to vector<1x16xf32>
          tpu.vector_store %arg21[%swap3A_631, %swap3A_632], %swap3A_635 {strides = array<i32>} : memref<40x128xf32, #tpu.memory_space<vmem>>, vector<1x16xf32>,
          %add3A_636 = arith.addf %bitcast_convert_type3A_566, %bitcast_convert_type3A_590 : vector<16xf32>
          %add3A_637 = arith.addf %add3A_636, %bitcast_convert_type3A_622 : vector<16xf32>
          %max3A_638 = arith.constant 0.000000e+00 : f32
          %max3A_639 = vector.broadcast %max3A_638 : f32 to vector<16xf32>
          %max3A_640 = arith.maximumf %add3A_637, %max3A_639 : vector<16xf32>
          %swap3A_641 = arith.index_cast %scan3A_332 : i32 to index
          %swap3A_642 = arith.constant 96 : index
          %swap3A_643 = tpu.vector_load %arg21[%swap3A_641, %swap3A_642] {strides = array<i32>} : memref<40x128xf32, #tpu.memory_space<vmem>>, vector<1x16xf32>,
          %swap3A_644 = vector.shape_cast %swap3A_643 : vector<1x16xf32> to vector<16xf32>
          %swap3A_645 = vector.shape_cast %max3A_640 : vector<16xf32> to vector<1x16xf32>
          tpu.vector_store %arg21[%swap3A_641, %swap3A_642], %swap3A_645 {strides = array<i32>} : memref<40x128xf32, #tpu.memory_space<vmem>>, vector<1x16xf32>,
          %add3A_646 = arith.addf %bitcast_convert_type3A_576, %bitcast_convert_type3A_600 : vector<16xf32>
          %add3A_647 = arith.addf %add3A_646, %bitcast_convert_type3A_614 : vector<16xf32>
          %max3A_648 = arith.constant 0.000000e+00 : f32
          %max3A_649 = vector.broadcast %max3A_648 : f32 to vector<16xf32>
          %max3A_650 = arith.maximumf %add3A_647, %max3A_649 : vector<16xf32>
          %add3A_651 = arith.constant 20 : i32
          %add3A_652 = arith.addi %add3A_651, %scan3A_332 : i32
          %swap3A_653 = arith.index_cast %add3A_652 : i32 to index
          %swap3A_654 = arith.constant 32 : index
          %swap3A_655 = tpu.vector_load %arg21[%swap3A_653, %swap3A_654] {strides = array<i32>} : memref<40x128xf32, #tpu.memory_space<vmem>>, vector<1x16xf32>,
          %swap3A_656 = vector.shape_cast %swap3A_655 : vector<1x16xf32> to vector<16xf32>
          %swap3A_657 = vector.shape_cast %max3A_650 : vector<16xf32> to vector<1x16xf32>
          tpu.vector_store %arg21[%swap3A_653, %swap3A_654], %swap3A_657 {strides = array<i32>} : memref<40x128xf32, #tpu.memory_space<vmem>>, vector<1x16xf32>,
          %add3A_658 = arith.addf %bitcast_convert_type3A_579, %bitcast_convert_type3A_603 : vector<16xf32>
          %add3A_659 = arith.addf %add3A_658, %bitcast_convert_type3A_625 : vector<16xf32>
          %max3A_660 = arith.constant 0.000000e+00 : f32
          %max3A_661 = vector.broadcast %max3A_660 : f32 to vector<16xf32>
          %max3A_662 = arith.maximumf %add3A_659, %max3A_661 : vector<16xf32>
          %add3A_663 = arith.constant 20 : i32
          %add3A_664 = arith.addi %add3A_663, %scan3A_332 : i32
          %swap3A_665 = arith.index_cast %add3A_664 : i32 to index
          %swap3A_666 = arith.constant 96 : index
          %swap3A_667 = tpu.vector_load %arg21[%swap3A_665, %swap3A_666] {strides = array<i32>} : memref<40x128xf32, #tpu.memory_space<vmem>>, vector<1x16xf32>,
          %swap3A_668 = vector.shape_cast %swap3A_667 : vector<1x16xf32> to vector<16xf32>
          %swap3A_669 = vector.shape_cast %max3A_662 : vector<16xf32> to vector<1x16xf32>
          tpu.vector_store %arg21[%swap3A_665, %swap3A_666], %swap3A_669 {strides = array<i32>} : memref<40x128xf32, #tpu.memory_space<vmem>>, vector<1x16xf32>,
          %get3A_670 = arith.index_cast %scan3A_332 : i32 to index
          %get3A_671 = arith.constant 48 : index
          %get3A_672 = tpu.vector_load %arg17[%get3A_670, %get3A_671] {strides = array<i32>} : memref<40x64xi32, #tpu.memory_space<vmem>>, vector<1x16xi32>,
          %get3A_673 = vector.shape_cast %get3A_672 : vector<1x16xi32> to vector<16xi32>
          %shift_left3A_674 = arith.constant 16 : i32
          %shift_left3A_675 = vector.broadcast %shift_left3A_674 : i32 to vector<16xi32>
          %shift_left3A_676 = arith.shli %get3A_673, %shift_left3A_675 : vector<16xi32>
          %bitcast_convert_type3A_677 = tpu.bitcast %shift_left3A_676 : vector<16xi32> -> vector<16xf32>
          %and3A_678 = vector.broadcast %squeeze3A : i32 to vector<16xi32>
          %and3A_679 = arith.andi %get3A_673, %and3A_678 : vector<16xi32>
          %bitcast_convert_type3A_680 = tpu.bitcast %and3A_679 : vector<16xi32> -> vector<16xf32>
          %add3A_681 = arith.constant 20 : i32
          %add3A_682 = arith.addi %add3A_681, %scan3A_332 : i32
          %get3A_683 = arith.index_cast %add3A_682 : i32 to index
          %get3A_684 = arith.constant 48 : index
          %get3A_685 = tpu.vector_load %arg17[%get3A_683, %get3A_684] {strides = array<i32>} : memref<40x64xi32, #tpu.memory_space<vmem>>, vector<1x16xi32>,
          %get3A_686 = vector.shape_cast %get3A_685 : vector<1x16xi32> to vector<16xi32>
          %shift_left3A_687 = arith.constant 16 : i32
          %shift_left3A_688 = vector.broadcast %shift_left3A_687 : i32 to vector<16xi32>
          %shift_left3A_689 = arith.shli %get3A_686, %shift_left3A_688 : vector<16xi32>
          %bitcast_convert_type3A_690 = tpu.bitcast %shift_left3A_689 : vector<16xi32> -> vector<16xf32>
          %and3A_691 = vector.broadcast %squeeze3A : i32 to vector<16xi32>
          %and3A_692 = arith.andi %get3A_686, %and3A_691 : vector<16xi32>
          %bitcast_convert_type3A_693 = tpu.bitcast %and3A_692 : vector<16xi32> -> vector<16xf32>
          %get3A_694 = arith.index_cast %scan3A_332 : i32 to index
          %get3A_695 = arith.constant 48 : index
          %get3A_696 = tpu.vector_load %arg18[%get3A_694, %get3A_695] {strides = array<i32>} : memref<40x64xi32, #tpu.memory_space<vmem>>, vector<1x16xi32>,
          %get3A_697 = vector.shape_cast %get3A_696 : vector<1x16xi32> to vector<16xi32>
          %shift_left3A_698 = arith.constant 16 : i32
          %shift_left3A_699 = vector.broadcast %shift_left3A_698 : i32 to vector<16xi32>
          %shift_left3A_700 = arith.shli %get3A_697, %shift_left3A_699 : vector<16xi32>
          %bitcast_convert_type3A_701 = tpu.bitcast %shift_left3A_700 : vector<16xi32> -> vector<16xf32>
          %and3A_702 = vector.broadcast %squeeze3A : i32 to vector<16xi32>
          %and3A_703 = arith.andi %get3A_697, %and3A_702 : vector<16xi32>
          %bitcast_convert_type3A_704 = tpu.bitcast %and3A_703 : vector<16xi32> -> vector<16xf32>
          %add3A_705 = arith.constant 20 : i32
          %add3A_706 = arith.addi %add3A_705, %scan3A_332 : i32
          %get3A_707 = arith.index_cast %add3A_706 : i32 to index
          %get3A_708 = arith.constant 48 : index
          %get3A_709 = tpu.vector_load %arg18[%get3A_707, %get3A_708] {strides = array<i32>} : memref<40x64xi32, #tpu.memory_space<vmem>>, vector<1x16xi32>,
          %get3A_710 = vector.shape_cast %get3A_709 : vector<1x16xi32> to vector<16xi32>
          %shift_left3A_711 = arith.constant 16 : i32
          %shift_left3A_712 = vector.broadcast %shift_left3A_711 : i32 to vector<16xi32>
          %shift_left3A_713 = arith.shli %get3A_710, %shift_left3A_712 : vector<16xi32>
          %bitcast_convert_type3A_714 = tpu.bitcast %shift_left3A_713 : vector<16xi32> -> vector<16xf32>
          %and3A_715 = vector.broadcast %squeeze3A : i32 to vector<16xi32>
          %and3A_716 = arith.andi %get3A_710, %and3A_715 : vector<16xi32>
          %bitcast_convert_type3A_717 = tpu.bitcast %and3A_716 : vector<16xi32> -> vector<16xf32>
          %get3A_718 = arith.index_cast %scan3A_332 : i32 to index
          %get3A_719 = arith.constant 48 : index
          %get3A_720 = tpu.vector_load %arg19[%get3A_718, %get3A_719] {strides = array<i32>} : memref<20x128xi32, #tpu.memory_space<vmem>>, vector<1x16xi32>,
          %get3A_721 = vector.shape_cast %get3A_720 : vector<1x16xi32> to vector<16xi32>
          %shift_left3A_722 = arith.constant 16 : i32
          %shift_left3A_723 = vector.broadcast %shift_left3A_722 : i32 to vector<16xi32>
          %shift_left3A_724 = arith.shli %get3A_721, %shift_left3A_723 : vector<16xi32>
          %bitcast_convert_type3A_725 = tpu.bitcast %shift_left3A_724 : vector<16xi32> -> vector<16xf32>
          %and3A_726 = vector.broadcast %squeeze3A : i32 to vector<16xi32>
          %and3A_727 = arith.andi %get3A_721, %and3A_726 : vector<16xi32>
          %bitcast_convert_type3A_728 = tpu.bitcast %and3A_727 : vector<16xi32> -> vector<16xf32>
          %get3A_729 = arith.index_cast %scan3A_332 : i32 to index
          %get3A_730 = arith.constant 112 : index
          %get3A_731 = tpu.vector_load %arg19[%get3A_729, %get3A_730] {strides = array<i32>} : memref<20x128xi32, #tpu.memory_space<vmem>>, vector<1x16xi32>,
          %get3A_732 = vector.shape_cast %get3A_731 : vector<1x16xi32> to vector<16xi32>
          %shift_left3A_733 = arith.constant 16 : i32
          %shift_left3A_734 = vector.broadcast %shift_left3A_733 : i32 to vector<16xi32>
          %shift_left3A_735 = arith.shli %get3A_732, %shift_left3A_734 : vector<16xi32>
          %bitcast_convert_type3A_736 = tpu.bitcast %shift_left3A_735 : vector<16xi32> -> vector<16xf32>
          %and3A_737 = vector.broadcast %squeeze3A : i32 to vector<16xi32>
          %and3A_738 = arith.andi %get3A_732, %and3A_737 : vector<16xi32>
          %bitcast_convert_type3A_739 = tpu.bitcast %and3A_738 : vector<16xi32> -> vector<16xf32>
          %add3A_740 = arith.addf %bitcast_convert_type3A_677, %bitcast_convert_type3A_701 : vector<16xf32>
          %add3A_741 = arith.addf %add3A_740, %bitcast_convert_type3A_725 : vector<16xf32>
          %max3A_742 = arith.constant 0.000000e+00 : f32
          %max3A_743 = vector.broadcast %max3A_742 : f32 to vector<16xf32>
          %max3A_744 = arith.maximumf %add3A_741, %max3A_743 : vector<16xf32>
          %swap3A_745 = arith.index_cast %scan3A_332 : i32 to index
          %swap3A_746 = arith.constant 48 : index
          %swap3A_747 = tpu.vector_load %arg21[%swap3A_745, %swap3A_746] {strides = array<i32>} : memref<40x128xf32, #tpu.memory_space<vmem>>, vector<1x16xf32>,
          %swap3A_748 = vector.shape_cast %swap3A_747 : vector<1x16xf32> to vector<16xf32>
          %swap3A_749 = vector.shape_cast %max3A_744 : vector<16xf32> to vector<1x16xf32>
          tpu.vector_store %arg21[%swap3A_745, %swap3A_746], %swap3A_749 {strides = array<i32>} : memref<40x128xf32, #tpu.memory_space<vmem>>, vector<1x16xf32>,
          %add3A_750 = arith.addf %bitcast_convert_type3A_680, %bitcast_convert_type3A_704 : vector<16xf32>
          %add3A_751 = arith.addf %add3A_750, %bitcast_convert_type3A_736 : vector<16xf32>
          %max3A_752 = arith.constant 0.000000e+00 : f32
          %max3A_753 = vector.broadcast %max3A_752 : f32 to vector<16xf32>
          %max3A_754 = arith.maximumf %add3A_751, %max3A_753 : vector<16xf32>
          %swap3A_755 = arith.index_cast %scan3A_332 : i32 to index
          %swap3A_756 = arith.constant 112 : index
          %swap3A_757 = tpu.vector_load %arg21[%swap3A_755, %swap3A_756] {strides = array<i32>} : memref<40x128xf32, #tpu.memory_space<vmem>>, vector<1x16xf32>,
          %swap3A_758 = vector.shape_cast %swap3A_757 : vector<1x16xf32> to vector<16xf32>
          %swap3A_759 = vector.shape_cast %max3A_754 : vector<16xf32> to vector<1x16xf32>
          tpu.vector_store %arg21[%swap3A_755, %swap3A_756], %swap3A_759 {strides = array<i32>} : memref<40x128xf32, #tpu.memory_space<vmem>>, vector<1x16xf32>,
          %add3A_760 = arith.addf %bitcast_convert_type3A_690, %bitcast_convert_type3A_714 : vector<16xf32>
          %add3A_761 = arith.addf %add3A_760, %bitcast_convert_type3A_728 : vector<16xf32>
          %max3A_762 = arith.constant 0.000000e+00 : f32
          %max3A_763 = vector.broadcast %max3A_762 : f32 to vector<16xf32>
          %max3A_764 = arith.maximumf %add3A_761, %max3A_763 : vector<16xf32>
          %add3A_765 = arith.constant 20 : i32
          %add3A_766 = arith.addi %add3A_765, %scan3A_332 : i32
          %swap3A_767 = arith.index_cast %add3A_766 : i32 to index
          %swap3A_768 = arith.constant 48 : index
          %swap3A_769 = tpu.vector_load %arg21[%swap3A_767, %swap3A_768] {strides = array<i32>} : memref<40x128xf32, #tpu.memory_space<vmem>>, vector<1x16xf32>,
          %swap3A_770 = vector.shape_cast %swap3A_769 : vector<1x16xf32> to vector<16xf32>
          %swap3A_771 = vector.shape_cast %max3A_764 : vector<16xf32> to vector<1x16xf32>
          tpu.vector_store %arg21[%swap3A_767, %swap3A_768], %swap3A_771 {strides = array<i32>} : memref<40x128xf32, #tpu.memory_space<vmem>>, vector<1x16xf32>,
          %add3A_772 = arith.addf %bitcast_convert_type3A_693, %bitcast_convert_type3A_717 : vector<16xf32>
          %add3A_773 = arith.addf %add3A_772, %bitcast_convert_type3A_739 : vector<16xf32>
          %max3A_774 = arith.constant 0.000000e+00 : f32
          %max3A_775 = vector.broadcast %max3A_774 : f32 to vector<16xf32>
          %max3A_776 = arith.maximumf %add3A_773, %max3A_775 : vector<16xf32>
          %add3A_777 = arith.constant 20 : i32
          %add3A_778 = arith.addi %add3A_777, %scan3A_332 : i32
          %swap3A_779 = arith.index_cast %add3A_778 : i32 to index
          %swap3A_780 = arith.constant 112 : index
          %swap3A_781 = tpu.vector_load %arg21[%swap3A_779, %swap3A_780] {strides = array<i32>} : memref<40x128xf32, #tpu.memory_space<vmem>>, vector<1x16xf32>,
          %swap3A_782 = vector.shape_cast %swap3A_781 : vector<1x16xf32> to vector<16xf32>
          %swap3A_783 = vector.shape_cast %max3A_776 : vector<16xf32> to vector<1x16xf32>
          tpu.vector_store %arg21[%swap3A_779, %swap3A_780], %swap3A_783 {strides = array<i32>} : memref<40x128xf32, #tpu.memory_space<vmem>>, vector<1x16xf32>,
        }
        %scan3A_314 = arith.constant 20 : i32
        %dma_start3A_315 = arith.constant 0 : i32
        %dma_start3A_316 = tpu.memref_slice %arg12[%add3A_285, %dma_start3A_315] : memref<50x40xi32, #tpu.memory_space<vmem>> -> memref<1x40xi32, #tpu.memory_space<vmem>>
        %dma_start3A_317 = tpu.memref_squeeze %dma_start3A_316 : memref<1x40xi32, #tpu.memory_space<vmem>> -> memref<40xi32, #tpu.memory_space<vmem>>
        %dma_start3A_318 = arith.constant 0 : i32
        %dma_start3A_319 = arith.constant 0 : i32
        %dma_start3A_320 = tpu.memref_slice %arg10[%dma_start3A_318, %dma_start3A_319] : memref<10000x128xf32, #tpu.memory_space<vmem_shared>> -> memref<10000x128xf32, #tpu.memory_space<vmem_shared>>
        tpu.enqueue_indirect_dma source(%arg21 : memref<40x128xf32, #tpu.memory_space<vmem>>) target(%dma_start3A_320 : memref<10000x128xf32, #tpu.memory_space<vmem_shared>>) offsets(%dma_start3A_317 : memref<40xi32, #tpu.memory_space<vmem>>) semaphore(%arg32 : memref<!tpu.dma_semaphore, #tpu.memory_space<semaphore_mem>>) {add = true}
        %dma_start3A_321 = arith.constant 0 : i32
        %dma_start3A_322 = tpu.memref_slice %arg12[%add3A_285, %dma_start3A_321] : memref<50x40xi32, #tpu.memory_space<vmem>> -> memref<1x40xi32, #tpu.memory_space<vmem>>
        %dma_start3A_323 = tpu.memref_squeeze %dma_start3A_322 : memref<1x40xi32, #tpu.memory_space<vmem>> -> memref<40xi32, #tpu.memory_space<vmem>>
        %dma_start3A_324 = arith.constant 0 : i32
        %dma_start3A_325 = arith.constant 0 : i32
        %dma_start3A_326 = tpu.memref_slice %arg11[%dma_start3A_324, %dma_start3A_325] : memref<10000x16xf32, #tpu.memory_space<vmem_shared>> -> memref<10000x16xf32, #tpu.memory_space<vmem_shared>>
        tpu.enqueue_indirect_dma source(%arg22 : memref<40x16xf32, #tpu.memory_space<vmem>>) target(%dma_start3A_326 : memref<10000x16xf32, #tpu.memory_space<vmem_shared>>) offsets(%dma_start3A_323 : memref<40xi32, #tpu.memory_space<vmem>>) semaphore(%arg33 : memref<!tpu.dma_semaphore, #tpu.memory_space<semaphore_mem>>) {add = true}
        %lt3A_327 = arith.constant 24 : i32
        %lt3A_328 = arith.cmpi slt, %scan3A_235, %lt3A_327 : i32
        %convert_element_type3A_329 = arith.extui %lt3A_328 : i1 to i32
        %cond3A_330 = arith.constant 0 : i32
        %cond3A_331 = arith.cmpi ne, %convert_element_type3A_329, %cond3A_330 : i32
        scf.if %cond3A_331 {
          %add3A_332 = arith.constant 2 : i32
          %add3A_333 = arith.addi %add3A_285, %add3A_332 : i32
          %dma_start3A_334 = arith.constant 0 : i32
          %dma_start3A_335 = tpu.memref_slice %arg12[%add3A_333, %dma_start3A_334] : memref<50x40xi32, #tpu.memory_space<vmem>> -> memref<1x40xi32, #tpu.memory_space<vmem>>
          %dma_start3A_336 = tpu.memref_squeeze %dma_start3A_335 : memref<1x40xi32, #tpu.memory_space<vmem>> -> memref<40xi32, #tpu.memory_space<vmem>>
          %dma_start3A_337 = arith.constant 0 : i32
          %dma_start3A_338 = arith.constant 0 : i32
          %dma_start3A_339 = tpu.memref_slice %arg2[%dma_start3A_337, %dma_start3A_338] : memref<10000x64xi32, #tpu.memory_space<hbm>> -> memref<10000x64xi32, #tpu.memory_space<hbm>>
          tpu.enqueue_indirect_dma source(%dma_start3A_339 : memref<10000x64xi32, #tpu.memory_space<hbm>>) target(%arg17 : memref<40x64xi32, #tpu.memory_space<vmem>>) offsets(%dma_start3A_336 : memref<40xi32, #tpu.memory_space<vmem>>) semaphore(%arg27 : memref<!tpu.dma_semaphore, #tpu.memory_space<semaphore_mem>>)
          %dma_start3A_340 = arith.constant 0 : i32
          %dma_start3A_341 = tpu.memref_slice %arg13[%add3A_333, %dma_start3A_340] : memref<50x40xi32, #tpu.memory_space<vmem>> -> memref<1x40xi32, #tpu.memory_space<vmem>>
          %dma_start3A_342 = tpu.memref_squeeze %dma_start3A_341 : memref<1x40xi32, #tpu.memory_space<vmem>> -> memref<40xi32, #tpu.memory_space<vmem>>
          %dma_start3A_343 = arith.constant 0 : i32
          %dma_start3A_344 = arith.constant 0 : i32
          %dma_start3A_345 = tpu.memref_slice %arg3[%dma_start3A_343, %dma_start3A_344] : memref<10000x64xi32, #tpu.memory_space<hbm>> -> memref<10000x64xi32, #tpu.memory_space<hbm>>
          tpu.enqueue_indirect_dma source(%dma_start3A_345 : memref<10000x64xi32, #tpu.memory_space<hbm>>) target(%arg18 : memref<40x64xi32, #tpu.memory_space<vmem>>) offsets(%dma_start3A_342 : memref<40xi32, #tpu.memory_space<vmem>>) semaphore(%arg28 : memref<!tpu.dma_semaphore, #tpu.memory_space<semaphore_mem>>)
          %mul3A_346 = arith.constant 20 : i32
          %mul3A_347 = arith.muli %add3A_333, %mul3A_346 : i32
          %add3A_348 = arith.addi %add3A_161, %mul3A_347 : i32
          %dma_start3A_349 = arith.constant 0 : i32
          %dma_start3A_350 = tpu.memref_slice %arg4[%add3A_348, %dma_start3A_349] : memref<160000x128xi32, #tpu.memory_space<hbm>> -> memref<20x128xi32, #tpu.memory_space<hbm>>
          %dma_start3A_351 = arith.constant 0 : i32
          %dma_start3A_352 = tpu.memref_slice %arg4[%add3A_348, %dma_start3A_351] : memref<160000x128xi32, #tpu.memory_space<hbm>> -> memref<20x128xi32, #tpu.memory_space<hbm>>
          tpu.enqueue_dma source(%dma_start3A_352 : memref<20x128xi32, #tpu.memory_space<hbm>>) target(%arg19 : memref<20x128xi32, #tpu.memory_space<vmem>>) target_semaphore(%arg29 : memref<!tpu.dma_semaphore, #tpu.memory_space<semaphore_mem>>)
        } else {
        }
      }
      %scan3A_211 = arith.constant 25 : i32
      %dma_wait3A = arith.constant 0 : i32
      %dma_wait3A_212 = arith.constant 0 : i32
      %dma_wait3A_213 = tpu.memref_slice %arg10[%dma_wait3A, %dma_wait3A_212] : memref<10000x128xf32, #tpu.memory_space<vmem_shared>> -> memref<40x128xf32, #tpu.memory_space<vmem_shared>>
      %dma_wait3A_214 = arith.constant 0 : i32
      %dma_wait3A_215 = arith.constant 0 : i32
      %dma_wait3A_216 = tpu.memref_slice %arg10[%dma_wait3A_214, %dma_wait3A_215] : memref<10000x128xf32, #tpu.memory_space<vmem_shared>> -> memref<40x128xf32, #tpu.memory_space<vmem_shared>>
      tpu.wait_dma2 semaphore(%arg30 : memref<!tpu.dma_semaphore, #tpu.memory_space<semaphore_mem>>) src(%arg20 : memref<40x128xf32, #tpu.memory_space<vmem>>) dst(%dma_wait3A_216 : memref<40x128xf32, #tpu.memory_space<vmem_shared>>)
      %dma_wait3A_217 = arith.constant 0 : i32
      %dma_wait3A_218 = arith.constant 0 : i32
      %dma_wait3A_219 = tpu.memref_slice %arg11[%dma_wait3A_217, %dma_wait3A_218] : memref<10000x16xf32, #tpu.memory_space<vmem_shared>> -> memref<40x16xf32, #tpu.memory_space<vmem_shared>>
      %dma_wait3A_220 = arith.constant 0 : i32
      %dma_wait3A_221 = arith.constant 0 : i32
      %dma_wait3A_222 = tpu.memref_slice %arg11[%dma_wait3A_220, %dma_wait3A_221] : memref<10000x16xf32, #tpu.memory_space<vmem_shared>> -> memref<40x16xf32, #tpu.memory_space<vmem_shared>>
      tpu.wait_dma2 semaphore(%arg31 : memref<!tpu.dma_semaphore, #tpu.memory_space<semaphore_mem>>) src(%arg22 : memref<40x16xf32, #tpu.memory_space<vmem>>) dst(%dma_wait3A_222 : memref<40x16xf32, #tpu.memory_space<vmem_shared>>)
      %dma_wait3A_223 = arith.constant 0 : i32
      %dma_wait3A_224 = arith.constant 0 : i32
      %dma_wait3A_225 = tpu.memref_slice %arg10[%dma_wait3A_223, %dma_wait3A_224] : memref<10000x128xf32, #tpu.memory_space<vmem_shared>> -> memref<40x128xf32, #tpu.memory_space<vmem_shared>>
      %dma_wait3A_226 = arith.constant 0 : i32
      %dma_wait3A_227 = arith.constant 0 : i32
      %dma_wait3A_228 = tpu.memref_slice %arg10[%dma_wait3A_226, %dma_wait3A_227] : memref<10000x128xf32, #tpu.memory_space<vmem_shared>> -> memref<40x128xf32, #tpu.memory_space<vmem_shared>>
      tpu.wait_dma2 semaphore(%arg32 : memref<!tpu.dma_semaphore, #tpu.memory_space<semaphore_mem>>) src(%arg21 : memref<40x128xf32, #tpu.memory_space<vmem>>) dst(%dma_wait3A_228 : memref<40x128xf32, #tpu.memory_space<vmem_shared>>)
      %dma_wait3A_229 = arith.constant 0 : i32
      %dma_wait3A_230 = arith.constant 0 : i32
      %dma_wait3A_231 = tpu.memref_slice %arg11[%dma_wait3A_229, %dma_wait3A_230] : memref<10000x16xf32, #tpu.memory_space<vmem_shared>> -> memref<40x16xf32, #tpu.memory_space<vmem_shared>>
      %dma_wait3A_232 = arith.constant 0 : i32
      %dma_wait3A_233 = arith.constant 0 : i32
      %dma_wait3A_234 = tpu.memref_slice %arg11[%dma_wait3A_232, %dma_wait3A_233] : memref<10000x16xf32, #tpu.memory_space<vmem_shared>> -> memref<40x16xf32, #tpu.memory_space<vmem_shared>>
      tpu.wait_dma2 semaphore(%arg33 : memref<!tpu.dma_semaphore, #tpu.memory_space<semaphore_mem>>) src(%arg22 : memref<40x16xf32, #tpu.memory_space<vmem>>) dst(%dma_wait3A_234 : memref<40x16xf32, #tpu.memory_space<vmem_shared>>)
    }
    %scan3A_144 = arith.constant 5 : i32
    %barrier3A_145 = arith.constant 0 : index
    tpu.barrier barrier_id(%barrier3A_145)
    %mul3A_146 = arith.constant 625 : i32
    %mul3A_147 = arith.muli %arg1, %mul3A_146 : i32
    %mul3A_148 = arith.constant 625 : i32
    %mul3A_149 = arith.muli %arg1, %mul3A_148 : i32
    "tpu.region"() ({
      %run_scoped3A = tpu.sem_alloc : memref<!tpu.dma_semaphore, #tpu.memory_space<semaphore_mem>>
      %dma_start3A = arith.constant 0 : i32
      %dma_start3A_154 = tpu.memref_slice %arg8[%arg0, %mul3A_149, %dma_start3A] : memref<2x10000x128xf32, #tpu.memory_space<hbm>> -> memref<1x625x128xf32, #tpu.memory_space<hbm>>
      %dma_start3A_155 = tpu.memref_squeeze %dma_start3A_154 : memref<1x625x128xf32, #tpu.memory_space<hbm>> -> memref<625x128xf32, #tpu.memory_space<hbm>>
      %dma_start3A_156 = arith.constant 0 : i32
      %dma_start3A_157 = tpu.memref_slice %arg10[%mul3A_147, %dma_start3A_156] : memref<10000x128xf32, #tpu.memory_space<vmem_shared>> -> memref<625x128xf32, #tpu.memory_space<vmem_shared>>
      tpu.enqueue_dma source(%dma_start3A_157 : memref<625x128xf32, #tpu.memory_space<vmem_shared>>) target(%dma_start3A_155 : memref<625x128xf32, #tpu.memory_space<hbm>>) target_semaphore(%run_scoped3A : memref<!tpu.dma_semaphore, #tpu.memory_space<semaphore_mem>>)
      %dma_wait3A = arith.constant 0 : i32
      %dma_wait3A_158 = tpu.memref_slice %arg8[%arg0, %mul3A_149, %dma_wait3A] : memref<2x10000x128xf32, #tpu.memory_space<hbm>> -> memref<1x625x128xf32, #tpu.memory_space<hbm>>
      %dma_wait3A_159 = tpu.memref_squeeze %dma_wait3A_158 : memref<1x625x128xf32, #tpu.memory_space<hbm>> -> memref<625x128xf32, #tpu.memory_space<hbm>>
      %dma_wait3A_160 = arith.constant 0 : i32
      %dma_wait3A_161 = tpu.memref_slice %arg10[%mul3A_147, %dma_wait3A_160] : memref<10000x128xf32, #tpu.memory_space<vmem_shared>> -> memref<625x128xf32, #tpu.memory_space<vmem_shared>>
      tpu.wait_dma2 semaphore(%run_scoped3A : memref<!tpu.dma_semaphore, #tpu.memory_space<semaphore_mem>>) src(%dma_wait3A_161 : memref<625x128xf32, #tpu.memory_space<vmem_shared>>) dst(%dma_wait3A_159 : memref<625x128xf32, #tpu.memory_space<hbm>>)
      tpu.yield
    }) : () -> ()
    %mul3A_150 = arith.constant 625 : i32
    %mul3A_151 = arith.muli %arg1, %mul3A_150 : i32
    %mul3A_152 = arith.constant 625 : i32
    %mul3A_153 = arith.muli %arg1, %mul3A_152 : i32
    "tpu.region"() ({
      %run_scoped3A = tpu.sem_alloc : memref<!tpu.dma_semaphore, #tpu.memory_space<semaphore_mem>>
      %dma_start3A = arith.constant 0 : i32
      %dma_start3A_154 = tpu.memref_slice %arg9[%arg0, %mul3A_153, %dma_start3A] : memref<2x10000x16xf32, #tpu.memory_space<hbm>> -> memref<1x625x16xf32, #tpu.memory_space<hbm>>
      %dma_start3A_155 = tpu.memref_squeeze %dma_start3A_154 : memref<1x625x16xf32, #tpu.memory_space<hbm>> -> memref<625x16xf32, #tpu.memory_space<hbm>>
      %dma_start3A_156 = arith.constant 0 : i32
      %dma_start3A_157 = tpu.memref_slice %arg11[%mul3A_151, %dma_start3A_156] : memref<10000x16xf32, #tpu.memory_space<vmem_shared>> -> memref<625x16xf32, #tpu.memory_space<vmem_shared>>
      tpu.enqueue_dma source(%dma_start3A_157 : memref<625x16xf32, #tpu.memory_space<vmem_shared>>) target(%dma_start3A_155 : memref<625x16xf32, #tpu.memory_space<hbm>>) target_semaphore(%run_scoped3A : memref<!tpu.dma_semaphore, #tpu.memory_space<semaphore_mem>>)
      %dma_wait3A = arith.constant 0 : i32
      %dma_wait3A_158 = tpu.memref_slice %arg9[%arg0, %mul3A_153, %dma_wait3A] : memref<2x10000x16xf32, #tpu.memory_space<hbm>> -> memref<1x625x16xf32, #tpu.memory_space<hbm>>
      %dma_wait3A_159 = tpu.memref_squeeze %dma_wait3A_158 : memref<1x625x16xf32, #tpu.memory_space<hbm>> -> memref<625x16xf32, #tpu.memory_space<hbm>>
      %dma_wait3A_160 = arith.constant 0 : i32
      %dma_wait3A_161 = tpu.memref_slice %arg11[%mul3A_151, %dma_wait3A_160] : memref<10000x16xf32, #tpu.memory_space<vmem_shared>> -> memref<625x16xf32, #tpu.memory_space<vmem_shared>>
      tpu.wait_dma2 semaphore(%run_scoped3A : memref<!tpu.dma_semaphore, #tpu.memory_space<semaphore_mem>>) src(%dma_wait3A_161 : memref<625x16xf32, #tpu.memory_space<vmem_shared>>) dst(%dma_wait3A_159 : memref<625x16xf32, #tpu.memory_space<hbm>>)
      tpu.yield
    }) : () -> ()
    return
  }
}

module attributes {stable_mosaic.version = 14 : i64} {
  func.func @_pq_body(%arg0: i32, %arg1: memref<1000x128xf32, #tpu.memory_space<vmem>>, %arg2: memref<128x128xf32, #tpu.memory_space<vmem>>, %arg3: memref<128x128xf32, #tpu.memory_space<vmem>>, %arg4: memref<1000x64xi32, #tpu.memory_space<vmem>>, %arg5: memref<1000x64xi32, #tpu.memory_space<vmem>>) attributes {dimension_semantics = [#tpu.dimension_semantics<arbitrary>], iteration_bounds = array<i64: 10>, scalar_prefetch = 0 : i64, scratch_operands = 0 : i64, tpu.core_type = #tpu.core_type<tc>, window_params = [{transform_indices = @transform_0, window_bounds = array<i64: 1000, 128>}, {pipeline_mode = #tpu.pipeline_mode<synchronous>, transform_indices = @transform_1, window_bounds = array<i64: 128, 128>}, {pipeline_mode = #tpu.pipeline_mode<synchronous>, transform_indices = @transform_2, window_bounds = array<i64: 128, 128>}, {transform_indices = @transform_3, window_bounds = array<i64: 1000, 64>}, {transform_indices = @transform_4, window_bounds = array<i64: 1000, 64>}]} {
    %get3A = arith.constant 0 : index
    %get3A_0 = arith.constant 0 : index
    %get3A_1 = vector.load %arg1[%get3A, %get3A_0] : memref<1000x128xf32, #tpu.memory_space<vmem>>, vector<1000x128xf32>
    %get3A_2 = arith.constant 0 : index
    %get3A_3 = arith.constant 0 : index
    %get3A_4 = vector.load %arg2[%get3A_2, %get3A_3] : memref<128x128xf32, #tpu.memory_space<vmem>>, vector<128x128xf32>
    %dot_general3A = arith.constant dense<0.000000e+00> : vector<1000x128xf32>
    %dot_general3A_5 = tpu.matmul %get3A_1, %get3A_4, %dot_general3A {dimension_numbers = #tpu.dot_dimension_numbers<[1], [0], [0], [1], [0, 0, 1, 1], [], []>, transpose_lhs_hint = false} : vector<1000x128xf32>, vector<128x128xf32>, vector<1000x128xf32> -> vector<1000x128xf32>
    %slice3A = vector.extract_strided_slice %dot_general3A_5 {offsets = [0, 64], sizes = [1000, 64], strides = [1, 1]} : vector<1000x128xf32> to vector<1000x64xf32>
    %convert_element_type3A = arith.truncf %slice3A : vector<1000x64xf32> to vector<1000x64xbf16>
    %bitcast_convert_type3A = tpu.bitcast %convert_element_type3A : vector<1000x64xbf16> -> vector<1000x64xi16>
    %convert_element_type3A_6 = arith.extui %bitcast_convert_type3A : vector<1000x64xi16> to vector<1000x64xi32>
    %shift_left3A = arith.constant 16 : i32
    %shift_left3A_7 = vector.broadcast %shift_left3A : i32 to vector<1000x64xi32>
    %shift_left3A_8 = arith.shli %convert_element_type3A_6, %shift_left3A_7 : vector<1000x64xi32>
    %slice3A_9 = vector.extract_strided_slice %dot_general3A_5 {offsets = [0, 0], sizes = [1000, 64], strides = [1, 1]} : vector<1000x128xf32> to vector<1000x64xf32>
    %convert_element_type3A_10 = arith.truncf %slice3A_9 : vector<1000x64xf32> to vector<1000x64xbf16>
    %bitcast_convert_type3A_11 = tpu.bitcast %convert_element_type3A_10 : vector<1000x64xbf16> -> vector<1000x64xi16>
    %convert_element_type3A_12 = arith.extui %bitcast_convert_type3A_11 : vector<1000x64xi16> to vector<1000x64xi32>
    %or3A = arith.ori %shift_left3A_8, %convert_element_type3A_12 : vector<1000x64xi32>
    %swap3A = arith.constant 0 : index
    %swap3A_13 = arith.constant 0 : index
    %swap3A_14 = vector.load %arg4[%swap3A, %swap3A_13] : memref<1000x64xi32, #tpu.memory_space<vmem>>, vector<1000x64xi32>
    tpu.vector_store %arg4[%swap3A, %swap3A_13], %or3A {strides = array<i32>} : memref<1000x64xi32, #tpu.memory_space<vmem>>, vector<1000x64xi32>,
    %get3A_15 = arith.constant 0 : index
    %get3A_16 = arith.constant 0 : index
    %get3A_17 = vector.load %arg3[%get3A_15, %get3A_16] : memref<128x128xf32, #tpu.memory_space<vmem>>, vector<128x128xf32>
    %dot_general3A_18 = arith.constant dense<0.000000e+00> : vector<1000x128xf32>
    %dot_general3A_19 = tpu.matmul %get3A_1, %get3A_17, %dot_general3A_18 {dimension_numbers = #tpu.dot_dimension_numbers<[1], [0], [0], [1], [0, 0, 1, 1], [], []>, transpose_lhs_hint = false} : vector<1000x128xf32>, vector<128x128xf32>, vector<1000x128xf32> -> vector<1000x128xf32>
    %slice3A_20 = vector.extract_strided_slice %dot_general3A_19 {offsets = [0, 64], sizes = [1000, 64], strides = [1, 1]} : vector<1000x128xf32> to vector<1000x64xf32>
    %convert_element_type3A_21 = arith.truncf %slice3A_20 : vector<1000x64xf32> to vector<1000x64xbf16>
    %bitcast_convert_type3A_22 = tpu.bitcast %convert_element_type3A_21 : vector<1000x64xbf16> -> vector<1000x64xi16>
    %convert_element_type3A_23 = arith.extui %bitcast_convert_type3A_22 : vector<1000x64xi16> to vector<1000x64xi32>
    %shift_left3A_24 = arith.constant 16 : i32
    %shift_left3A_25 = vector.broadcast %shift_left3A_24 : i32 to vector<1000x64xi32>
    %shift_left3A_26 = arith.shli %convert_element_type3A_23, %shift_left3A_25 : vector<1000x64xi32>
    %slice3A_27 = vector.extract_strided_slice %dot_general3A_19 {offsets = [0, 0], sizes = [1000, 64], strides = [1, 1]} : vector<1000x128xf32> to vector<1000x64xf32>
    %convert_element_type3A_28 = arith.truncf %slice3A_27 : vector<1000x64xf32> to vector<1000x64xbf16>
    %bitcast_convert_type3A_29 = tpu.bitcast %convert_element_type3A_28 : vector<1000x64xbf16> -> vector<1000x64xi16>
    %convert_element_type3A_30 = arith.extui %bitcast_convert_type3A_29 : vector<1000x64xi16> to vector<1000x64xi32>
    %or3A_31 = arith.ori %shift_left3A_26, %convert_element_type3A_30 : vector<1000x64xi32>
    %swap3A_32 = arith.constant 0 : index
    %swap3A_33 = arith.constant 0 : index
    %swap3A_34 = vector.load %arg5[%swap3A_32, %swap3A_33] : memref<1000x64xi32, #tpu.memory_space<vmem>>, vector<1000x64xi32>
    tpu.vector_store %arg5[%swap3A_32, %swap3A_33], %or3A_31 {strides = array<i32>} : memref<1000x64xi32, #tpu.memory_space<vmem>>, vector<1000x64xi32>,
    return
  }
  func.func @transform_0(%arg0: i32) -> (i32, i32) {
    %c0_i32 = arith.constant 0 : i32
    %c0_i32_0 = arith.constant 0 : i32
    return %arg0, %c0_i32 : i32, i32
  }
  func.func @transform_1(%arg0: i32) -> (i32, i32) {
    %c0_i32 = arith.constant 0 : i32
    %c0_i32_0 = arith.constant 0 : i32
    %c0_i32_1 = arith.constant 0 : i32
    return %c0_i32, %c0_i32_0 : i32, i32
  }
  func.func @transform_2(%arg0: i32) -> (i32, i32) {
    %c0_i32 = arith.constant 0 : i32
    %c0_i32_0 = arith.constant 0 : i32
    %c0_i32_1 = arith.constant 0 : i32
    return %c0_i32, %c0_i32_0 : i32, i32
  }
  func.func @transform_3(%arg0: i32) -> (i32, i32) {
    %c0_i32 = arith.constant 0 : i32
    %c0_i32_0 = arith.constant 0 : i32
    return %arg0, %c0_i32 : i32, i32
  }
  func.func @transform_4(%arg0: i32) -> (i32, i32) {
    %c0_i32 = arith.constant 0 : i32
    %c0_i32_0 = arith.constant 0 : i32
    return %arg0, %c0_i32 : i32, i32
  }
}

module attributes {stable_mosaic.version = 14 : i64} {
  func.func @_edge_body(%arg0: i32, %arg1: memref<8000x16xf32, #tpu.memory_space<vmem>>, %arg2: memref<16x128xbf16, #tpu.memory_space<vmem>>, %arg3: memref<1x128xf32, #tpu.memory_space<vmem>>, %arg4: memref<4000x128xi32, #tpu.memory_space<vmem>>) attributes {dimension_semantics = [#tpu.dimension_semantics<arbitrary>], iteration_bounds = array<i64: 40>, scalar_prefetch = 0 : i64, scratch_operands = 0 : i64, tpu.core_type = #tpu.core_type<tc>, window_params = [{transform_indices = @transform_0, window_bounds = array<i64: 8000, 16>}, {pipeline_mode = #tpu.pipeline_mode<synchronous>, transform_indices = @transform_1, window_bounds = array<i64: 16, 128>}, {pipeline_mode = #tpu.pipeline_mode<synchronous>, transform_indices = @transform_2, window_bounds = array<i64: 1, 128>}, {transform_indices = @transform_3, window_bounds = array<i64: 4000, 128>}]} {
    %get3A = arith.constant 0 : index
    %get3A_0 = arith.constant 0 : index
    %get3A_1 = vector.load %arg1[%get3A, %get3A_0] : memref<8000x16xf32, #tpu.memory_space<vmem>>, vector<8000x16xf32>
    %convert_element_type3A = arith.truncf %get3A_1 : vector<8000x16xf32> to vector<8000x16xbf16>
    %get3A_2 = arith.constant 0 : index
    %get3A_3 = arith.constant 0 : index
    %get3A_4 = vector.load %arg2[%get3A_2, %get3A_3] : memref<16x128xbf16, #tpu.memory_space<vmem>>, vector<16x128xbf16>
    %dot_general3A = arith.constant dense<0.000000e+00> : vector<8000x128xf32>
    %dot_general3A_5 = tpu.matmul %convert_element_type3A, %get3A_4, %dot_general3A {dimension_numbers = #tpu.dot_dimension_numbers<[1], [0], [0], [1], [0, 0, 1, 1], [], []>, transpose_lhs_hint = false} : vector<8000x16xbf16>, vector<16x128xbf16>, vector<8000x128xf32> -> vector<8000x128xf32>
    %get3A_6 = arith.constant 0 : index
    %get3A_7 = arith.constant 0 : index
    %get3A_8 = vector.load %arg3[%get3A_6, %get3A_7] : memref<1x128xf32, #tpu.memory_space<vmem>>, vector<1x128xf32>
    %add3A = vector.broadcast %get3A_8 : vector<1x128xf32> to vector<8000x128xf32>
    %add3A_9 = arith.addf %dot_general3A_5, %add3A : vector<8000x128xf32>
    %slice3A = vector.extract_strided_slice %add3A_9 {offsets = [4000, 0], sizes = [4000, 128], strides = [1, 1]} : vector<8000x128xf32> to vector<4000x128xf32>
    %convert_element_type3A_10 = arith.truncf %slice3A : vector<4000x128xf32> to vector<4000x128xbf16>
    %bitcast_convert_type3A = tpu.bitcast %convert_element_type3A_10 : vector<4000x128xbf16> -> vector<4000x128xi16>
    %convert_element_type3A_11 = arith.extui %bitcast_convert_type3A : vector<4000x128xi16> to vector<4000x128xi32>
    %shift_left3A = arith.constant 16 : i32
    %shift_left3A_12 = vector.broadcast %shift_left3A : i32 to vector<4000x128xi32>
    %shift_left3A_13 = arith.shli %convert_element_type3A_11, %shift_left3A_12 : vector<4000x128xi32>
    %slice3A_14 = vector.extract_strided_slice %add3A_9 {offsets = [0, 0], sizes = [4000, 128], strides = [1, 1]} : vector<8000x128xf32> to vector<4000x128xf32>
    %convert_element_type3A_15 = arith.truncf %slice3A_14 : vector<4000x128xf32> to vector<4000x128xbf16>
    %bitcast_convert_type3A_16 = tpu.bitcast %convert_element_type3A_15 : vector<4000x128xbf16> -> vector<4000x128xi16>
    %convert_element_type3A_17 = arith.extui %bitcast_convert_type3A_16 : vector<4000x128xi16> to vector<4000x128xi32>
    %or3A = arith.ori %shift_left3A_13, %convert_element_type3A_17 : vector<4000x128xi32>
    %swap3A = arith.constant 0 : index
    %swap3A_18 = arith.constant 0 : index
    %swap3A_19 = vector.load %arg4[%swap3A, %swap3A_18] : memref<4000x128xi32, #tpu.memory_space<vmem>>, vector<4000x128xi32>
    tpu.vector_store %arg4[%swap3A, %swap3A_18], %or3A {strides = array<i32>} : memref<4000x128xi32, #tpu.memory_space<vmem>>, vector<4000x128xi32>,
    return
  }
  func.func @transform_0(%arg0: i32) -> (i32, i32) {
    %c0_i32 = arith.constant 0 : i32
    %c0_i32_0 = arith.constant 0 : i32
    return %arg0, %c0_i32 : i32, i32
  }
  func.func @transform_1(%arg0: i32) -> (i32, i32) {
    %c0_i32 = arith.constant 0 : i32
    %c0_i32_0 = arith.constant 0 : i32
    %c0_i32_1 = arith.constant 0 : i32
    return %c0_i32, %c0_i32_0 : i32, i32
  }
  func.func @transform_2(%arg0: i32) -> (i32, i32) {
    %c0_i32 = arith.constant 0 : i32
    %c0_i32_0 = arith.constant 0 : i32
    %c0_i32_1 = arith.constant 0 : i32
    return %c0_i32, %c0_i32_0 : i32, i32
  }
  func.func @transform_3(%arg0: i32) -> (i32, i32) {
    %c0_i32 = arith.constant 0 : i32
    %c0_i32_0 = arith.constant 0 : i32
    return %arg0, %c0_i32 : i32, i32
  }
}

module attributes {stable_mosaic.version = 14 : i64} {
  func.func @_post_body(%arg0: i32, %arg1: memref<1000x128xf32, #tpu.memory_space<vmem>>, %arg2: memref<2x1000x128xf32, #tpu.memory_space<vmem>>, %arg3: memref<2x1000x16xf32, #tpu.memory_space<vmem>>, %arg4: memref<128x128xf32, #tpu.memory_space<vmem>>, %arg5: memref<1x128xf32, #tpu.memory_space<vmem>>, %arg6: memref<128x128xf32, #tpu.memory_space<vmem>>, %arg7: memref<128x128xf32, #tpu.memory_space<vmem>>, %arg8: memref<1x128xf32, #tpu.memory_space<vmem>>, %arg9: memref<128x128xf32, #tpu.memory_space<vmem>>, %arg10: memref<1x128xf32, #tpu.memory_space<vmem>>, %arg11: memref<1x128xf32, #tpu.memory_space<vmem>>, %arg12: memref<1x128xf32, #tpu.memory_space<vmem>>, %arg13: memref<1000x128xf32, #tpu.memory_space<vmem>>) attributes {dimension_semantics = [#tpu.dimension_semantics<arbitrary>], iteration_bounds = array<i64: 10>, scalar_prefetch = 0 : i64, scratch_operands = 0 : i64, tpu.core_type = #tpu.core_type<tc>, window_params = [{transform_indices = @transform_0, window_bounds = array<i64: 1000, 128>}, {transform_indices = @transform_1, window_bounds = array<i64: 2, 1000, 128>}, {transform_indices = @transform_2, window_bounds = array<i64: 2, 1000, 16>}, {pipeline_mode = #tpu.pipeline_mode<synchronous>, transform_indices = @transform_3, window_bounds = array<i64: 128, 128>}, {pipeline_mode = #tpu.pipeline_mode<synchronous>, transform_indices = @transform_4, window_bounds = array<i64: 1, 128>}, {pipeline_mode = #tpu.pipeline_mode<synchronous>, transform_indices = @transform_5, window_bounds = array<i64: 128, 128>}, {pipeline_mode = #tpu.pipeline_mode<synchronous>, transform_indices = @transform_6, window_bounds = array<i64: 128, 128>}, {pipeline_mode = #tpu.pipeline_mode<synchronous>, transform_indices = @transform_7, window_bounds = array<i64: 1, 128>}, {pipeline_mode = #tpu.pipeline_mode<synchronous>, transform_indices = @transform_8, window_bounds = array<i64: 128, 128>}, {pipeline_mode = #tpu.pipeline_mode<synchronous>, transform_indices = @transform_9, window_bounds = array<i64: 1, 128>}, {pipeline_mode = #tpu.pipeline_mode<synchronous>, transform_indices = @transform_10, window_bounds = array<i64: 1, 128>}, {pipeline_mode = #tpu.pipeline_mode<synchronous>, transform_indices = @transform_11, window_bounds = array<i64: 1, 128>}, {transform_indices = @transform_12, window_bounds = array<i64: 1000, 128>}]} {
    %get3A = arith.constant 0 : index
    %get3A_0 = arith.constant 0 : index
    %get3A_1 = vector.load %arg1[%get3A, %get3A_0] : memref<1000x128xf32, #tpu.memory_space<vmem>>, vector<1000x128xf32>
    %get3A_2 = arith.constant 0 : index
    %get3A_3 = arith.constant 0 : index
    %get3A_4 = arith.constant 0 : index
    %get3A_5 = vector.load %arg2[%get3A_2, %get3A_3, %get3A_4] : memref<2x1000x128xf32, #tpu.memory_space<vmem>>, vector<1x1000x128xf32>
    %get3A_6 = vector.shape_cast %get3A_5 : vector<1x1000x128xf32> to vector<1000x128xf32>
    %get3A_7 = arith.constant 1 : index
    %get3A_8 = arith.constant 0 : index
    %get3A_9 = arith.constant 0 : index
    %get3A_10 = vector.load %arg2[%get3A_7, %get3A_8, %get3A_9] : memref<2x1000x128xf32, #tpu.memory_space<vmem>>, vector<1x1000x128xf32>
    %get3A_11 = vector.shape_cast %get3A_10 : vector<1x1000x128xf32> to vector<1000x128xf32>
    %add3A = arith.addf %get3A_6, %get3A_11 : vector<1000x128xf32>
    %get3A_12 = arith.constant 0 : index
    %get3A_13 = arith.constant 0 : index
    %get3A_14 = arith.constant 0 : index
    %get3A_15 = vector.load %arg3[%get3A_12, %get3A_13, %get3A_14] : memref<2x1000x16xf32, #tpu.memory_space<vmem>>, vector<1x1000x16xf32>
    %get3A_16 = vector.shape_cast %get3A_15 : vector<1x1000x16xf32> to vector<1000x16xf32>
    %slice3A = vector.extract_strided_slice %get3A_16 {offsets = [0, 0], sizes = [1000, 1], strides = [1, 1]} : vector<1000x16xf32> to vector<1000x1xf32>
    %get3A_17 = arith.constant 1 : index
    %get3A_18 = arith.constant 0 : index
    %get3A_19 = arith.constant 0 : index
    %get3A_20 = vector.load %arg3[%get3A_17, %get3A_18, %get3A_19] : memref<2x1000x16xf32, #tpu.memory_space<vmem>>, vector<1x1000x16xf32>
    %get3A_21 = vector.shape_cast %get3A_20 : vector<1x1000x16xf32> to vector<1000x16xf32>
    %slice3A_22 = vector.extract_strided_slice %get3A_21 {offsets = [0, 0], sizes = [1000, 1], strides = [1, 1]} : vector<1000x16xf32> to vector<1000x1xf32>
    %add3A_23 = arith.addf %slice3A, %slice3A_22 : vector<1000x1xf32>
    %get3A_24 = arith.constant 0 : index
    %get3A_25 = arith.constant 0 : index
    %get3A_26 = vector.load %arg4[%get3A_24, %get3A_25] : memref<128x128xf32, #tpu.memory_space<vmem>>, vector<128x128xf32>
    %dot_general3A = arith.constant dense<0.000000e+00> : vector<1000x128xf32>
    %dot_general3A_27 = tpu.matmul %add3A, %get3A_26, %dot_general3A {dimension_numbers = #tpu.dot_dimension_numbers<[1], [0], [0], [1], [0, 0, 1, 1], [], []>, transpose_lhs_hint = false} : vector<1000x128xf32>, vector<128x128xf32>, vector<1000x128xf32> -> vector<1000x128xf32>
    %get3A_28 = arith.constant 0 : index
    %get3A_29 = arith.constant 0 : index
    %get3A_30 = vector.load %arg5[%get3A_28, %get3A_29] : memref<1x128xf32, #tpu.memory_space<vmem>>, vector<1x128xf32>
    %mul3A = vector.broadcast %add3A_23 : vector<1000x1xf32> to vector<1000x128xf32>
    %mul3A_31 = vector.broadcast %get3A_30 : vector<1x128xf32> to vector<1000x128xf32>
    %mul3A_32 = arith.mulf %mul3A, %mul3A_31 : vector<1000x128xf32>
    %add3A_33 = arith.addf %dot_general3A_27, %mul3A_32 : vector<1000x128xf32>
    %get3A_34 = arith.constant 0 : index
    %get3A_35 = arith.constant 0 : index
    %get3A_36 = vector.load %arg6[%get3A_34, %get3A_35] : memref<128x128xf32, #tpu.memory_space<vmem>>, vector<128x128xf32>
    %dot_general3A_37 = arith.constant dense<0.000000e+00> : vector<1000x128xf32>
    %dot_general3A_38 = tpu.matmul %get3A_1, %get3A_36, %dot_general3A_37 {dimension_numbers = #tpu.dot_dimension_numbers<[1], [0], [0], [1], [0, 0, 1, 1], [], []>, transpose_lhs_hint = false} : vector<1000x128xf32>, vector<128x128xf32>, vector<1000x128xf32> -> vector<1000x128xf32>
    %get3A_39 = arith.constant 0 : index
    %get3A_40 = arith.constant 0 : index
    %get3A_41 = vector.load %arg7[%get3A_39, %get3A_40] : memref<128x128xf32, #tpu.memory_space<vmem>>, vector<128x128xf32>
    %dot_general3A_42 = arith.constant dense<0.000000e+00> : vector<1000x128xf32>
    %dot_general3A_43 = tpu.matmul %add3A_33, %get3A_41, %dot_general3A_42 {dimension_numbers = #tpu.dot_dimension_numbers<[1], [0], [0], [1], [0, 0, 1, 1], [], []>, transpose_lhs_hint = false} : vector<1000x128xf32>, vector<128x128xf32>, vector<1000x128xf32> -> vector<1000x128xf32>
    %add3A_44 = arith.addf %dot_general3A_38, %dot_general3A_43 : vector<1000x128xf32>
    %get3A_45 = arith.constant 0 : index
    %get3A_46 = arith.constant 0 : index
    %get3A_47 = vector.load %arg8[%get3A_45, %get3A_46] : memref<1x128xf32, #tpu.memory_space<vmem>>, vector<1x128xf32>
    %add3A_48 = vector.broadcast %get3A_47 : vector<1x128xf32> to vector<1000x128xf32>
    %add3A_49 = arith.addf %add3A_44, %add3A_48 : vector<1000x128xf32>
    %max3A = arith.constant 0.000000e+00 : f32
    %max3A_50 = vector.broadcast %max3A : f32 to vector<1000x128xf32>
    %max3A_51 = arith.maximumf %add3A_49, %max3A_50 : vector<1000x128xf32>
    %get3A_52 = arith.constant 0 : index
    %get3A_53 = arith.constant 0 : index
    %get3A_54 = vector.load %arg9[%get3A_52, %get3A_53] : memref<128x128xf32, #tpu.memory_space<vmem>>, vector<128x128xf32>
    %dot_general3A_55 = arith.constant dense<0.000000e+00> : vector<1000x128xf32>
    %dot_general3A_56 = tpu.matmul %max3A_51, %get3A_54, %dot_general3A_55 {dimension_numbers = #tpu.dot_dimension_numbers<[1], [0], [0], [1], [0, 0, 1, 1], [], []>, transpose_lhs_hint = false} : vector<1000x128xf32>, vector<128x128xf32>, vector<1000x128xf32> -> vector<1000x128xf32>
    %get3A_57 = arith.constant 0 : index
    %get3A_58 = arith.constant 0 : index
    %get3A_59 = vector.load %arg10[%get3A_57, %get3A_58] : memref<1x128xf32, #tpu.memory_space<vmem>>, vector<1x128xf32>
    %add3A_60 = vector.broadcast %get3A_59 : vector<1x128xf32> to vector<1000x128xf32>
    %add3A_61 = arith.addf %dot_general3A_56, %add3A_60 : vector<1000x128xf32>
    %add3A_62 = arith.addf %get3A_1, %add3A_61 : vector<1000x128xf32>
    %reduce_sum3A = arith.constant dense<0.000000e+00> : vector<1000xf32>
    %reduce_sum3A_63 = vector.multi_reduction <add>, %add3A_62, %reduce_sum3A [1] : vector<1000x128xf32> to vector<1000xf32>
    %broadcast_in_dim3A = vector.shape_cast %reduce_sum3A_63 : vector<1000xf32> to vector<1000x1xf32>
    %div3A = arith.constant 1.280000e+02 : f32
    %div3A_64 = vector.broadcast %div3A : f32 to vector<1000x1xf32>
    %div3A_65 = arith.divf %broadcast_in_dim3A, %div3A_64 : vector<1000x1xf32>
    %sub3A = vector.broadcast %div3A_65 : vector<1000x1xf32> to vector<1000x128xf32>
    %sub3A_66 = arith.subf %add3A_62, %sub3A : vector<1000x128xf32>
    %integer_pow3A = arith.mulf %sub3A_66, %sub3A_66 : vector<1000x128xf32>
    %reduce_sum3A_67 = arith.constant dense<0.000000e+00> : vector<1000xf32>
    %reduce_sum3A_68 = vector.multi_reduction <add>, %integer_pow3A, %reduce_sum3A_67 [1] : vector<1000x128xf32> to vector<1000xf32>
    %broadcast_in_dim3A_69 = vector.shape_cast %reduce_sum3A_68 : vector<1000xf32> to vector<1000x1xf32>
    %div3A_70 = arith.constant 1.280000e+02 : f32
    %div3A_71 = vector.broadcast %div3A_70 : f32 to vector<1000x1xf32>
    %div3A_72 = arith.divf %broadcast_in_dim3A_69, %div3A_71 : vector<1000x1xf32>
    %sub3A_73 = vector.broadcast %div3A_65 : vector<1000x1xf32> to vector<1000x128xf32>
    %sub3A_74 = arith.subf %add3A_62, %sub3A_73 : vector<1000x128xf32>
    %add3A_75 = arith.constant 9.99999974E-6 : f32
    %add3A_76 = vector.broadcast %add3A_75 : f32 to vector<1000x1xf32>
    %add3A_77 = arith.addf %div3A_72, %add3A_76 : vector<1000x1xf32>
    %rsqrt3A = math.rsqrt %add3A_77 : vector<1000x1xf32>
    %mul3A_78 = vector.broadcast %rsqrt3A : vector<1000x1xf32> to vector<1000x128xf32>
    %mul3A_79 = arith.mulf %sub3A_74, %mul3A_78 : vector<1000x128xf32>
    %get3A_80 = arith.constant 0 : index
    %get3A_81 = arith.constant 0 : index
    %get3A_82 = vector.load %arg11[%get3A_80, %get3A_81] : memref<1x128xf32, #tpu.memory_space<vmem>>, vector<1x128xf32>
    %mul3A_83 = vector.broadcast %get3A_82 : vector<1x128xf32> to vector<1000x128xf32>
    %mul3A_84 = arith.mulf %mul3A_79, %mul3A_83 : vector<1000x128xf32>
    %get3A_85 = arith.constant 0 : index
    %get3A_86 = arith.constant 0 : index
    %get3A_87 = vector.load %arg12[%get3A_85, %get3A_86] : memref<1x128xf32, #tpu.memory_space<vmem>>, vector<1x128xf32>
    %add3A_88 = vector.broadcast %get3A_87 : vector<1x128xf32> to vector<1000x128xf32>
    %add3A_89 = arith.addf %mul3A_84, %add3A_88 : vector<1000x128xf32>
    %swap3A = arith.constant 0 : index
    %swap3A_90 = arith.constant 0 : index
    %swap3A_91 = vector.load %arg13[%swap3A, %swap3A_90] : memref<1000x128xf32, #tpu.memory_space<vmem>>, vector<1000x128xf32>
    tpu.vector_store %arg13[%swap3A, %swap3A_90], %add3A_89 {strides = array<i32>} : memref<1000x128xf32, #tpu.memory_space<vmem>>, vector<1000x128xf32>,
    return
  }
  func.func @transform_0(%arg0: i32) -> (i32, i32) {
    %c0_i32 = arith.constant 0 : i32
    %c0_i32_0 = arith.constant 0 : i32
    return %arg0, %c0_i32 : i32, i32
  }
  func.func @transform_1(%arg0: i32) -> (i32, i32, i32) {
    %c0_i32 = arith.constant 0 : i32
    %c0_i32_0 = arith.constant 0 : i32
    %c0_i32_1 = arith.constant 0 : i32
    return %c0_i32, %arg0, %c0_i32_0 : i32, i32, i32
  }
  func.func @transform_2(%arg0: i32) -> (i32, i32, i32) {
    %c0_i32 = arith.constant 0 : i32
    %c0_i32_0 = arith.constant 0 : i32
    %c0_i32_1 = arith.constant 0 : i32
    return %c0_i32, %arg0, %c0_i32_0 : i32, i32, i32
  }
  func.func @transform_3(%arg0: i32) -> (i32, i32) {
    %c0_i32 = arith.constant 0 : i32
    %c0_i32_0 = arith.constant 0 : i32
    %c0_i32_1 = arith.constant 0 : i32
    return %c0_i32, %c0_i32_0 : i32, i32
  }
  func.func @transform_4(%arg0: i32) -> (i32, i32) {
    %c0_i32 = arith.constant 0 : i32
    %c0_i32_0 = arith.constant 0 : i32
    %c0_i32_1 = arith.constant 0 : i32
    return %c0_i32, %c0_i32_0 : i32, i32
  }
  func.func @transform_5(%arg0: i32) -> (i32, i32) {
    %c0_i32 = arith.constant 0 : i32
    %c0_i32_0 = arith.constant 0 : i32
    %c0_i32_1 = arith.constant 0 : i32
    return %c0_i32, %c0_i32_0 : i32, i32
  }
  func.func @transform_6(%arg0: i32) -> (i32, i32) {
    %c0_i32 = arith.constant 0 : i32
    %c0_i32_0 = arith.constant 0 : i32
    %c0_i32_1 = arith.constant 0 : i32
    return %c0_i32, %c0_i32_0 : i32, i32
  }
  func.func @transform_7(%arg0: i32) -> (i32, i32) {
    %c0_i32 = arith.constant 0 : i32
    %c0_i32_0 = arith.constant 0 : i32
    %c0_i32_1 = arith.constant 0 : i32
    return %c0_i32, %c0_i32_0 : i32, i32
  }
  func.func @transform_8(%arg0: i32) -> (i32, i32) {
    %c0_i32 = arith.constant 0 : i32
    %c0_i32_0 = arith.constant 0 : i32
    %c0_i32_1 = arith.constant 0 : i32
    return %c0_i32, %c0_i32_0 : i32, i32
  }
  func.func @transform_9(%arg0: i32) -> (i32, i32) {
    %c0_i32 = arith.constant 0 : i32
    %c0_i32_0 = arith.constant 0 : i32
    %c0_i32_1 = arith.constant 0 : i32
    return %c0_i32, %c0_i32_0 : i32, i32
  }
  func.func @transform_10(%arg0: i32) -> (i32, i32) {
    %c0_i32 = arith.constant 0 : i32
    %c0_i32_0 = arith.constant 0 : i32
    %c0_i32_1 = arith.constant 0 : i32
    return %c0_i32, %c0_i32_0 : i32, i32
  }
  func.func @transform_11(%arg0: i32) -> (i32, i32) {
    %c0_i32 = arith.constant 0 : i32
    %c0_i32_0 = arith.constant 0 : i32
    %c0_i32_1 = arith.constant 0 : i32
    return %c0_i32, %c0_i32_0 : i32, i32
  }
  func.func @transform_12(%arg0: i32) -> (i32, i32) {
    %c0_i32 = arith.constant 0 : i32
    %c0_i32_0 = arith.constant 0 : i32
    return %arg0, %c0_i32 : i32, i32
  }
}

</mosaic_0001>

<sc_bundles>
// kernel: kernel.6.cloned.1.call-start
scs
__scs_entry_jumppad:
0x0: {  	(pc) =	sbr.rel $0x88, $3  }
0x1: {  	(tag) =	ssettag $0x0;
	lr =	simm.s32 $0x1  }
0x2: {  	[smem:$0x3F94] =	sst lr;
	_ =	strace $0xD0000000  }
0x3: {  	_ = 	snop  }
0x4: {  	_ = 	snop  }
0x5: {  	_ = 	snop  }
0x6: {  	_ = 	snop  }
0x7: {  	_ = 	snop  }
__scs_overlays_trampoline_lowered:
0x8: {  	[smem:$0x3FA3] =	sst s0  }
0x9: {  	[smem:$0x3FA4] =	sst s1  }
0xa: {  	[smem:$0x3FA5] =	sst s2  }
0xb: {  	[smem:$0x3FA6] =	sst s3  }
0xc: {  	[smem:$0x3FA7] =	sst s4  }
0xd: {  	[smem:$0x3FA8] =	sst s5  }
0xe: {  	[smem:$0x3FA9] =	sst s6  }
0xf: {  	[smem:$0x3FAA] =	sst s7  }
0x10: {  	[smem:$0x3FAB] =	sst s8  }
0x11: {  	[smem:$0x3FAC] =	sst s9;
	s0 =	simm.s32 @!p0 $0x0  }
0x12: {  	s1 =	sld [smem:$0x3F92];
	s0 =	simm.s32 @p0 $0x1  }
0x13: {  	[smem:$0x3FAD] =	sst s0;
	s0 =	simm.s32 @!p1 $0x0  }
0x14: {  	s2 =	sld [smem:$0x3F91];
	s0 =	simm.s32 @p1 $0x1  }
0x15: {  	[smem:$0x3FAE] =	sst s0;
	s0 =	simm.s32 @!p2 $0x0  }
0x16: {  	s3 =	sld [smem:$0x3FDB];
	s0 =	simm.s32 @p2 $0x1  }
0x17: {  	s4 =	simm.s32 $0x1BF5;
	[smem:$0x3FB0] =	sst s0  }
0x18: {  	s0 =	sld [smem:$0x3F93];
	_ =	swait.ge [sflag:s4], $0x0  }
0x19: {  	s7 =	sld [smem:$0x3F94]  }
0x1a: {  	s8 =	sadd.s32 $0xFFFFE003, lr  }
0x1b: {  	s9 =	sadd.s32 $0xFFFFFEF7, lr;
	s5 =	simm.s32 $0xFFFFFFFF;
	p2 =	slt.u32 s8, $0xFFFFF086  }
0x1c: {  	p1 =	slt.u32 s9, $0xF7A;
	s5 =	simm.s32 @!p2 $0x0  }
0x1d: {  	s5 =	simm.s32 @p1 $0x1;
	p0 =	seq.s32 s7, s2  }
0x1e: {  	s7 =	smul.u32 @!p0 $0xF7A, s2;
	p2 =	seq.s32 @!p0 s5, $0x0  }
0x1f: {  	s9 =	smul.u32 $0xF7A, s1;
	s8 =	simm.s32 @!p0 $0x1BF5;
	p2 =	por !p2, p0  }
0x20: {  	[sflag:s8] =	ssyncset.s32 @!p0 $0xFFFFF086;
	s6 =	sadd.s32 @!p0 s3, s7;
	s7 =	simm.s32 @!p0 $0x108  }
0x21: {  	s3 =	sadd.s32 s3, s9;
	s6 =	sadd.s32 @!p0 $0x88, s6;
	s7 =	simm.s32 @p2 $0x1082  }
0x22: {  	[simem:s7], [sflag:s8] =	dma.local @!p0 [hbm:s6], $0xF7A  }
0x23: {  	s9 =	sor.u32 $0xD0000000, s2;
	s6 =	simm.s32 $0x108;
	_ =	swait.ge @!p0 [sflag:s8], $0x0  }
0x24: {  	s3 =	sadd.s32 $0x88, s3;
	s6 =	simm.s32 @!p1 $0x1082;
	[sflag:s4] =	ssyncset.s32 $0xFFFFF086  }
0x25: {  	[simem:s6], [sflag:s4] =	dma.local [hbm:s3], $0xF7A  }
0x26: {  	[smem:$0x3F94] =	sst s1;
	(tag) =	ssettag s2;
	_ =	strace s9  }
0x27: {  	s1 =	sld [smem:$0x3FA4]  }
0x28: {  	s2 =	sld [smem:$0x3FA5]  }
0x29: {  	s4 =	sld [smem:$0x3FA7]  }
0x2a: {  	p0 =	seq.s32 s5, $0x0;
	s5 =	sld [smem:$0x3FA8]  }
0x2b: {  	s6 =	sld [smem:$0x3FA9]  }
0x2c: {  	s7 =	sld [smem:$0x3FAA]  }
0x2d: {  	s3 =	simm.s32 $0x108;
	s8 =	sld [smem:$0x3FAB]  }
0x2e: {  	s3 =	simm.s32 @!p0 $0x1082;
	s9 =	sld [smem:$0x3FAC]  }
0x2f: {  	lr =	sadd.s32 s0, s3;
	s0 =	sld [smem:$0x3FA3]  }
0x30: {  	s3 =	sld [smem:$0x3FA6]  }
0x31: {  	[smem:$0x3FAF] =	sst s10  }
0x32: {  	s10 =	sld [smem:$0x3FAD];
	_ =	sdelay $0x3  }
0x33: {  	p0 =	seq.s32 s10, $0x1;
	s10 =	sld [smem:$0x3FAF];
	_ =	sdelay $0x3  }
0x34: {  	[smem:$0x3FAF] =	sst s10  }
0x35: {  	s10 =	sld [smem:$0x3FAE];
	_ =	sdelay $0x3  }
0x36: {  	p1 =	seq.s32 s10, $0x1;
	s10 =	sld [smem:$0x3FAF];
	_ =	sdelay $0x3  }
0x37: {  	[smem:$0x3FAF] =	sst s10  }
0x38: {  	s10 =	sld [smem:$0x3FB0]  }
0x39: {  	_ = 	snop;
	(pc) =	sbr.ind lr, $3  }
0x3a: {  	_ = 	snop  }
0x3b: {  	_ = 	snop  }
0x3c: {  	p2 =	seq.s32 s10, $0x1;
	s10 =	sld [smem:$0x3FAF]  }
0x3d: {  	_ =	shalt  }
0x3e: {  	_ =	shalt  }
0x3f: {  	_ =	shalt  }
0x40: {  	_ =	shalt  }
0x41: {  	_ =	shalt  }
0x42: {  	_ =	shalt  }
0x43: {  	_ =	shalt  }
0x44: {  	_ =	shalt  }
0x45: {  	_ =	shalt  }
0x46: {  	_ =	shalt  }
0x47: {  	_ =	shalt  }
0x48: {  	_ =	shalt  }
0x49: {  	_ =	shalt  }
0x4a: {  	_ =	shalt  }
0x4b: {  	_ =	shalt  }
0x4c: {  	_ =	shalt  }
0x4d: {  	_ =	shalt  }
0x4e: {  	_ =	shalt  }
0x4f: {  	_ =	shalt  }
0x50: {  	_ =	shalt  }
0x51: {  	_ =	shalt  }
0x52: {  	_ =	shalt  }
0x53: {  	_ =	shalt  }
0x54: {  	_ =	shalt  }
0x55: {  	_ =	shalt  }
0x56: {  	_ =	shalt  }
0x57: {  	_ =	shalt  }
0x58: {  	_ =	shalt  }
0x59: {  	_ =	shalt  }
0x5a: {  	_ =	shalt  }
0x5b: {  	_ =	shalt  }
0x5c: {  	_ =	shalt  }
0x5d: {  	_ =	shalt  }
0x5e: {  	_ =	shalt  }
0x5f: {  	_ =	shalt  }
0x60: {  	_ =	shalt  }
0x61: {  	_ =	shalt  }
0x62: {  	_ =	shalt  }
0x63: {  	_ =	shalt  }
0x64: {  	_ =	shalt  }
0x65: {  	_ =	shalt  }
0x66: {  	_ =	shalt  }
0x67: {  	_ =	shalt  }
0x68: {  	_ =	shalt  }
0x69: {  	_ =	shalt  }
0x6a: {  	_ =	shalt  }
0x6b: {  	_ =	shalt  }
0x6c: {  	_ =	shalt  }
0x6d: {  	_ =	shalt  }
0x6e: {  	_ =	shalt  }
0x6f: {  	_ =	shalt  }
0x70: {  	_ =	shalt  }
0x71: {  	_ =	shalt  }
0x72: {  	_ =	shalt  }
0x73: {  	_ =	shalt  }
0x74: {  	_ =	shalt  }
0x75: {  	_ =	shalt  }
0x76: {  	_ =	shalt  }
0x77: {  	_ =	shalt  }
0x78: {  	_ =	shalt  }
0x79: {  	_ =	shalt  }
0x7a: {  	_ =	shalt  }
0x7b: {  	_ =	shalt  }
0x7c: {  	_ =	shalt  }
0x7d: {  	_ =	shalt  }
0x7e: {  	_ =	shalt  }
0x7f: {  	_ =	shalt  }
0x80: {  	_ =	shalt  }
0x81: {  	_ =	shalt  }
0x82: {  	_ =	shalt  }
0x83: {  	_ =	shalt  }
0x84: {  	_ =	shalt  }
0x85: {  	_ =	shalt  }
0x86: {  	_ =	shalt  }
0x87: {  	_ =	shalt  }
.Lfunc_end0:
.L_simem_size_0:
called_computation_lowered:
.L_overlay_start_0:
0x88: {  	s2 =	sld [smem:$0x3FD9]  }
0x89: {  	s3 =	sld [smem:$0x3FFE];
	_ =	sdelay $0x1  }
0x8a: {  	s1 =	srdreg.scid  }
0x8b: {  	s0 =	sand.u32 $0x1, s1  }
0x8c: {  	s17 =	sshll.u32 s0, $0xA;
	s2 =	sadd.s32 s3, s2  }
0x8d: {  	s2 =	sadd.s32 s2, s17  }
0x8e: {  	[smem:$0x3FBB] =	sst s2  }
0x8f: {  	_ = 	snop  }
0x90: {  	s2 =	sld [smem:$0x3FD0];
	(tm) =	ssettm $0x1  }
0x91: {  	s18 =	sld [smem:$0x3FFB];
	_ =	sdelay $0x3  }
0x92: {  	_ =	strace s18  }
0x93: {  	s3 =	sld [smem:$0x3FFC];
	_ =	sdelay $0x3  }
0x94: {  	_ =	strace s3  }
0x95: {  	s3 =	sld [smem:$0x3FFD];
	_ =	sdelay $0x3  }
0x96: {  	_ =	strace s3  }
0x97: {  	_ =	strace $0x8FFFFFFF  }
0x98: {  	s19 =	sld [smem:$0x3FDB];
	_ =	sdelay $0x1  }
0x99: {  	s4 =	simm.s32 $_scs_section_size  }
0x9a: {  	s5 =	simm.s32 $_size__tile_overlayer_lowered;
	s6 =	simm.s32 $_tile_overlayer_lowered  }
0x9b: {  	s22 =	simm.s32 $0x1BFF;
	s21 =	sshll.u32 s6, $0x1;
	s3 =	sadd.s32 s4, s19  }
0x9c: {  	s7 =	simm.s32 $0x0;
	s20 =	sshll.u32 s5, $0x1;
	s5 =	sadd.s32 s21, s3  }
0x9d: {  	[timem:s7], [sflag:s22] =	dma.local [hbm:s5], s20  }
0x9e: {  	_ =	swait.ge [sflag:s22], s20  }
0x9f: {  	s4 =	ssub.s32 $0x0, s20;
	[sflag:s22] =	ssyncset.done $0x0  }
0xa0: {  	[sflag:s22] =	ssyncadd.s32 s4;
	_ =	sdelay $0x1  }
0xa1: {  	s23 =	simm.s32 $0x1B8B  }
0xa2: {  	_ =	swait.ge [sflag:s23], $0x1  }
0xa3: {  	[sflag:s23] =	ssyncset.done $0x0  }
0xa4: {  	s25 =	simm.s32 $0x1B8E;
	s24 =	sld [smem:$0x3FFE];
	[sflag:s23] =	ssyncadd.s32 $0xFFFFFFFF  }
0xa5: {  	s26 =	simm.s32 $execute0_lowered;
	[smem:$0x3FD2] =	sst s25  }
0xa6: {  	s5 =	sshll.u32 s26, $0x1;
	_ =	strace $0x80000046;
	[dreg:$0x1] =	wrdreg $0xFFFFFFFF  }
0xa7: {  	s28 =	simm.s32 $_size_execute0_lowered;
	s3 =	sadd.s32 s3, s5;
	[dreg:$0x0] =	wrdreg $0x0  }
0xa8: {  	s5 =	sshll.u32 s28, $0x1;
	[dreg:$0x2] =	wrdreg s3  }
0xa9: {  	[dreg:$0x3] =	wrdreg s5  }
0xaa: {  	[dreg:$0x4] =	wrdreg $0xC0  }
0xab: {  	_ =	task [dreg:s7], $0x5FFFF  }
0xac: {  	[dreg:$0x1] =	wrdreg $0xFFFFFFFF  }
0xad: {  	[dreg:$0x0] =	wrdreg $0x60  }
0xae: {  	[dreg:$0x2] =	wrdreg s2  }
0xaf: {  	[dreg:$0x3] =	wrdreg s24  }
0xb0: {  	[dreg:$0x4] =	wrdreg $0x0  }
0xb1: {  	[dreg:$0x5] =	wrdreg $0x138800  }
0xb2: {  	[dreg:$0x6] =	wrdreg $0x9  }
0xb3: {  	_ =	task.clear_ibuf [dreg:s7], $0x7FFFF;
	_ =	strace $0x90000046  }
0xb4: {  	s29 =	simm.s32 $0x9;
	_ =	strace $0x80000048  }
0xb5: {  	_ =	swait.ge [sflag:s29], $0x1  }
0xb6: {  	[sflag:s29] =	ssyncadd.s32 $0xFFFFFFFF  }
0xb7: {  	_ =	strace $0x90000048  }
0xb8: {  	_ =	sfence  }
0xb9: {  	s30 =	sld [smem:$0x0];
	_ =	sdelay $0x2  }
0xba: {  	s31 =	sshll.u32 s1, $0xD;
	s1 =	sshrl.u32 s1, $0x2  }
0xbb: {  	s3 =	sand.u32 $0x4000, s31;
	s1 =	sadd.s32 s1, s30  }
0xbc: {  	s0 =	sor.u32 s3, s0;
	s1 =	sshll.u32 s1, $0x11  }
0xbd: {  	s0 =	sor.u32 s1, s0  }
0xbe: {  	s0 =	sadd.s32 $0x8F2B, s0  }
0xbf: {  	[sflag:s0] =	ssyncadd.remote.s32 $0x1  }
0xc0: {  	_ =	sfence.sel $0xFFFF  }
0xc1: {  	[dreg:$0x0] =	wrdreg $0xFFFFFFFF;
	(pc) =	sbr.abs _section_cstart, $3  }
0xc2: {  	[dreg:$0x1] =	wrdreg $0xFFFFFFFF  }
0xc3: {  	_ =	task.clear_ibuf [dreg:s7], $0x2FFFF;
	_ =	strace $0x9FFFFFFF  }
0xc4: {  	(tm) =	ssettm $0x7FFFFFFF  }
0xc5: {  	_ =	shalt  }
tec
execute0_lowered:
.L_overlay_start_1:
0x0: {  	(tag) =	ssettag $0x1  }
0x1: {  	s1 =	rddreg [dreg:$0x0]  }
0x2: {  	s0 =	rddreg [dreg:$0x1];
	s13 =	stileid.u32  }
0x3: {  	s2 =	srdreg.scid;
	s10 =	smul.u32 $0x13880, s13  }
0x4: {  	s3 =	rddreg [dreg:$0x2];
	s11 =	smul.u32 $0x2710, s13  }
0x5: {  	s4 =	rddreg [dreg:$0x3];
	s8 =	sand.u32 $0x1, s2;
	s9 =	smul.u32 $0x271, s13  }
0x6: {  	s5 =	simm.s32 $0x0;
	s30 =	simm.s32 $0x28;
	s2 =	smul.u32 $0x138800, s8  }
0x7: {  	s31 =	simm.s32 $0x1BF30;
	[smem:$0x7FF] =	sst s5;
	s6 =	smul.u32 $0x27100, s8  }
0x8: {  	_ =	strace $0x80000047;
	s7 =	ssub.s32 $0x2, s8;
	s8 =	sshll.u32 s8, $0x4  }
0x9: {  	s12 =	sshrl.u32 s7, $0x1;
	s8 =	sor.u32 s13, s8;
	s14 =	sadd.s32 s10, s3  }
0xa: {  	s15 =	sadd.s32 $0x28, s9;
	s17 =	sadd.s32 s11, s4;
	s18 =	sadd.s32 $0x50, s9  }
0xb: {  	s20 =	sadd.s32 $0x78, s9;
	s23 =	sadd.s32 $0xA0, s9;
	s26 =	sadd.s32 $0xC8, s9  }
0xc: {  	s29 =	sadd.s32 $0xF0, s9;
	s13 =	sadd.s32 $0x118, s9;
	s2 =	sadd.s32 s10, s2  }
0xd: {  	s6 =	sadd.s32 s11, s6;
	s7 =	ssub.s32 s7, s12;
	s16 =	sshll.u32 s15, $0x7  }
0xe: {  	s10 =	sshll.u32 s15, $0x4;
	s19 =	sshll.u32 s18, $0x7;
	s21 =	sshll.u32 s20, $0x7  }
0xf: {  	s22 =	sshll.u32 s20, $0x4;
	s24 =	sshll.u32 s23, $0x7;
	s28 =	sshll.u32 s26, $0x7  }
0x10: {  	s12 =	sshll.u32 s29, $0x4;
	s15 =	sshll.u32 s13, $0x7;
	[dreg:$0x5] =	wrdreg s14  }
0x11: {  	s20 =	sadd.s32 $0x168, s9;
	[dreg:$0x6] =	wrdreg s17;
	s2 =	sshrl.u32 s2, $0x3  }
0x12: {  	s6 =	sshrl.u32 s6, $0x3;
	s11 =	sadd.s32 s16, s3;
	s10 =	sadd.s32 s10, s4  }
0x13: {  	s2 =	sadd.s32 s2, s0;
	s6 =	sadd.s32 s6, s0;
	[dreg:$0x7] =	wrdreg s11  }
0x14: {  	[dreg:$0x8] =	wrdreg s10;
	s10 =	sshll.u32 s18, $0x4;
	s11 =	sadd.s32 s19, s3  }
0x15: {  	s18 =	sadd.s32 $0x140, s9;
	[dreg:$0x9] =	wrdreg s11;
	s10 =	sadd.s32 s10, s4  }
0x16: {  	s11 =	sshll.u32 s23, $0x4;
	[dreg:$0xa] =	wrdreg s10;
	s10 =	sadd.s32 s21, s3  }
0x17: {  	s19 =	sshll.u32 s18, $0x7;
	s25 =	sadd.s32 s11, s4;
	[dreg:$0xb] =	wrdreg s10  }
0x18: {  	s23 =	sadd.s32 $0x190, s9;
	s11 =	sadd.s32 s28, s3;
	[dreg:$0xe] =	wrdreg s25  }
0x19: {  	s21 =	sshll.u32 s20, $0x7;
	s10 =	sadd.s32 s22, s4;
	[dreg:$0xf] =	wrdreg s11  }
0x1a: {  	s11 =	sshll.u32 s29, $0x7;
	[dreg:$0xc] =	wrdreg s10;
	s10 =	sadd.s32 s24, s3  }
0x1b: {  	s22 =	sshll.u32 s20, $0x4;
	[dreg:$0xd] =	wrdreg s10;
	s10 =	sshll.u32 s26, $0x4  }
0x1c: {  	s29 =	sadd.s32 $0x1E0, s9;
	s24 =	sshll.u32 s23, $0x7;
	s10 =	sadd.s32 s10, s4  }
0x1d: {  	s26 =	sadd.s32 $0x1B8, s9;
	[dreg:$0x10] =	wrdreg s10;
	s10 =	sadd.s32 s11, s3  }
0x1e: {  	s11 =	sshll.u32 s13, $0x4;
	[dreg:$0x11] =	wrdreg s10;
	s10 =	sadd.s32 s12, s4  }
0x1f: {  	s28 =	sshll.u32 s26, $0x7;
	s16 =	sadd.s32 s11, s4;
	[dreg:$0x12] =	wrdreg s10  }
0x20: {  	s13 =	sshll.u32 s29, $0x4;
	s11 =	sadd.s32 s19, s3;
	[dreg:$0x14] =	wrdreg s16  }
0x21: {  	s19 =	sadd.s32 $0x230, s9;
	s10 =	sadd.s32 s15, s3;
	[dreg:$0x15] =	wrdreg s11  }
0x22: {  	s11 =	sshll.u32 s23, $0x4;
	s23 =	sadd.s32 $0x4F8000, s0;
	[dreg:$0x13] =	wrdreg s10  }
0x23: {  	s12 =	simm.s32 $0x0;
	s25 =	sadd.s32 s11, s4;
	[smem:$0x7F7] =	sst s23  }
0x24: {  	s15 =	sadd.s32 $0x208, s9;
	s11 =	sadd.s32 s28, s3;
	[dreg:$0x1a] =	wrdreg s25  }
0x25: {  	s10 =	sshll.u32 s18, $0x4;
	s28 =	sadd.s32 $0x16200, s6;
	[dreg:$0x1b] =	wrdreg s11  }
0x26: {  	s20 =	sshll.u32 s19, $0x7;
	s10 =	sadd.s32 s10, s4;
	[smem:$0x7FC] =	sst s28  }
0x27: {  	s9 =	sadd.s32 $0x258, s9;
	s25 =	sadd.s32 $0x16000, s0;
	[dreg:$0x16] =	wrdreg s10  }
0x28: {  	s11 =	sshll.u32 s29, $0x7;
	s29 =	smax.u32 s7, $0x1;
	[smem:$0x7F9] =	sst s25  }
0x29: {  	s10 =	sadd.s32 s21, s3;
	s21 =	sshll.u32 s9, $0x7;
	[smem:$0x7FD] =	sst s29  }
0x2a: {  	s9 =	sshll.u32 s9, $0x4;
	[dreg:$0x17] =	wrdreg s10;
	s10 =	sadd.s32 s22, s4  }
0x2b: {  	s16 =	sshll.u32 s15, $0x7;
	s9 =	sadd.s32 s9, s4;
	[dreg:$0x18] =	wrdreg s10  }
0x2c: {  	s22 =	smul.u32 $0x1388, s8;
	s10 =	sadd.s32 s24, s3;
	[smem:$0x7F5] =	sst s9  }
0x2d: {  	s23 =	simm.s32 $0x1D330;
	s8 =	smul.u32 $0xFA, s8;
	[dreg:$0x19] =	wrdreg s10  }
0x2e: {  	s6 =	simm.s32 $0x4;
	s7 =	simm.s32 $0x5;
	[smem:$0x7F4] =	sst s22  }
0x2f: {  	s25 =	simm.s32 $0x1AB30;
	s24 =	sadd.s32 $0x501E00, s0;
	[smem:$0x7F6] =	sst s8  }
0x30: {  	s9 =	simm.s32 $0x18D30;
	s10 =	sshll.u32 s26, $0x4;
	[smem:$0x7F8] =	sst s24  }
0x31: {  	s26 =	sadd.s32 $0x20000, s2;
	s24 =	simm.s32 $0xB;
	s22 =	simm.s32 $0x3  }
0x32: {  	s2 =	simm.s32 $0x0;
	s10 =	sadd.s32 s10, s4;
	[smem:$0x7FB] =	sst s26  }
0x33: {  	s26 =	simm.s32 $0x6;
	[dreg:$0x1c] =	wrdreg s10;
	s10 =	sadd.s32 s11, s3  }
0x34: {  	s11 =	sshll.u32 s15, $0x4;
	[dreg:$0x1d] =	wrdreg s10;
	s10 =	sadd.s32 s13, s4  }
0x35: {  	s15 =	sadd.s32 $0x50BC00, s0;
	s18 =	sadd.s32 s11, s4;
	[dreg:$0x1e] =	wrdreg s10  }
0x36: {  	s11 =	sadd.s32 s20, s3;
	s10 =	sadd.s32 s16, s3;
	[smem:$0x7F0] =	sst s18  }
.Ltmp0:
0x37: {  	[smem:$0x7F1] =	sst s11;
	s16 =	sadd.s32 $0x2600, s0;
	(pc) =	sbr.rel .LBB2_1-.Ltmp0, $4  }
0x38: {  	s0 =	sadd.s32 $0x50BD40, s0;
	[dreg:$0x1f] =	wrdreg s10;
	s10 =	sshll.u32 s19, $0x4  }
0x39: {  	s13 =	simm.s32 $0x1A130;
	[smem:$0x7FA] =	sst s0;
	s10 =	sadd.s32 s10, s4  }
0x3a: {  	s11 =	simm.s32 $0x19730;
	[smem:$0x7F2] =	sst s10;
	s10 =	sadd.s32 s21, s3  }
0x3b: {  	v0 =	vimm.f32 $0.0e+00;
	v1 =	vimm.f32 $1.000000000e+00;
	s19 =	simm.s32 $0x1;
	s21 =	simm.s32 $0x2;
	[smem:$0x7F3] =	sst s10  }
.LBB2_12:
0x3c: {  	[bflag:$0x0] =	sbarrier.arrive $0xFFFF  }
0x3d: {  	s0 =	stileid.u32;
	s8 =	sld [smem:$0x7FB]  }
0x3e: {  	s0 =	sshll.u32 s0, $0x6;
	s14 =	rddreg [dreg:$0x5]  }
0x3f: {  	s0 =	sor.u32 $0x1C0B, s0;
	s2 =	sshrl.u32 s14, $0x3  }
0x40: {  	[hbm:s8], [sflag:s0] =	dma.local [spmem:s2], $0x2710  }
0x41: {  	_ =	swait.ge [sflag:s24], $0x2710  }
0x42: {  	s20 =	sld [smem:$0x7FC]  }
0x43: {  	[sflag:s24] =	ssyncset.done $0x0;
	s17 =	rddreg [dreg:$0x6]  }
0x44: {  	[sflag:s24] =	ssyncadd.s32 $0xFFFFD8F0;
	s18 =	sshrl.u32 s17, $0x3  }
0x45: {  	[hbm:s20], [sflag:s0] =	dma.local [spmem:s18], $0x4E2  }
0x46: {  	_ =	swait.ge [sflag:s24], $0x4E2  }
0x47: {  	s28 =	sld [smem:$0x7EF]  }
0x48: {  	s29 =	sld [smem:$0x7FD];
	_ =	sdelay $0x1  }
0x49: {  	s2 =	sadd.s32 $0x1, s28  }
0x4a: {  	p0 =	sne.s32 s2, s29  }
.Ltmp1:
0x4b: {  	_ = 	snop;
	(pc) =	sbr.rel @!p0 .LBB2_13-.Ltmp1, $3  }
0x4c: {  	_ =	sdelay $0x1  }
0x4d: {  	[sflag:s24] =	ssyncset.done $0x0  }
0x4e: {  	[sflag:s24] =	ssyncadd.s32 $0xFFFFFB1E  }
.LBB2_1:
0x4f: {  	s0 =	sld [smem:$0x7F9];
	_ =	sdelay $0x1  }
0x50: {  	[smem:$0x7EF] =	sst s2;
	s29 =	simm.s32 $0x1D830  }
0x51: {  	[tilespmem:s29], [sflag:$0xB] =	stream.linear.gather [hbm4b:s0+s5], $0x1, $0x38;
	[tilespmem:$0x1D840] =	vst v63  }
0x52: {  	_ =	swait.ge [sflag:s24], $0x1  }
0x53: {  	[sflag:s24] =	ssyncset.done $0x0  }
0x54: {  	s0 =	simm.s32 $0x1AB70;
	[sflag:s24] =	ssyncadd.s32 $0xFFFFFFFF  }
0x55: {  	v2 =	vld [tilespmem:$0x1D830];
	[tilespmem:s0+$0x20] =	vst v0  }
0x56: {  	[tilespmem:s0+$0x10] =	vst v0  }
0x57: {  	[tilespmem:s0+$0x0] =	vst v0  }
0x58: {  	[tilespmem:s0+$0xFFFFFFF0] =	vst v0  }
0x59: {  	[tilespmem:s0+$0xFFFFFFE0] =	vst v0  }
0x5a: {  	[tilespmem:s0+$0xFFFFFFD0] =	vst v0  }
0x5b: {  	[tilespmem:s0+$0xFFFFFFC0] =	vst v0  }
0x5c: {  	s8 =	simm.s32 $0x0;
	s2 =	simm.s32 $0x40;
	[tilespmem:s0+$0x30] =	vst v0  }
.LBB2_2:
0x5d: {  	p0 =	sne.s32 s2, $0x9C0;
	[tilespmem:s8+$0x1D330] =	vst v1  }
0x5e: {  	s0 =	sadd.s32 $0x80, s0;
	[tilespmem:s8+$0x1D5B0] =	vst v0  }
0x5f: {  	[tilespmem:s0+$0x20] =	vst v0  }
0x60: {  	[tilespmem:s0+$0x10] =	vst v0  }
0x61: {  	[tilespmem:s0+$0x0] =	vst v0  }
.Ltmp2:
0x62: {  	[tilespmem:s0+$0xFFFFFFF0] =	vst v0;
	(pc) =	sbr.rel @p0 .LBB2_2-.Ltmp2, $4  }
0x63: {  	[tilespmem:s0+$0xFFFFFFE0] =	vst v0  }
0x64: {  	[tilespmem:s0+$0xFFFFFFD0] =	vst v0  }
0x65: {  	[tilespmem:s0+$0xFFFFFFC0] =	vst v0  }
0x66: {  	s8 =	sshra.s32 s2, $0x2;
	s2 =	sadd.s32 $0x40, s2;
	[tilespmem:s0+$0x30] =	vst v0  }
0x67: {  	[tilespmem:s8+$0x1D330] =	vst v1  }
0x68: {  	[tilespmem:s8+$0x1D5B0] =	vst v0  }
0x69: {  	[spmem:s14] =	stream.linear.scatter [tilespmem:s25], [sflag:$0xB], $0x1400, $0x38;
	[tilespmem:$0x1D840] =	vst v63  }
0x6a: {  	_ =	swait.ge [sflag:s24], $0x1400  }
0x6b: {  	[sflag:s24] =	ssyncset.done $0x0  }
0x6c: {  	s2 =	simm.s32 $0x1D5B0;
	[sflag:s24] =	ssyncadd.s32 $0xFFFFEC00  }
0x6d: {  	[spmem:s17] =	stream.linear.scatter [tilespmem:s2], [sflag:$0xB], $0x280, $0x38;
	[tilespmem:$0x1D840] =	vst v63  }
0x6e: {  	_ =	swait.ge [sflag:s24], $0x280  }
0x6f: {  	[sflag:s24] =	ssyncset.done $0x0  }
0x70: {  	s0 =	rddreg [dreg:$0x7];
	[sflag:s24] =	ssyncadd.s32 $0xFFFFFD80  }
0x71: {  	[spmem:s0] =	stream.linear.scatter [tilespmem:s25], [sflag:$0xB], $0x1400, $0x38;
	[tilespmem:$0x1D840] =	vst v63  }
0x72: {  	_ =	swait.ge [sflag:s24], $0x1400  }
0x73: {  	[sflag:s24] =	ssyncset.done $0x0  }
0x74: {  	s17 =	rddreg [dreg:$0x8];
	[sflag:s24] =	ssyncadd.s32 $0xFFFFEC00  }
0x75: {  	[spmem:s17] =	stream.linear.scatter [tilespmem:s2], [sflag:$0xB], $0x280, $0x38;
	[tilespmem:$0x1D840] =	vst v63  }
0x76: {  	_ =	swait.ge [sflag:s24], $0x280  }
0x77: {  	[sflag:s24] =	ssyncset.done $0x0  }
0x78: {  	s18 =	rddreg [dreg:$0x9];
	[sflag:s24] =	ssyncadd.s32 $0xFFFFFD80  }
0x79: {  	[spmem:s18] =	stream.linear.scatter [tilespmem:s25], [sflag:$0xB], $0x1400, $0x38;
	[tilespmem:$0x1D840] =	vst v63  }
0x7a: {  	_ =	swait.ge [sflag:s24], $0x1400  }
0x7b: {  	[sflag:s24] =	ssyncset.done $0x0  }
0x7c: {  	s20 =	rddreg [dreg:$0xa];
	[sflag:s24] =	ssyncadd.s32 $0xFFFFEC00  }
0x7d: {  	[spmem:s20] =	stream.linear.scatter [tilespmem:s2], [sflag:$0xB], $0x280, $0x38;
	[tilespmem:$0x1D840] =	vst v63  }
0x7e: {  	_ =	swait.ge [sflag:s24], $0x280  }
0x7f: {  	[sflag:s24] =	ssyncset.done $0x0  }
0x80: {  	s28 =	rddreg [dreg:$0xb];
	[sflag:s24] =	ssyncadd.s32 $0xFFFFFD80  }
0x81: {  	[spmem:s28] =	stream.linear.scatter [tilespmem:s25], [sflag:$0xB], $0x1400, $0x38;
	[tilespmem:$0x1D840] =	vst v63  }
0x82: {  	_ =	swait.ge [sflag:s24], $0x1400  }
0x83: {  	[sflag:s24] =	ssyncset.done $0x0  }
0x84: {  	s29 =	rddreg [dreg:$0xc];
	[sflag:s24] =	ssyncadd.s32 $0xFFFFEC00  }
0x85: {  	[spmem:s29] =	stream.linear.scatter [tilespmem:s2], [sflag:$0xB], $0x280, $0x38;
	[tilespmem:$0x1D840] =	vst v63  }
0x86: {  	_ =	swait.ge [sflag:s24], $0x280  }
0x87: {  	[sflag:s24] =	ssyncset.done $0x0  }
0x88: {  	s8 =	rddreg [dreg:$0xd];
	[sflag:s24] =	ssyncadd.s32 $0xFFFFFD80  }
0x89: {  	[spmem:s8] =	stream.linear.scatter [tilespmem:s25], [sflag:$0xB], $0x1400, $0x38;
	[tilespmem:$0x1D840] =	vst v63  }
0x8a: {  	_ =	swait.ge [sflag:s24], $0x1400  }
0x8b: {  	[sflag:s24] =	ssyncset.done $0x0  }
0x8c: {  	s10 =	rddreg [dreg:$0xe];
	[sflag:s24] =	ssyncadd.s32 $0xFFFFEC00  }
0x8d: {  	[spmem:s10] =	stream.linear.scatter [tilespmem:s2], [sflag:$0xB], $0x280, $0x38;
	[tilespmem:$0x1D840] =	vst v63  }
0x8e: {  	_ =	swait.ge [sflag:s24], $0x280  }
0x8f: {  	[sflag:s24] =	ssyncset.done $0x0  }
0x90: {  	s14 =	rddreg [dreg:$0xf];
	[sflag:s24] =	ssyncadd.s32 $0xFFFFFD80  }
0x91: {  	[spmem:s14] =	stream.linear.scatter [tilespmem:s25], [sflag:$0xB], $0x1400, $0x38;
	[tilespmem:$0x1D840] =	vst v63  }
0x92: {  	_ =	swait.ge [sflag:s24], $0x1400  }
0x93: {  	[sflag:s24] =	ssyncset.done $0x0  }
0x94: {  	s17 =	rddreg [dreg:$0x10];
	[sflag:s24] =	ssyncadd.s32 $0xFFFFEC00  }
0x95: {  	[spmem:s17] =	stream.linear.scatter [tilespmem:s2], [sflag:$0xB], $0x280, $0x38;
	[tilespmem:$0x1D840] =	vst v63  }
0x96: {  	_ =	swait.ge [sflag:s24], $0x280  }
0x97: {  	[sflag:s24] =	ssyncset.done $0x0  }
0x98: {  	s18 =	rddreg [dreg:$0x11];
	[sflag:s24] =	ssyncadd.s32 $0xFFFFFD80  }
0x99: {  	[spmem:s18] =	stream.linear.scatter [tilespmem:s25], [sflag:$0xB], $0x1400, $0x38;
	[tilespmem:$0x1D840] =	vst v63  }
0x9a: {  	_ =	swait.ge [sflag:s24], $0x1400  }
0x9b: {  	[sflag:s24] =	ssyncset.done $0x0  }
0x9c: {  	s20 =	rddreg [dreg:$0x12];
	[sflag:s24] =	ssyncadd.s32 $0xFFFFEC00  }
0x9d: {  	[spmem:s20] =	stream.linear.scatter [tilespmem:s2], [sflag:$0xB], $0x280, $0x38;
	[tilespmem:$0x1D840] =	vst v63  }
0x9e: {  	_ =	swait.ge [sflag:s24], $0x280  }
0x9f: {  	[sflag:s24] =	ssyncset.done $0x0  }
0xa0: {  	s28 =	rddreg [dreg:$0x13];
	[sflag:s24] =	ssyncadd.s32 $0xFFFFFD80  }
0xa1: {  	[spmem:s28] =	stream.linear.scatter [tilespmem:s25], [sflag:$0xB], $0x1400, $0x38;
	[tilespmem:$0x1D840] =	vst v63  }
0xa2: {  	_ =	swait.ge [sflag:s24], $0x1400  }
0xa3: {  	[sflag:s24] =	ssyncset.done $0x0  }
0xa4: {  	s29 =	rddreg [dreg:$0x14];
	[sflag:s24] =	ssyncadd.s32 $0xFFFFEC00  }
0xa5: {  	[spmem:s29] =	stream.linear.scatter [tilespmem:s2], [sflag:$0xB], $0x280, $0x38;
	[tilespmem:$0x1D840] =	vst v63  }
0xa6: {  	_ =	swait.ge [sflag:s24], $0x280  }
0xa7: {  	[sflag:s24] =	ssyncset.done $0x0  }
0xa8: {  	s8 =	rddreg [dreg:$0x15];
	[sflag:s24] =	ssyncadd.s32 $0xFFFFFD80  }
0xa9: {  	[spmem:s8] =	stream.linear.scatter [tilespmem:s25], [sflag:$0xB], $0x1400, $0x38;
	[tilespmem:$0x1D840] =	vst v63  }
0xaa: {  	_ =	swait.ge [sflag:s24], $0x1400  }
0xab: {  	[sflag:s24] =	ssyncset.done $0x0  }
0xac: {  	s10 =	rddreg [dreg:$0x16];
	[sflag:s24] =	ssyncadd.s32 $0xFFFFEC00  }
0xad: {  	[spmem:s10] =	stream.linear.scatter [tilespmem:s2], [sflag:$0xB], $0x280, $0x38;
	[tilespmem:$0x1D840] =	vst v63  }
0xae: {  	_ =	swait.ge [sflag:s24], $0x280  }
0xaf: {  	[sflag:s24] =	ssyncset.done $0x0  }
0xb0: {  	s14 =	rddreg [dreg:$0x17];
	[sflag:s24] =	ssyncadd.s32 $0xFFFFFD80  }
0xb1: {  	[spmem:s14] =	stream.linear.scatter [tilespmem:s25], [sflag:$0xB], $0x1400, $0x38;
	[tilespmem:$0x1D840] =	vst v63  }
0xb2: {  	_ =	swait.ge [sflag:s24], $0x1400  }
0xb3: {  	[sflag:s24] =	ssyncset.done $0x0  }
0xb4: {  	s17 =	rddreg [dreg:$0x18];
	[sflag:s24] =	ssyncadd.s32 $0xFFFFEC00  }
0xb5: {  	[spmem:s17] =	stream.linear.scatter [tilespmem:s2], [sflag:$0xB], $0x280, $0x38;
	[tilespmem:$0x1D840] =	vst v63  }
0xb6: {  	_ =	swait.ge [sflag:s24], $0x280  }
0xb7: {  	[sflag:s24] =	ssyncset.done $0x0  }
0xb8: {  	s18 =	rddreg [dreg:$0x19];
	[sflag:s24] =	ssyncadd.s32 $0xFFFFFD80  }
0xb9: {  	[spmem:s18] =	stream.linear.scatter [tilespmem:s25], [sflag:$0xB], $0x1400, $0x38;
	[tilespmem:$0x1D840] =	vst v63  }
0xba: {  	_ =	swait.ge [sflag:s24], $0x1400  }
0xbb: {  	[sflag:s24] =	ssyncset.done $0x0  }
0xbc: {  	s20 =	rddreg [dreg:$0x1a];
	[sflag:s24] =	ssyncadd.s32 $0xFFFFEC00  }
0xbd: {  	[spmem:s20] =	stream.linear.scatter [tilespmem:s2], [sflag:$0xB], $0x280, $0x38;
	[tilespmem:$0x1D840] =	vst v63  }
0xbe: {  	_ =	swait.ge [sflag:s24], $0x280  }
0xbf: {  	[sflag:s24] =	ssyncset.done $0x0  }
0xc0: {  	s28 =	rddreg [dreg:$0x1b];
	[sflag:s24] =	ssyncadd.s32 $0xFFFFFD80  }
0xc1: {  	[spmem:s28] =	stream.linear.scatter [tilespmem:s25], [sflag:$0xB], $0x1400, $0x38;
	[tilespmem:$0x1D840] =	vst v63  }
0xc2: {  	_ =	swait.ge [sflag:s24], $0x1400  }
0xc3: {  	[sflag:s24] =	ssyncset.done $0x0  }
0xc4: {  	s29 =	rddreg [dreg:$0x1c];
	[sflag:s24] =	ssyncadd.s32 $0xFFFFEC00  }
0xc5: {  	[spmem:s29] =	stream.linear.scatter [tilespmem:s2], [sflag:$0xB], $0x280, $0x38;
	[tilespmem:$0x1D840] =	vst v63  }
0xc6: {  	_ =	swait.ge [sflag:s24], $0x280  }
0xc7: {  	[sflag:s24] =	ssyncset.done $0x0  }
0xc8: {  	s8 =	rddreg [dreg:$0x1d];
	[sflag:s24] =	ssyncadd.s32 $0xFFFFFD80  }
0xc9: {  	[spmem:s8] =	stream.linear.scatter [tilespmem:s25], [sflag:$0xB], $0x1400, $0x38;
	[tilespmem:$0x1D840] =	vst v63  }
0xca: {  	_ =	swait.ge [sflag:s24], $0x1400  }
0xcb: {  	[sflag:s24] =	ssyncset.done $0x0  }
0xcc: {  	s10 =	rddreg [dreg:$0x1e];
	[sflag:s24] =	ssyncadd.s32 $0xFFFFEC00  }
0xcd: {  	[spmem:s10] =	stream.linear.scatter [tilespmem:s2], [sflag:$0xB], $0x280, $0x38;
	[tilespmem:$0x1D840] =	vst v63  }
0xce: {  	_ =	swait.ge [sflag:s24], $0x280  }
0xcf: {  	[sflag:s24] =	ssyncset.done $0x0  }
0xd0: {  	s14 =	rddreg [dreg:$0x1f];
	[sflag:s24] =	ssyncadd.s32 $0xFFFFFD80  }
0xd1: {  	[spmem:s14] =	stream.linear.scatter [tilespmem:s25], [sflag:$0xB], $0x1400, $0x38;
	[tilespmem:$0x1D840] =	vst v63  }
0xd2: {  	_ =	swait.ge [sflag:s24], $0x1400  }
0xd3: {  	s17 =	sld [smem:$0x7F0]  }
0xd4: {  	[sflag:s24] =	ssyncset.done $0x0  }
0xd5: {  	[sflag:s24] =	ssyncadd.s32 $0xFFFFEC00  }
0xd6: {  	[spmem:s17] =	stream.linear.scatter [tilespmem:s2], [sflag:$0xB], $0x280, $0x38;
	[tilespmem:$0x1D840] =	vst v63  }
0xd7: {  	_ =	swait.ge [sflag:s24], $0x280  }
0xd8: {  	s18 =	sld [smem:$0x7F1]  }
0xd9: {  	[sflag:s24] =	ssyncset.done $0x0  }
0xda: {  	[sflag:s24] =	ssyncadd.s32 $0xFFFFFD80  }
0xdb: {  	[spmem:s18] =	stream.linear.scatter [tilespmem:s25], [sflag:$0xB], $0x1400, $0x38;
	[tilespmem:$0x1D840] =	vst v63  }
0xdc: {  	_ =	swait.ge [sflag:s24], $0x1400  }
0xdd: {  	s20 =	sld [smem:$0x7F2]  }
0xde: {  	[sflag:s24] =	ssyncset.done $0x0  }
0xdf: {  	[sflag:s24] =	ssyncadd.s32 $0xFFFFEC00  }
0xe0: {  	[spmem:s20] =	stream.linear.scatter [tilespmem:s2], [sflag:$0xB], $0x280, $0x38;
	[tilespmem:$0x1D840] =	vst v63  }
0xe1: {  	_ =	swait.ge [sflag:s24], $0x280  }
0xe2: {  	s28 =	sld [smem:$0x7F3]  }
0xe3: {  	[sflag:s24] =	ssyncset.done $0x0  }
0xe4: {  	[sflag:s24] =	ssyncadd.s32 $0xFFFFFD80  }
0xe5: {  	[spmem:s28] =	stream.linear.scatter [tilespmem:s25], [sflag:$0xB], $0xC80, $0x38;
	[tilespmem:$0x1D840] =	vst v63  }
0xe6: {  	_ =	swait.ge [sflag:s24], $0xC80  }
0xe7: {  	s29 =	sld [smem:$0x7F5]  }
0xe8: {  	[sflag:s24] =	ssyncset.done $0x0  }
0xe9: {  	[sflag:s24] =	ssyncadd.s32 $0xFFFFF380  }
0xea: {  	[spmem:s29] =	stream.linear.scatter [tilespmem:s2], [sflag:$0xB], $0x190, $0x38;
	[tilespmem:$0x1D840] =	vst v63  }
.Ltmp3:
0xeb: {  	_ =	swait.ge [sflag:s24], $0x190;
	(pc) =	sbr.rel .LBB2_4-.Ltmp3, $4  }
0xec: {  	[sflag:s24] =	ssyncset.done $0x0  }
0xed: {  	[sflag:s24] =	ssyncadd.s32 $0xFFFFFE70  }
0xee: {  	[bflag:$0x0] =	sbarrier.arrive $0xFFFF  }
0xef: {  	v2 =	vbroadcast v2, $0x0;
	s14 =	simm.s32 $0x0  }
.LBB2_11:
0xf0: {  	s0 =	simm.s32 $0x7  }
0xf1: {  	_ =	swait.ge [sflag:s0], $0x1400  }
0xf2: {  	[sflag:s0] =	ssyncset.done $0x0  }
0xf3: {  	s20 =	simm.s32 $0x8;
	[sflag:s0] =	ssyncadd.s32 $0xFFFFEC00  }
0xf4: {  	_ =	swait.ge [sflag:s20], $0x280  }
0xf5: {  	[sflag:s20] =	ssyncset.done $0x0  }
0xf6: {  	s28 =	simm.s32 $0x9;
	s14 =	sadd.s32 $0x1, s14;
	[sflag:s20] =	ssyncadd.s32 $0xFFFFFD80  }
0xf7: {  	p0 =	sne.s32 s14, $0x5;
	_ =	swait.ge [sflag:s28], $0x1400  }
.Ltmp4:
0xf8: {  	[sflag:s28] =	ssyncset.done $0x0;
	(pc) =	sbr.rel @!p0 .LBB2_12-.Ltmp4, $4  }
0xf9: {  	s29 =	simm.s32 $0xA;
	[sflag:s28] =	ssyncadd.s32 $0xFFFFEC00  }
0xfa: {  	_ =	swait.ge [sflag:s29], $0x280  }
0xfb: {  	[sflag:s29] =	ssyncset.done $0x0  }
0xfc: {  	[sflag:s29] =	ssyncadd.s32 $0xFFFFFD80  }
.LBB2_4:
0xfd: {  	s2 =	sld [smem:$0x7F6]  }
0xfe: {  	s0 =	smul.u32 $0x32, s14;
	_ =	sdelay $0x1  }
0xff: {  	s17 =	sld [smem:$0x7F7];
	s0 =	sadd.s32 s2, s0  }
0x100: {  	s0 =	smul.u32 $0x5, s0;
	_ =	sdelay $0x1  }
0x101: {  	s8 =	simm.s32 $0x15F90;
	s2 =	sadd.s32 s17, s0  }
0x102: {  	[tilespmem:s8], [sflag:$0xB] =	stream.linear.gather [hbm4b:s2+s12], $0x7D0, $0x38;
	[tilespmem:$0x1D840] =	vst v63  }
0x103: {  	_ =	swait.ge [sflag:s24], $0x7D0  }
0x104: {  	s18 =	sld [smem:$0x7F8];
	_ =	sdelay $0x1  }
0x105: {  	[sflag:s24] =	ssyncset.done $0x0  }
0x106: {  	s10 =	simm.s32 $0x16760;
	[sflag:s24] =	ssyncadd.s32 $0xFFFFF830;
	s0 =	sadd.s32 s18, s0  }
0x107: {  	[tilespmem:s10], [sflag:$0xB] =	stream.linear.gather [hbm4b:s0+s12], $0x7D0, $0x38;
	[tilespmem:$0x1D840] =	vst v63  }
0x108: {  	_ =	swait.ge [sflag:s24], $0x7D0  }
0x109: {  	[sflag:s24] =	ssyncset.done $0x0;
	s29 =	sld [smem:$0x7F4]  }
0x10a: {  	s20 =	smul.u32 $0x3E8, s14;
	s28 =	simm.s32 $0x16F30;
	[sflag:s24] =	ssyncadd.s32 $0xFFFFF830  }
0x10b: {  	[tilespmem:s28], [sflag:$0x1] =	stream.indirect.gather [hbm4b:s1+s30], $0x40, s8, s30, $0xb8;
	[tilespmem:$0x1D840] =	vst v63  }
0x10c: {  	s8 =	simm.s32 $0x17930;
	s17 =	sadd.s32 s29, s20  }
0x10d: {  	[tilespmem:s8], [sflag:$0x2] =	stream.indirect.gather [hbm4b:s16+s30], $0x40, s10, s30, $0xb8;
	[tilespmem:$0x1D840] =	vst v63  }
0x10e: {  	s0 =	sshll.u32 s17, $0x4  }
0x10f: {  	s18 =	simm.s32 $0x18330;
	s10 =	sadd.s32 s15, s0  }
0x110: {  	[tilespmem:s18], [sflag:$0x3] =	stream.linear.gather [hbm4b:s10+s12], $0xA00, $0x38;
	[tilespmem:$0x1D840] =	vst v63  }
0x111: {  	s20 =	simm.s32 $0x15FB8;
	s29 =	sld [smem:$0x7FA]  }
0x112: {  	[tilespmem:s9], [sflag:$0x4] =	stream.indirect.gather [hbm4b:s1+s30], $0x40, s20, s30, $0xb8;
	[tilespmem:$0x1D840] =	vst v63  }
0x113: {  	s28 =	simm.s32 $0x16788  }
0x114: {  	[tilespmem:s11], [sflag:$0x5] =	stream.indirect.gather [hbm4b:s16+s30], $0x40, s28, s30, $0xb8;
	[tilespmem:$0x1D840] =	vst v63  }
0x115: {  	s0 =	sadd.s32 s0, s29;
	s18 =	simm.s32 $0x0  }
0x116: {  	[tilespmem:s13], [sflag:$0x6] =	stream.linear.gather [hbm4b:s0+s12], $0xA00, $0x38;
	[tilespmem:$0x1D840] =	vst v63  }
.LBB2_5:
0x117: {  	_ =	swait.ge [sflag:s19], $0xA00  }
0x118: {  	[sflag:s19] =	ssyncset.done $0x0  }
0x119: {  	[sflag:s19] =	ssyncadd.s32 $0xFFFFF600  }
0x11a: {  	_ =	swait.ge [sflag:s21], $0xA00  }
0x11b: {  	[sflag:s21] =	ssyncset.done $0x0  }
0x11c: {  	[sflag:s21] =	ssyncadd.s32 $0xFFFFF600  }
0x11d: {  	_ =	swait.ge [sflag:s22], $0xA00  }
0x11e: {  	p0 =	seq.s32 s18, $0x0;
	[sflag:s22] =	ssyncset.done $0x0  }
0x11f: {  	s0 =	simm.s32 @!p0 $0x7;
	[sflag:s22] =	ssyncadd.s32 $0xFFFFF600  }
0x120: {  	_ =	swait.ge @!p0 [sflag:s0], $0x1400  }
0x121: {  	[sflag:s0] =	ssyncset.done @!p0 $0x0  }
0x122: {  	[sflag:s0] =	ssyncadd.s32 @!p0 $0xFFFFEC00;
	s0 =	simm.s32 @!p0 $0x8  }
0x123: {  	_ =	swait.ge @!p0 [sflag:s0], $0x280  }
0x124: {  	s20 =	sshll.u32 s18, $0x1;
	s28 =	simm.s32 $0x0;
	[sflag:s0] =	ssyncset.done @!p0 $0x0  }
0x125: {  	s29 =	simm.s32 $0x17E60;
	s2 =	simm.s32 $0x17460;
	[sflag:s0] =	ssyncadd.s32 @!p0 $0xFFFFFD80  }
.LBB2_6:
0x126: {  	v3 =	vld [tilespmem:s2+$0xFFFFFAD0]  }
0x127: {  	v4 =	vld [tilespmem:s2+$0xFFFFFFD0]  }
0x128: {  	v5 =	vld [tilespmem:s29+$0xFFFFFAD0]  }
0x129: {  	v6 =	vld [tilespmem:s29+$0xFFFFFFD0];
	s0 =	sshra.s32 s28, $0x2  }
0x12a: {  	v7 =	vld [tilespmem:s0+$0x18330]  }
0x12b: {  	v8 =	vld [tilespmem:s0+$0x18370]  }
0x12c: {  	v9 =	vshll.u32 v3, $0x10;
	v3 =	vand.u32 v2, v3  }
0x12d: {  	v10 =	vshll.u32 v4, $0x10;
	v4 =	vand.u32 v2, v4;
	v11 =	vshll.u32 v5, $0x10  }
0x12e: {  	v5 =	vand.u32 v2, v5;
	v12 =	vshll.u32 v6, $0x10;
	v9 =	vadd.f32 v11, v9  }
0x12f: {  	v6 =	vand.u32 v2, v6;
	v24 =	vshll.u32 v7, $0x10;
	v3 =	vadd.f32 v5, v3  }
0x130: {  	v25 =	vshll.u32 v8, $0x10;
	v10 =	vadd.f32 v12, v10;
	v9 =	vadd.f32 v24, v9  }
0x131: {  	v7 =	vand.u32 v2, v7;
	v4 =	vadd.f32 v6, v4;
	v3 =	vadd.f32 v25, v3  }
0x132: {  	v26 =	vand.u32 v2, v8;
	v7 =	vadd.f32 v7, v10;
	v27 =	vmax.f32 v9, $0.0e+00  }
0x133: {  	v4 =	vadd.f32 v26, v4;
	v3 =	vmax.f32 v3, $0.0e+00;
	[tilespmem:s0+$0x1AB30] =	vst v27  }
0x134: {  	[tilespmem:s0+$0x1AB70] =	vst v3;
	v3 =	vmax.f32 v7, $0.0e+00  }
0x135: {  	v30 =	vld [tilespmem:s0+$0x18340];
	[tilespmem:s0+$0x1B530] =	vst v3;
	v3 =	vmax.f32 v4, $0.0e+00  }
0x136: {  	v31 =	vld [tilespmem:s0+$0x18380];
	[tilespmem:s0+$0x1B570] =	vst v3  }
0x137: {  	v3 =	vld [tilespmem:s2+$0xFFFFFAE0]  }
0x138: {  	v29 =	vld [tilespmem:s29+$0xFFFFFAE0]  }
0x139: {  	v28 =	vld [tilespmem:s2+$0xFFFFFFE0]  }
0x13a: {  	v6 =	vld [tilespmem:s29+$0xFFFFFFE0];
	_ =	sdelay $0x1  }
0x13b: {  	v36 =	vshll.u32 v30, $0x10;
	v37 =	vshll.u32 v31, $0x10  }
0x13c: {  	v32 =	vshll.u32 v3, $0x10;
	v3 =	vand.u32 v2, v3;
	v34 =	vshll.u32 v29, $0x10  }
0x13d: {  	v33 =	vshll.u32 v28, $0x10;
	v5 =	vand.u32 v2, v29;
	v9 =	vadd.f32 v34, v32  }
0x13e: {  	v4 =	vand.u32 v2, v28;
	v35 =	vshll.u32 v6, $0x10;
	v3 =	vadd.f32 v5, v3  }
0x13f: {  	v6 =	vand.u32 v2, v6;
	v10 =	vadd.f32 v35, v33;
	v9 =	vadd.f32 v36, v9  }
0x140: {  	v7 =	vand.u32 v2, v30;
	v4 =	vadd.f32 v6, v4;
	v3 =	vadd.f32 v37, v3  }
0x141: {  	v38 =	vand.u32 v2, v31;
	v7 =	vadd.f32 v7, v10;
	v39 =	vmax.f32 v9, $0.0e+00  }
0x142: {  	v4 =	vadd.f32 v38, v4;
	v3 =	vmax.f32 v3, $0.0e+00;
	[tilespmem:s0+$0x1AB40] =	vst v39  }
0x143: {  	[tilespmem:s0+$0x1AB80] =	vst v3;
	v3 =	vmax.f32 v7, $0.0e+00  }
0x144: {  	v42 =	vld [tilespmem:s0+$0x18350];
	[tilespmem:s0+$0x1B540] =	vst v3;
	v3 =	vmax.f32 v4, $0.0e+00  }
0x145: {  	v43 =	vld [tilespmem:s0+$0x18390];
	[tilespmem:s0+$0x1B580] =	vst v3  }
0x146: {  	v3 =	vld [tilespmem:s2+$0xFFFFFAF0]  }
0x147: {  	v41 =	vld [tilespmem:s29+$0xFFFFFAF0]  }
0x148: {  	v40 =	vld [tilespmem:s2+$0xFFFFFFF0]  }
0x149: {  	v6 =	vld [tilespmem:s29+$0xFFFFFFF0];
	_ =	sdelay $0x1  }
0x14a: {  	v48 =	vshll.u32 v42, $0x10;
	v49 =	vshll.u32 v43, $0x10  }
0x14b: {  	v44 =	vshll.u32 v3, $0x10;
	v3 =	vand.u32 v2, v3;
	v46 =	vshll.u32 v41, $0x10  }
0x14c: {  	v45 =	vshll.u32 v40, $0x10;
	v5 =	vand.u32 v2, v41;
	v9 =	vadd.f32 v46, v44  }
0x14d: {  	v4 =	vand.u32 v2, v40;
	v47 =	vshll.u32 v6, $0x10;
	v3 =	vadd.f32 v5, v3  }
0x14e: {  	v6 =	vand.u32 v2, v6;
	v10 =	vadd.f32 v47, v45;
	v9 =	vadd.f32 v48, v9  }
0x14f: {  	v7 =	vand.u32 v2, v42;
	v4 =	vadd.f32 v6, v4;
	v3 =	vadd.f32 v49, v3  }
0x150: {  	v50 =	vand.u32 v2, v43;
	v7 =	vadd.f32 v7, v10;
	v51 =	vmax.f32 v9, $0.0e+00  }
0x151: {  	v4 =	vadd.f32 v50, v4;
	v3 =	vmax.f32 v3, $0.0e+00;
	[tilespmem:s0+$0x1AB50] =	vst v51  }
0x152: {  	[tilespmem:s0+$0x1AB90] =	vst v3;
	v3 =	vmax.f32 v7, $0.0e+00  }
0x153: {  	v54 =	vld [tilespmem:s0+$0x18360];
	[tilespmem:s0+$0x1B550] =	vst v3;
	v3 =	vmax.f32 v4, $0.0e+00  }
0x154: {  	v55 =	vld [tilespmem:s0+$0x183A0];
	[tilespmem:s0+$0x1B590] =	vst v3  }
0x155: {  	v3 =	vld [tilespmem:s2+$0xFFFFFB00]  }
0x156: {  	v53 =	vld [tilespmem:s29+$0xFFFFFB00]  }
0x157: {  	v52 =	vld [tilespmem:s2+$0x0]  }
0x158: {  	v6 =	vld [tilespmem:s29+$0x0];
	_ =	sdelay $0x1  }
0x159: {  	v60 =	vshll.u32 v54, $0x10;
	v61 =	vshll.u32 v55, $0x10  }
0x15a: {  	v56 =	vshll.u32 v3, $0x10;
	v3 =	vand.u32 v2, v3;
	v58 =	vshll.u32 v53, $0x10  }
0x15b: {  	v57 =	vshll.u32 v52, $0x10;
	v5 =	vand.u32 v2, v53;
	v9 =	vadd.f32 v58, v56  }
0x15c: {  	v4 =	vand.u32 v2, v52;
	v59 =	vshll.u32 v6, $0x10;
	v3 =	vadd.f32 v5, v3  }
0x15d: {  	v6 =	vand.u32 v2, v6;
	v10 =	vadd.f32 v59, v57;
	v9 =	vadd.f32 v60, v9  }
0x15e: {  	p1 =	sne.s32 s28, $0x2600;
	v7 =	vand.u32 v2, v54;
	v4 =	vadd.f32 v6, v4;
	v3 =	vadd.f32 v61, v3  }
.Ltmp5:
0x15f: {  	v62 =	vand.u32 v2, v55;
	v7 =	vadd.f32 v7, v10;
	v63 =	vmax.f32 v9, $0.0e+00;
	(pc) =	sbr.rel @p1 .LBB2_6-.Ltmp5, $4  }
0x160: {  	v4 =	vadd.f32 v62, v4;
	v3 =	vmax.f32 v3, $0.0e+00;
	[tilespmem:s0+$0x1AB60] =	vst v63  }
0x161: {  	[tilespmem:s0+$0x1ABA0] =	vst v3;
	v3 =	vmax.f32 v7, $0.0e+00  }
0x162: {  	[tilespmem:s0+$0x1B560] =	vst v3;
	v3 =	vmax.f32 v4, $0.0e+00  }
0x163: {  	s28 =	sadd.s32 $0x200, s28;
	s29 =	sadd.s32 $0x40, s29;
	s2 =	sadd.s32 $0x40, s2;
	[tilespmem:s0+$0x1B5A0] =	vst v3  }
0x164: {  	s0 =	smul.u32 $0x140, s18;
	_ =	sdelay $0x1  }
0x165: {  	p1 =	seq.s32 s18, $0x18;
	s28 =	sshra.s32 s0, $0x2  }
0x166: {  	s2 =	sadd.s32 @!p1 $0x2, s20;
	s0 =	sadd.s32 $0x15F90, s28  }
0x167: {  	[spmem:s3] =	stream.indirect.scatter.add.f32 [tilespmem:s25], [sflag:$0x7], $0x80, s0, s30, $0xb8;
	[tilespmem:$0x1D840] =	vst v63  }
0x168: {  	s8 =	smul.u32 @!p1 $0x28, s2  }
0x169: {  	[spmem:s4] =	stream.indirect.scatter.add.f32 [tilespmem:s23], [sflag:$0x8], $0x10, s0, s30, $0xb8;
	[tilespmem:$0x1D840] =	vst v63  }
0x16a: {  	s29 =	simm.s32 @!p1 $0x28;
	s10 =	simm.s32 @!p1 $0x16F30;
	s0 =	sadd.s32 @!p1 $0x15F90, s8  }
0x16b: {  	[tilespmem:s10], [sflag:$0x1] =	stream.indirect.gather @!p1 [hbm4b:s1+s29], $0x40, s0, s29, $0xb8;
	[tilespmem:$0x1D840] =	vst v63  }
0x16c: {  	s2 =	smul.u32 @!p1 $0x14, s2;
	s0 =	sadd.s32 @!p1 $0x16760, s8;
	s8 =	simm.s32 @!p1 $0x17930  }
0x16d: {  	[tilespmem:s8], [sflag:$0x2] =	stream.indirect.gather @!p1 [hbm4b:s16+s29], $0x40, s0, s29, $0xb8;
	[tilespmem:$0x1D840] =	vst v63  }
0x16e: {  	s0 =	sadd.s32 @!p1 s17, s2  }
0x16f: {  	s0 =	sshll.u32 @!p1 s0, $0x4  }
0x170: {  	s0 =	sand.u32 @!p1 $0x1FFFFF80, s0  }
0x171: {  	s2 =	simm.s32 @!p1 $0x0;
	s8 =	simm.s32 @!p1 $0x18330;
	s0 =	sadd.s32 @!p1 s15, s0  }
0x172: {  	[tilespmem:s8], [sflag:$0x3] =	stream.linear.gather @!p1 [hbm4b:s0+s2], $0xA00, $0x38;
	[tilespmem:$0x1D840] =	vst v63  }
0x173: {  	_ =	swait.ge [sflag:s6], $0xA00  }
0x174: {  	[sflag:s6] =	ssyncset.done $0x0  }
0x175: {  	[sflag:s6] =	ssyncadd.s32 $0xFFFFF600  }
0x176: {  	_ =	swait.ge [sflag:s7], $0xA00  }
0x177: {  	[sflag:s7] =	ssyncset.done $0x0  }
0x178: {  	[sflag:s7] =	ssyncadd.s32 $0xFFFFF600  }
0x179: {  	_ =	swait.ge [sflag:s26], $0xA00  }
0x17a: {  	[sflag:s26] =	ssyncset.done $0x0  }
0x17b: {  	s0 =	simm.s32 @!p0 $0x9;
	[sflag:s26] =	ssyncadd.s32 $0xFFFFF600  }
0x17c: {  	_ =	swait.ge @!p0 [sflag:s0], $0x1400  }
0x17d: {  	[sflag:s0] =	ssyncset.done @!p0 $0x0  }
0x17e: {  	[sflag:s0] =	ssyncadd.s32 @!p0 $0xFFFFEC00;
	s0 =	simm.s32 @!p0 $0xA  }
0x17f: {  	_ =	swait.ge @!p0 [sflag:s0], $0x280  }
0x180: {  	s29 =	simm.s32 $0x0;
	[sflag:s0] =	ssyncset.done @!p0 $0x0  }
0x181: {  	s2 =	simm.s32 $0x19C60;
	[sflag:s0] =	ssyncadd.s32 @!p0 $0xFFFFFD80;
	s0 =	simm.s32 $0x19260  }
.LBB2_8:
0x182: {  	v3 =	vld [tilespmem:s0+$0xFFFFFAD0]  }
0x183: {  	v4 =	vld [tilespmem:s0+$0xFFFFFFD0]  }
0x184: {  	v5 =	vld [tilespmem:s2+$0xFFFFFAD0]  }
0x185: {  	v6 =	vld [tilespmem:s2+$0xFFFFFFD0];
	s8 =	sshra.s32 s29, $0x2  }
0x186: {  	v7 =	vld [tilespmem:s8+$0x1A130]  }
0x187: {  	v8 =	vld [tilespmem:s8+$0x1A170]  }
0x188: {  	v9 =	vshll.u32 v3, $0x10;
	v3 =	vand.u32 v2, v3  }
0x189: {  	v10 =	vshll.u32 v4, $0x10;
	v4 =	vand.u32 v2, v4;
	v11 =	vshll.u32 v5, $0x10  }
0x18a: {  	v5 =	vand.u32 v2, v5;
	v12 =	vshll.u32 v6, $0x10;
	v9 =	vadd.f32 v11, v9  }
0x18b: {  	v6 =	vand.u32 v2, v6;
	v24 =	vshll.u32 v7, $0x10;
	v3 =	vadd.f32 v5, v3  }
0x18c: {  	v25 =	vshll.u32 v8, $0x10;
	v10 =	vadd.f32 v12, v10;
	v9 =	vadd.f32 v24, v9  }
0x18d: {  	v7 =	vand.u32 v2, v7;
	v4 =	vadd.f32 v6, v4;
	v3 =	vadd.f32 v25, v3  }
0x18e: {  	v26 =	vand.u32 v2, v8;
	v7 =	vadd.f32 v7, v10;
	v27 =	vmax.f32 v9, $0.0e+00  }
0x18f: {  	v4 =	vadd.f32 v26, v4;
	v3 =	vmax.f32 v3, $0.0e+00;
	[tilespmem:s8+$0x1BF30] =	vst v27  }
0x190: {  	[tilespmem:s8+$0x1BF70] =	vst v3;
	v3 =	vmax.f32 v7, $0.0e+00  }
0x191: {  	v30 =	vld [tilespmem:s8+$0x1A140];
	[tilespmem:s8+$0x1C930] =	vst v3;
	v3 =	vmax.f32 v4, $0.0e+00  }
0x192: {  	v31 =	vld [tilespmem:s8+$0x1A180];
	[tilespmem:s8+$0x1C970] =	vst v3  }
0x193: {  	v3 =	vld [tilespmem:s0+$0xFFFFFAE0]  }
0x194: {  	v29 =	vld [tilespmem:s2+$0xFFFFFAE0]  }
0x195: {  	v28 =	vld [tilespmem:s0+$0xFFFFFFE0]  }
0x196: {  	v6 =	vld [tilespmem:s2+$0xFFFFFFE0];
	_ =	sdelay $0x1  }
0x197: {  	v36 =	vshll.u32 v30, $0x10;
	v37 =	vshll.u32 v31, $0x10  }
0x198: {  	v32 =	vshll.u32 v3, $0x10;
	v3 =	vand.u32 v2, v3;
	v34 =	vshll.u32 v29, $0x10  }
0x199: {  	v33 =	vshll.u32 v28, $0x10;
	v5 =	vand.u32 v2, v29;
	v9 =	vadd.f32 v34, v32  }
0x19a: {  	v4 =	vand.u32 v2, v28;
	v35 =	vshll.u32 v6, $0x10;
	v3 =	vadd.f32 v5, v3  }
0x19b: {  	v6 =	vand.u32 v2, v6;
	v10 =	vadd.f32 v35, v33;
	v9 =	vadd.f32 v36, v9  }
0x19c: {  	v7 =	vand.u32 v2, v30;
	v4 =	vadd.f32 v6, v4;
	v3 =	vadd.f32 v37, v3  }
0x19d: {  	v38 =	vand.u32 v2, v31;
	v7 =	vadd.f32 v7, v10;
	v39 =	vmax.f32 v9, $0.0e+00  }
0x19e: {  	v4 =	vadd.f32 v38, v4;
	v3 =	vmax.f32 v3, $0.0e+00;
	[tilespmem:s8+$0x1BF40] =	vst v39  }
0x19f: {  	[tilespmem:s8+$0x1BF80] =	vst v3;
	v3 =	vmax.f32 v7, $0.0e+00  }
0x1a0: {  	v42 =	vld [tilespmem:s8+$0x1A150];
	[tilespmem:s8+$0x1C940] =	vst v3;
	v3 =	vmax.f32 v4, $0.0e+00  }
0x1a1: {  	v43 =	vld [tilespmem:s8+$0x1A190];
	[tilespmem:s8+$0x1C980] =	vst v3  }
0x1a2: {  	v3 =	vld [tilespmem:s0+$0xFFFFFAF0]  }
0x1a3: {  	v41 =	vld [tilespmem:s2+$0xFFFFFAF0]  }
0x1a4: {  	v40 =	vld [tilespmem:s0+$0xFFFFFFF0]  }
0x1a5: {  	v6 =	vld [tilespmem:s2+$0xFFFFFFF0];
	_ =	sdelay $0x1  }
0x1a6: {  	v48 =	vshll.u32 v42, $0x10;
	v49 =	vshll.u32 v43, $0x10  }
0x1a7: {  	v44 =	vshll.u32 v3, $0x10;
	v3 =	vand.u32 v2, v3;
	v46 =	vshll.u32 v41, $0x10  }
0x1a8: {  	v45 =	vshll.u32 v40, $0x10;
	v5 =	vand.u32 v2, v41;
	v9 =	vadd.f32 v46, v44  }
0x1a9: {  	v4 =	vand.u32 v2, v40;
	v47 =	vshll.u32 v6, $0x10;
	v3 =	vadd.f32 v5, v3  }
0x1aa: {  	v6 =	vand.u32 v2, v6;
	v10 =	vadd.f32 v47, v45;
	v9 =	vadd.f32 v48, v9  }
0x1ab: {  	v7 =	vand.u32 v2, v42;
	v4 =	vadd.f32 v6, v4;
	v3 =	vadd.f32 v49, v3  }
0x1ac: {  	v50 =	vand.u32 v2, v43;
	v7 =	vadd.f32 v7, v10;
	v51 =	vmax.f32 v9, $0.0e+00  }
0x1ad: {  	v4 =	vadd.f32 v50, v4;
	v3 =	vmax.f32 v3, $0.0e+00;
	[tilespmem:s8+$0x1BF50] =	vst v51  }
0x1ae: {  	[tilespmem:s8+$0x1BF90] =	vst v3;
	v3 =	vmax.f32 v7, $0.0e+00  }
0x1af: {  	v54 =	vld [tilespmem:s8+$0x1A160];
	[tilespmem:s8+$0x1C950] =	vst v3;
	v3 =	vmax.f32 v4, $0.0e+00  }
0x1b0: {  	v55 =	vld [tilespmem:s8+$0x1A1A0];
	[tilespmem:s8+$0x1C990] =	vst v3  }
0x1b1: {  	v3 =	vld [tilespmem:s0+$0xFFFFFB00]  }
0x1b2: {  	v53 =	vld [tilespmem:s2+$0xFFFFFB00]  }
0x1b3: {  	v52 =	vld [tilespmem:s0+$0x0]  }
0x1b4: {  	v6 =	vld [tilespmem:s2+$0x0];
	_ =	sdelay $0x1  }
0x1b5: {  	v60 =	vshll.u32 v54, $0x10;
	v61 =	vshll.u32 v55, $0x10  }
0x1b6: {  	v56 =	vshll.u32 v3, $0x10;
	v3 =	vand.u32 v2, v3;
	v58 =	vshll.u32 v53, $0x10  }
0x1b7: {  	v57 =	vshll.u32 v52, $0x10;
	v5 =	vand.u32 v2, v53;
	v9 =	vadd.f32 v58, v56  }
0x1b8: {  	v4 =	vand.u32 v2, v52;
	v59 =	vshll.u32 v6, $0x10;
	v3 =	vadd.f32 v5, v3  }
0x1b9: {  	v6 =	vand.u32 v2, v6;
	v10 =	vadd.f32 v59, v57;
	v9 =	vadd.f32 v60, v9  }
0x1ba: {  	p0 =	sne.s32 s29, $0x2600;
	v7 =	vand.u32 v2, v54;
	v4 =	vadd.f32 v6, v4;
	v3 =	vadd.f32 v61, v3  }
.Ltmp6:
0x1bb: {  	v62 =	vand.u32 v2, v55;
	v7 =	vadd.f32 v7, v10;
	v63 =	vmax.f32 v9, $0.0e+00;
	(pc) =	sbr.rel @p0 .LBB2_8-.Ltmp6, $4  }
0x1bc: {  	v4 =	vadd.f32 v62, v4;
	v3 =	vmax.f32 v3, $0.0e+00;
	[tilespmem:s8+$0x1BF60] =	vst v63  }
0x1bd: {  	[tilespmem:s8+$0x1BFA0] =	vst v3;
	v3 =	vmax.f32 v7, $0.0e+00  }
0x1be: {  	[tilespmem:s8+$0x1C960] =	vst v3;
	v3 =	vmax.f32 v4, $0.0e+00  }
0x1bf: {  	s29 =	sadd.s32 $0x200, s29;
	s2 =	sadd.s32 $0x40, s2;
	s0 =	sadd.s32 $0x40, s0;
	[tilespmem:s8+$0x1C9A0] =	vst v3  }
.Ltmp7:
0x1c0: {  	(pc) =	sbr.rel @p1 .LBB2_11-.Ltmp7, $4  }
0x1c1: {  	s0 =	sadd.s32 $0x15FB8, s28  }
0x1c2: {  	[spmem:s3] =	stream.indirect.scatter.add.f32 [tilespmem:s31], [sflag:$0x9], $0x80, s0, s30, $0xb8;
	[tilespmem:$0x1D840] =	vst v63  }
0x1c3: {  	_ = 	snop  }
0x1c4: {  	[spmem:s4] =	stream.indirect.scatter.add.f32 [tilespmem:s23], [sflag:$0xA], $0x10, s0, s30, $0xb8;
	[tilespmem:$0x1D840] =	vst v63  }
0x1c5: {  	s0 =	sadd.s32 $0x3, s20  }
0x1c6: {  	s2 =	smul.u32 $0x28, s0  }
0x1c7: {  	s0 =	smul.u32 $0x14, s0;
	_ =	sdelay $0x1  }
0x1c8: {  	s8 =	sadd.s32 $0x15F90, s2;
	s0 =	sadd.s32 s17, s0  }
0x1c9: {  	[tilespmem:s9], [sflag:$0x4] =	stream.indirect.gather [hbm4b:s1+s30], $0x40, s8, s30, $0xb8;
	[tilespmem:$0x1D840] =	vst v63  }
.Ltmp8:
0x1ca: {  	s0 =	sshll.u32 s0, $0x4;
	(pc) =	sbr.rel .LBB2_5-.Ltmp8, $4  }
0x1cb: {  	s2 =	sadd.s32 $0x16760, s2;
	s0 =	sand.u32 $0x1FFFFFC0, s0  }
0x1cc: {  	[tilespmem:s11], [sflag:$0x5] =	stream.indirect.gather [hbm4b:s16+s30], $0x40, s2, s30, $0xb8;
	[tilespmem:$0x1D840] =	vst v63  }
0x1cd: {  	s18 =	sadd.s32 $0x1, s18;
	s0 =	sadd.s32 s15, s0  }
0x1ce: {  	[tilespmem:s13], [sflag:$0x6] =	stream.linear.gather [hbm4b:s0+s5], $0xA00, $0x38;
	[tilespmem:$0x1D840] =	vst v63  }
.LBB2_13:
0x1cf: {  	_ =	sfence.sel $0x180000  }
0x1d0: {  	[bflag:$0x0] =	sbarrier.arrive $0xFFFF  }
0x1d1: {  	_ =	strace $0x90000047  }
0x1d2: {  	s0 =	stileid.u32;
	[bflag:$0x2] =	sbarrier.arrive $0xFFFF  }
0x1d3: {  	p0 =	sne.s32 s0, $0x0;
	s0 =	rddreg [dreg:$0x4]  }
0x1d4: {  	s0 =	sadd.s32 @!p0 $0x100000, s0  }
0x1d5: {  	[sflag:s0] =	ssyncadd.tile.s32 @!p0 $0x1;
	_ =	shalt  }
.Lfunc_end2:
_tile_overlayer_lowered:
.L_overlay_start_2:
0x1d6: {  	(tag) =	ssettag $0x2  }
0x1d7: {  	s0 =	rddreg [dreg:$0x0];
	s2 =	stileid.u32  }
0x1d8: {  	s1 =	rddreg [dreg:$0x1];
	p0 =	sne.s32 s2, $0x0  }
0x1d9: {  	s3 =	rddreg [dreg:$0x2];
	[bflag:$0x3] =	sbarrier.arrive $0xFFFF;
	s2 =	simm.s32 @!p0 $0x1C0B  }
0x1da: {  	[timem:s3], [sflag:s2] =	dma.local @!p0 [hbm:s0], s1  }
0x1db: {  	s0 =	simm.s32 @!p0 $0xB  }
0x1dc: {  	_ =	swait.ge @!p0 [sflag:s0], s1  }
0x1dd: {  	s1 =	ssub.s32 @!p0 $0x0, s1;
	[sflag:s0] =	ssyncset.done @!p0 $0x0  }
0x1de: {  	[sflag:s0] =	ssyncadd.s32 @!p0 s1  }
0x1df: {  	[bflag:$0x3] =	sbarrier.arrive $0xFFFF  }
0x1e0: {  	_ =	shalt  }

</sc_bundles>
